<compile_context>
chip_gen: v7x
topology: tpu7x:2x2x1
jax: 0.10.2.dev20260603
libtpu: 0.0.44.dev20260713+nightly
codegen_flags: <defaults>
</compile_context>

<pallas_src>
import functools
import math

import jax
import jax.numpy as jnp
from jax import lax
from jax.experimental import pallas as pl
from jax.experimental.pallas import tpu as pltpu
from jax.experimental.pallas import tpu_sc as plsc

HIDDEN = 64
SCALE = math.sqrt(HIDDEN)

NC = 2
NS = 16
NW = NC * NS

NTOK = 16384
SEQ = 50
VOCAB = 1000000
HALF = VOCAB // 2
IBS = 128
NIB = NTOK // IBS
ITEMS = SEQ * NIB
IPW = ITEMS // NW

_mesh = plsc.VectorSubcoreMesh(core_axis_name="c", subcore_axis_name="s")


@functools.partial(
    pl.kernel,
    mesh=_mesh,
    out_type=jax.ShapeDtypeStruct((SEQ, HIDDEN, NTOK), jnp.float32),
    scratch_types=[
        pltpu.VMEM((2, 8, IBS), jnp.int32),
        pltpu.VMEM((2, IBS), jnp.int32),
        pltpu.VMEM((2, IBS), jnp.int32),
        pltpu.VMEM((2, IBS, 128), jnp.float32),
        pltpu.VMEM((2, HIDDEN, IBS), jnp.float32),
        pltpu.SemaphoreType.DMA,
        pltpu.SemaphoreType.DMA,
        pltpu.SemaphoreType.DMA,
    ],
    compiler_params=pltpu.CompilerParams(
        use_tc_tiling_on_sc=True, needs_layout_passes=False
    ),
)
def _emb_lookup(
    xT_hbm, tp_hbm, out_hbm, idx_v, pidx_v, par_v, rows_v, outt_v,
    isem, gsem, ssem,
):
    wid = lax.axis_index("s") * NC + lax.axis_index("c")
    iota16 = lax.iota(jnp.int32, 16)
    diag = [(iota16 + k) & 15 for k in range(16)]
    base0 = wid * IPW

    def coords(m):
        item = base0 + m
        j = item // NIB
        ib = item - j * NIB
        return j, ib

    def idx_copy(m):
        j, ib = coords(m)
        return pltpu.make_async_copy(
            xT_hbm.at[pl.ds((j // 8) * 8, 8), pl.ds(ib * IBS, IBS)],
            idx_v.at[m & 1],
            isem,
        )

    def gather_copy(m):
        return pltpu.make_async_copy(
            tp_hbm.at[pidx_v.at[m & 1]], rows_v.at[m & 1], gsem
        )

    def store_copy(m):
        j, ib = coords(m)
        return pltpu.make_async_copy(
            outt_v.at[m & 1], out_hbm.at[j, :, pl.ds(ib * IBS, IBS)], ssem
        )

    def prep(m):
        buf = m & 1
        j, _ = coords(m)
        jr = j - (j // 8) * 8

        def pidx_body(k, _):
            sl = pl.ds(k * 16, 16)
            iv = idx_v[buf, jr, sl]
            pidx_v[buf, sl] = lax.shift_right_logical(iv, 1)
            par_v[buf, sl] = (iv & 1) * HIDDEN
            return 0

        lax.fori_loop(0, IBS // 16, pidx_body, 0)
        gather_copy(m).start()

    idx_copy(0).start()
    idx_copy(0).wait()
    prep(0)
    idx_copy(1).start()

    def item_body(n, _):
        buf = n & 1

        @pl.when(n + 1 < IPW)
        def _prep_next():
            idx_copy(n + 1).wait()
            prep(n + 1)

        @pl.when(n + 2 < IPW)
        def _stage_next2():
            idx_copy(n + 2).start()

        gather_copy(n).wait()

        @pl.when(n >= 2)
        def _drain():
            store_copy(n - 2).wait()

        rows = rows_v.at[buf]
        outt = outt_v.at[buf]

        def grp_body(g, _):
            i0 = g * 16
            icol = i0 + iota16
            colbase = par_v[buf, pl.ds(i0, 16)]
            for hblk in range(0, HIDDEN, 16):
                cbh = colbase + hblk
                for k in range(16):
                    d = diag[k]
                    v = plsc.load_gather(rows, [icol, cbh + d])
                    plsc.store_scatter(outt, [hblk + d, icol], v * SCALE)
            return 0

        lax.fori_loop(0, IBS // 16, grp_body, 0)

        store_copy(n).start()
        return 0

    lax.fori_loop(0, IPW, item_body, 0)

    store_copy(IPW - 2).wait()
    store_copy(IPW - 1).wait()


def kernel(x, table):
    assert x.shape == (NTOK, SEQ) and table.shape == (VOCAB, HIDDEN)
    xT = x.astype(jnp.int32).T
    tp = table.reshape(HALF, 2 * HIDDEN)
    out3 = _emb_lookup(xT, tp)
    return jnp.transpose(out3, (2, 0, 1))

# --- scband reference (transcript-rebuilt; emitter-appended) ---
"""Pipeline reference for scband-transformer-embedding-22874995818915 (READ-ONLY COPY).

The authoritative reference and input builder live on the scoring server;
editing this copy changes nothing except your own understanding.
"""

import jax, jax.numpy as jnp
import numpy as np
import math

HIDDEN_SIZE = 64
VOCAB_SIZE = 1000000

def setup_inputs(seed: int = 0) -> dict:
    key = jax.random.key(seed)
    k1, k2 = jax.random.split(key)
    x = jax.random.randint(k1, (16384, 50), 0, VOCAB_SIZE, dtype=jnp.int64 if jax.config.jax_enable_x64 else jnp.int32)
    table = jax.random.normal(k2, (VOCAB_SIZE, HIDDEN_SIZE), dtype=jnp.float32)
    return {"x": x, "table": table}

def reference(x, table):
    # TransformerEmbedding.forward: embedding(x) * sqrt(hidden_size)
    emb = jnp.take(table, x, axis=0)
    return emb * math.sqrt(HIDDEN_SIZE)

if __name__ == "__main__":
    import jax
    _d = setup_inputs()
    print(jax.jit(kernel)(*tuple(_d.values())))

</pallas_src>

<mosaic_0001>
#map = affine_map<(d0, d1) -> (0, 0)>
#map1 = affine_map<(d0, d1) -> (0, 0, 0)>
module attributes {stable_mosaic.version = 14 : i64} {
  func.func @_emb_lookup(%arg0: i32, %arg1: i32, %arg2: memref<50x16384xi32, #tpu.memory_space<hbm>>, %arg3: memref<500000x128xf32, #tpu.memory_space<hbm>>, %arg4: memref<50x64x16384xf32, #tpu.memory_space<hbm>>, %arg5: memref<2x8x128xi32, #tpu.memory_space<vmem>>, %arg6: memref<2x128xi32, #tpu.memory_space<vmem>>, %arg7: memref<2x128xi32, #tpu.memory_space<vmem>>, %arg8: memref<2x128x128xf32, #tpu.memory_space<vmem>>, %arg9: memref<2x64x128xf32, #tpu.memory_space<vmem>>, %arg10: memref<!tpu.dma_semaphore, #tpu.memory_space<semaphore_mem>>, %arg11: memref<!tpu.dma_semaphore, #tpu.memory_space<semaphore_mem>>, %arg12: memref<!tpu.dma_semaphore, #tpu.memory_space<semaphore_mem>>) attributes {dimension_semantics = [#tpu.dimension_semantics<core_parallel>, #tpu.dimension_semantics<subcore_parallel>], iteration_bounds = array<i64: 2, 16>, scalar_prefetch = 0 : i64, scratch_operands = 8 : i64, tpu.core_type = #tpu.core_type<sc_vector_subcore>, window_params = [{transform_indices = #map}, {transform_indices = #map}, {transform_indices = #map1}]} {
    %mul3A = arith.constant 2 : i32
    %mul3A_0 = arith.muli %arg1, %mul3A : i32
    %add3A = arith.addi %mul3A_0, %arg0 : i32
    %iota3A = tpu.iota {dimensions = array<i32: 0>} : vector<16xi32>
    %add3A_1 = arith.constant 0 : i32
    %add3A_2 = vector.broadcast %add3A_1 : i32 to vector<16xi32>
    %add3A_3 = arith.addi %iota3A, %add3A_2 : vector<16xi32>
    %and3A = arith.constant 15 : i32
    %and3A_4 = vector.broadcast %and3A : i32 to vector<16xi32>
    %and3A_5 = arith.andi %add3A_3, %and3A_4 : vector<16xi32>
    %add3A_6 = arith.constant 1 : i32
    %add3A_7 = vector.broadcast %add3A_6 : i32 to vector<16xi32>
    %add3A_8 = arith.addi %iota3A, %add3A_7 : vector<16xi32>
    %and3A_9 = arith.constant 15 : i32
    %and3A_10 = vector.broadcast %and3A_9 : i32 to vector<16xi32>
    %and3A_11 = arith.andi %add3A_8, %and3A_10 : vector<16xi32>
    %add3A_12 = arith.constant 2 : i32
    %add3A_13 = vector.broadcast %add3A_12 : i32 to vector<16xi32>
    %add3A_14 = arith.addi %iota3A, %add3A_13 : vector<16xi32>
    %and3A_15 = arith.constant 15 : i32
    %and3A_16 = vector.broadcast %and3A_15 : i32 to vector<16xi32>
    %and3A_17 = arith.andi %add3A_14, %and3A_16 : vector<16xi32>
    %add3A_18 = arith.constant 3 : i32
    %add3A_19 = vector.broadcast %add3A_18 : i32 to vector<16xi32>
    %add3A_20 = arith.addi %iota3A, %add3A_19 : vector<16xi32>
    %and3A_21 = arith.constant 15 : i32
    %and3A_22 = vector.broadcast %and3A_21 : i32 to vector<16xi32>
    %and3A_23 = arith.andi %add3A_20, %and3A_22 : vector<16xi32>
    %add3A_24 = arith.constant 4 : i32
    %add3A_25 = vector.broadcast %add3A_24 : i32 to vector<16xi32>
    %add3A_26 = arith.addi %iota3A, %add3A_25 : vector<16xi32>
    %and3A_27 = arith.constant 15 : i32
    %and3A_28 = vector.broadcast %and3A_27 : i32 to vector<16xi32>
    %and3A_29 = arith.andi %add3A_26, %and3A_28 : vector<16xi32>
    %add3A_30 = arith.constant 5 : i32
    %add3A_31 = vector.broadcast %add3A_30 : i32 to vector<16xi32>
    %add3A_32 = arith.addi %iota3A, %add3A_31 : vector<16xi32>
    %and3A_33 = arith.constant 15 : i32
    %and3A_34 = vector.broadcast %and3A_33 : i32 to vector<16xi32>
    %and3A_35 = arith.andi %add3A_32, %and3A_34 : vector<16xi32>
    %add3A_36 = arith.constant 6 : i32
    %add3A_37 = vector.broadcast %add3A_36 : i32 to vector<16xi32>
    %add3A_38 = arith.addi %iota3A, %add3A_37 : vector<16xi32>
    %and3A_39 = arith.constant 15 : i32
    %and3A_40 = vector.broadcast %and3A_39 : i32 to vector<16xi32>
    %and3A_41 = arith.andi %add3A_38, %and3A_40 : vector<16xi32>
    %add3A_42 = arith.constant 7 : i32
    %add3A_43 = vector.broadcast %add3A_42 : i32 to vector<16xi32>
    %add3A_44 = arith.addi %iota3A, %add3A_43 : vector<16xi32>
    %and3A_45 = arith.constant 15 : i32
    %and3A_46 = vector.broadcast %and3A_45 : i32 to vector<16xi32>
    %and3A_47 = arith.andi %add3A_44, %and3A_46 : vector<16xi32>
    %add3A_48 = arith.constant 8 : i32
    %add3A_49 = vector.broadcast %add3A_48 : i32 to vector<16xi32>
    %add3A_50 = arith.addi %iota3A, %add3A_49 : vector<16xi32>
    %and3A_51 = arith.constant 15 : i32
    %and3A_52 = vector.broadcast %and3A_51 : i32 to vector<16xi32>
    %and3A_53 = arith.andi %add3A_50, %and3A_52 : vector<16xi32>
    %add3A_54 = arith.constant 9 : i32
    %add3A_55 = vector.broadcast %add3A_54 : i32 to vector<16xi32>
    %add3A_56 = arith.addi %iota3A, %add3A_55 : vector<16xi32>
    %and3A_57 = arith.constant 15 : i32
    %and3A_58 = vector.broadcast %and3A_57 : i32 to vector<16xi32>
    %and3A_59 = arith.andi %add3A_56, %and3A_58 : vector<16xi32>
    %add3A_60 = arith.constant 10 : i32
    %add3A_61 = vector.broadcast %add3A_60 : i32 to vector<16xi32>
    %add3A_62 = arith.addi %iota3A, %add3A_61 : vector<16xi32>
    %and3A_63 = arith.constant 15 : i32
    %and3A_64 = vector.broadcast %and3A_63 : i32 to vector<16xi32>
    %and3A_65 = arith.andi %add3A_62, %and3A_64 : vector<16xi32>
    %add3A_66 = arith.constant 11 : i32
    %add3A_67 = vector.broadcast %add3A_66 : i32 to vector<16xi32>
    %add3A_68 = arith.addi %iota3A, %add3A_67 : vector<16xi32>
    %and3A_69 = arith.constant 15 : i32
    %and3A_70 = vector.broadcast %and3A_69 : i32 to vector<16xi32>
    %and3A_71 = arith.andi %add3A_68, %and3A_70 : vector<16xi32>
    %add3A_72 = arith.constant 12 : i32
    %add3A_73 = vector.broadcast %add3A_72 : i32 to vector<16xi32>
    %add3A_74 = arith.addi %iota3A, %add3A_73 : vector<16xi32>
    %and3A_75 = arith.constant 15 : i32
    %and3A_76 = vector.broadcast %and3A_75 : i32 to vector<16xi32>
    %and3A_77 = arith.andi %add3A_74, %and3A_76 : vector<16xi32>
    %add3A_78 = arith.constant 13 : i32
    %add3A_79 = vector.broadcast %add3A_78 : i32 to vector<16xi32>
    %add3A_80 = arith.addi %iota3A, %add3A_79 : vector<16xi32>
    %and3A_81 = arith.constant 15 : i32
    %and3A_82 = vector.broadcast %and3A_81 : i32 to vector<16xi32>
    %and3A_83 = arith.andi %add3A_80, %and3A_82 : vector<16xi32>
    %add3A_84 = arith.constant 14 : i32
    %add3A_85 = vector.broadcast %add3A_84 : i32 to vector<16xi32>
    %add3A_86 = arith.addi %iota3A, %add3A_85 : vector<16xi32>
    %and3A_87 = arith.constant 15 : i32
    %and3A_88 = vector.broadcast %and3A_87 : i32 to vector<16xi32>
    %and3A_89 = arith.andi %add3A_86, %and3A_88 : vector<16xi32>
    %add3A_90 = arith.constant 15 : i32
    %add3A_91 = vector.broadcast %add3A_90 : i32 to vector<16xi32>
    %add3A_92 = arith.addi %iota3A, %add3A_91 : vector<16xi32>
    %and3A_93 = arith.constant 15 : i32
    %and3A_94 = vector.broadcast %and3A_93 : i32 to vector<16xi32>
    %and3A_95 = arith.andi %add3A_92, %and3A_94 : vector<16xi32>
    %mul3A_96 = arith.constant 200 : i32
    %mul3A_97 = arith.muli %add3A, %mul3A_96 : i32
    %add3A_98 = arith.constant 0 : i32
    %add3A_99 = arith.addi %mul3A_97, %add3A_98 : i32
    %jit3A = arith.constant 128 : i32
    %div3A = arith.divsi %add3A_99, %jit3A : i32
    %sign3A = arith.constant 0 : i32
    %sign3A_100 = arith.cmpi sgt, %add3A_99, %sign3A : i32
    %sign3A_101 = arith.extui %sign3A_100 : i1 to i32
    %sign3A_102 = arith.constant 0 : i32
    %sign3A_103 = arith.cmpi slt, %add3A_99, %sign3A_102 : i32
    %sign3A_104 = arith.extui %sign3A_103 : i1 to i32
    %sign3A_105 = arith.subi %sign3A_101, %sign3A_104 : i32
    %sign3A_106 = arith.constant 0 : i32
    %sign3A_107 = arith.cmpi sgt, %jit3A, %sign3A_106 : i32
    %sign3A_108 = arith.extui %sign3A_107 : i1 to i32
    %sign3A_109 = arith.constant 0 : i32
    %sign3A_110 = arith.cmpi slt, %jit3A, %sign3A_109 : i32
    %sign3A_111 = arith.extui %sign3A_110 : i1 to i32
    %sign3A_112 = arith.subi %sign3A_108, %sign3A_111 : i32
    %ne3A = arith.cmpi ne, %sign3A_105, %sign3A_112 : i32
    %rem3A = arith.remsi %add3A_99, %jit3A : i32
    %ne3A_113 = arith.constant 0 : i32
    %ne3A_114 = arith.cmpi ne, %rem3A, %ne3A_113 : i32
    %and3A_115 = arith.andi %ne3A, %ne3A_114 : i1
    %sub3A = arith.constant 1 : i32
    %sub3A_116 = arith.subi %div3A, %sub3A : i32
    %select_n3A = arith.select %and3A_115, %sub3A_116, %div3A : i32
    %mul3A_117 = arith.constant 128 : i32
    %mul3A_118 = arith.muli %select_n3A, %mul3A_117 : i32
    %sub3A_119 = arith.subi %add3A_99, %mul3A_118 : i32
    %jit3A_120 = arith.constant 8 : i32
    %div3A_121 = arith.divsi %select_n3A, %jit3A_120 : i32
    %sign3A_122 = arith.constant 0 : i32
    %sign3A_123 = arith.cmpi sgt, %select_n3A, %sign3A_122 : i32
    %sign3A_124 = arith.extui %sign3A_123 : i1 to i32
    %sign3A_125 = arith.constant 0 : i32
    %sign3A_126 = arith.cmpi slt, %select_n3A, %sign3A_125 : i32
    %sign3A_127 = arith.extui %sign3A_126 : i1 to i32
    %sign3A_128 = arith.subi %sign3A_124, %sign3A_127 : i32
    %sign3A_129 = arith.constant 0 : i32
    %sign3A_130 = arith.cmpi sgt, %jit3A_120, %sign3A_129 : i32
    %sign3A_131 = arith.extui %sign3A_130 : i1 to i32
    %sign3A_132 = arith.constant 0 : i32
    %sign3A_133 = arith.cmpi slt, %jit3A_120, %sign3A_132 : i32
    %sign3A_134 = arith.extui %sign3A_133 : i1 to i32
    %sign3A_135 = arith.subi %sign3A_131, %sign3A_134 : i32
    %ne3A_136 = arith.cmpi ne, %sign3A_128, %sign3A_135 : i32
    %rem3A_137 = arith.remsi %select_n3A, %jit3A_120 : i32
    %ne3A_138 = arith.constant 0 : i32
    %ne3A_139 = arith.cmpi ne, %rem3A_137, %ne3A_138 : i32
    %and3A_140 = arith.andi %ne3A_136, %ne3A_139 : i1
    %sub3A_141 = arith.constant 1 : i32
    %sub3A_142 = arith.subi %div3A_121, %sub3A_141 : i32
    %select_n3A_143 = arith.select %and3A_140, %sub3A_142, %div3A_121 : i32
    %mul3A_144 = arith.constant 8 : i32
    %mul3A_145 = arith.muli %select_n3A_143, %mul3A_144 : i32
    %mul3A_146 = arith.constant 128 : i32
    %mul3A_147 = arith.muli %sub3A_119, %mul3A_146 : i32
    %dma_start3A = arith.constant 0 : i32
    %dma_start3A_148 = arith.constant 0 : i32
    %dma_start3A_149 = arith.constant 0 : i32
    %dma_start3A_150 = tpu.memref_slice %arg5[%dma_start3A, %dma_start3A_148, %dma_start3A_149] : memref<2x8x128xi32, #tpu.memory_space<vmem>> -> memref<1x8x128xi32, #tpu.memory_space<vmem>>
    %dma_start3A_151 = tpu.memref_squeeze %dma_start3A_150 : memref<1x8x128xi32, #tpu.memory_space<vmem>> -> memref<8x128xi32, #tpu.memory_space<vmem>>
    %dma_start3A_152 = tpu.memref_slice %arg2[%mul3A_145, %mul3A_147] : memref<50x16384xi32, #tpu.memory_space<hbm>> -> memref<8x128xi32, #tpu.memory_space<hbm>>
    %dma_start3A_153 = arith.constant 0 : i32
    %dma_start3A_154 = arith.constant 0 : i32
    %dma_start3A_155 = tpu.memref_slice %arg5[%dma_start3A, %dma_start3A_153, %dma_start3A_154] : memref<2x8x128xi32, #tpu.memory_space<vmem>> -> memref<1x8x128xi32, #tpu.memory_space<vmem>>
    %dma_start3A_156 = tpu.memref_squeeze %dma_start3A_155 : memref<1x8x128xi32, #tpu.memory_space<vmem>> -> memref<8x128xi32, #tpu.memory_space<vmem>>
    %dma_start3A_157 = tpu.memref_slice %arg2[%mul3A_145, %mul3A_147] : memref<50x16384xi32, #tpu.memory_space<hbm>> -> memref<8x128xi32, #tpu.memory_space<hbm>>
    tpu.enqueue_dma source(%dma_start3A_157 : memref<8x128xi32, #tpu.memory_space<hbm>>) target(%dma_start3A_156 : memref<8x128xi32, #tpu.memory_space<vmem>>) target_semaphore(%arg10 : memref<!tpu.dma_semaphore, #tpu.memory_space<semaphore_mem>>)
    %add3A_158 = arith.constant 0 : i32
    %add3A_159 = arith.addi %mul3A_97, %add3A_158 : i32
    %jit3A_160 = arith.constant 128 : i32
    %div3A_161 = arith.divsi %add3A_159, %jit3A_160 : i32
    %sign3A_162 = arith.constant 0 : i32
    %sign3A_163 = arith.cmpi sgt, %add3A_159, %sign3A_162 : i32
    %sign3A_164 = arith.extui %sign3A_163 : i1 to i32
    %sign3A_165 = arith.constant 0 : i32
    %sign3A_166 = arith.cmpi slt, %add3A_159, %sign3A_165 : i32
    %sign3A_167 = arith.extui %sign3A_166 : i1 to i32
    %sign3A_168 = arith.subi %sign3A_164, %sign3A_167 : i32
    %sign3A_169 = arith.constant 0 : i32
    %sign3A_170 = arith.cmpi sgt, %jit3A_160, %sign3A_169 : i32
    %sign3A_171 = arith.extui %sign3A_170 : i1 to i32
    %sign3A_172 = arith.constant 0 : i32
    %sign3A_173 = arith.cmpi slt, %jit3A_160, %sign3A_172 : i32
    %sign3A_174 = arith.extui %sign3A_173 : i1 to i32
    %sign3A_175 = arith.subi %sign3A_171, %sign3A_174 : i32
    %ne3A_176 = arith.cmpi ne, %sign3A_168, %sign3A_175 : i32
    %rem3A_177 = arith.remsi %add3A_159, %jit3A_160 : i32
    %ne3A_178 = arith.constant 0 : i32
    %ne3A_179 = arith.cmpi ne, %rem3A_177, %ne3A_178 : i32
    %and3A_180 = arith.andi %ne3A_176, %ne3A_179 : i1
    %sub3A_181 = arith.constant 1 : i32
    %sub3A_182 = arith.subi %div3A_161, %sub3A_181 : i32
    %select_n3A_183 = arith.select %and3A_180, %sub3A_182, %div3A_161 : i32
    %mul3A_184 = arith.constant 128 : i32
    %mul3A_185 = arith.muli %select_n3A_183, %mul3A_184 : i32
    %sub3A_186 = arith.subi %add3A_159, %mul3A_185 : i32
    %jit3A_187 = arith.constant 8 : i32
    %div3A_188 = arith.divsi %select_n3A_183, %jit3A_187 : i32
    %sign3A_189 = arith.constant 0 : i32
    %sign3A_190 = arith.cmpi sgt, %select_n3A_183, %sign3A_189 : i32
    %sign3A_191 = arith.extui %sign3A_190 : i1 to i32
    %sign3A_192 = arith.constant 0 : i32
    %sign3A_193 = arith.cmpi slt, %select_n3A_183, %sign3A_192 : i32
    %sign3A_194 = arith.extui %sign3A_193 : i1 to i32
    %sign3A_195 = arith.subi %sign3A_191, %sign3A_194 : i32
    %sign3A_196 = arith.constant 0 : i32
    %sign3A_197 = arith.cmpi sgt, %jit3A_187, %sign3A_196 : i32
    %sign3A_198 = arith.extui %sign3A_197 : i1 to i32
    %sign3A_199 = arith.constant 0 : i32
    %sign3A_200 = arith.cmpi slt, %jit3A_187, %sign3A_199 : i32
    %sign3A_201 = arith.extui %sign3A_200 : i1 to i32
    %sign3A_202 = arith.subi %sign3A_198, %sign3A_201 : i32
    %ne3A_203 = arith.cmpi ne, %sign3A_195, %sign3A_202 : i32
    %rem3A_204 = arith.remsi %select_n3A_183, %jit3A_187 : i32
    %ne3A_205 = arith.constant 0 : i32
    %ne3A_206 = arith.cmpi ne, %rem3A_204, %ne3A_205 : i32
    %and3A_207 = arith.andi %ne3A_203, %ne3A_206 : i1
    %sub3A_208 = arith.constant 1 : i32
    %sub3A_209 = arith.subi %div3A_188, %sub3A_208 : i32
    %select_n3A_210 = arith.select %and3A_207, %sub3A_209, %div3A_188 : i32
    %mul3A_211 = arith.constant 8 : i32
    %mul3A_212 = arith.muli %select_n3A_210, %mul3A_211 : i32
    %mul3A_213 = arith.constant 128 : i32
    %mul3A_214 = arith.muli %sub3A_186, %mul3A_213 : i32
    %dma_wait3A = arith.constant 0 : i32
    %dma_wait3A_215 = arith.constant 0 : i32
    %dma_wait3A_216 = arith.constant 0 : i32
    %dma_wait3A_217 = tpu.memref_slice %arg5[%dma_wait3A, %dma_wait3A_215, %dma_wait3A_216] : memref<2x8x128xi32, #tpu.memory_space<vmem>> -> memref<1x8x128xi32, #tpu.memory_space<vmem>>
    %dma_wait3A_218 = tpu.memref_squeeze %dma_wait3A_217 : memref<1x8x128xi32, #tpu.memory_space<vmem>> -> memref<8x128xi32, #tpu.memory_space<vmem>>
    %dma_wait3A_219 = tpu.memref_slice %arg2[%mul3A_212, %mul3A_214] : memref<50x16384xi32, #tpu.memory_space<hbm>> -> memref<8x128xi32, #tpu.memory_space<hbm>>
    %dma_wait3A_220 = arith.constant 0 : i32
    %dma_wait3A_221 = arith.constant 0 : i32
    %dma_wait3A_222 = tpu.memref_slice %arg5[%dma_wait3A, %dma_wait3A_220, %dma_wait3A_221] : memref<2x8x128xi32, #tpu.memory_space<vmem>> -> memref<1x8x128xi32, #tpu.memory_space<vmem>>
    %dma_wait3A_223 = tpu.memref_squeeze %dma_wait3A_222 : memref<1x8x128xi32, #tpu.memory_space<vmem>> -> memref<8x128xi32, #tpu.memory_space<vmem>>
    %dma_wait3A_224 = tpu.memref_slice %arg2[%mul3A_212, %mul3A_214] : memref<50x16384xi32, #tpu.memory_space<hbm>> -> memref<8x128xi32, #tpu.memory_space<hbm>>
    tpu.wait_dma2 semaphore(%arg10 : memref<!tpu.dma_semaphore, #tpu.memory_space<semaphore_mem>>) src(%dma_wait3A_224 : memref<8x128xi32, #tpu.memory_space<hbm>>) dst(%dma_wait3A_223 : memref<8x128xi32, #tpu.memory_space<vmem>>)
    %add3A_225 = arith.constant 0 : i32
    %add3A_226 = arith.addi %mul3A_97, %add3A_225 : i32
    %jit3A_227 = arith.constant 128 : i32
    %div3A_228 = arith.divsi %add3A_226, %jit3A_227 : i32
    %sign3A_229 = arith.constant 0 : i32
    %sign3A_230 = arith.cmpi sgt, %add3A_226, %sign3A_229 : i32
    %sign3A_231 = arith.extui %sign3A_230 : i1 to i32
    %sign3A_232 = arith.constant 0 : i32
    %sign3A_233 = arith.cmpi slt, %add3A_226, %sign3A_232 : i32
    %sign3A_234 = arith.extui %sign3A_233 : i1 to i32
    %sign3A_235 = arith.subi %sign3A_231, %sign3A_234 : i32
    %sign3A_236 = arith.constant 0 : i32
    %sign3A_237 = arith.cmpi sgt, %jit3A_227, %sign3A_236 : i32
    %sign3A_238 = arith.extui %sign3A_237 : i1 to i32
    %sign3A_239 = arith.constant 0 : i32
    %sign3A_240 = arith.cmpi slt, %jit3A_227, %sign3A_239 : i32
    %sign3A_241 = arith.extui %sign3A_240 : i1 to i32
    %sign3A_242 = arith.subi %sign3A_238, %sign3A_241 : i32
    %ne3A_243 = arith.cmpi ne, %sign3A_235, %sign3A_242 : i32
    %rem3A_244 = arith.remsi %add3A_226, %jit3A_227 : i32
    %ne3A_245 = arith.constant 0 : i32
    %ne3A_246 = arith.cmpi ne, %rem3A_244, %ne3A_245 : i32
    %and3A_247 = arith.andi %ne3A_243, %ne3A_246 : i1
    %sub3A_248 = arith.constant 1 : i32
    %sub3A_249 = arith.subi %div3A_228, %sub3A_248 : i32
    %select_n3A_250 = arith.select %and3A_247, %sub3A_249, %div3A_228 : i32
    %mul3A_251 = arith.constant 128 : i32
    %mul3A_252 = arith.muli %select_n3A_250, %mul3A_251 : i32
    %sub3A_253 = arith.subi %add3A_226, %mul3A_252 : i32
    %jit3A_254 = arith.constant 8 : i32
    %div3A_255 = arith.divsi %select_n3A_250, %jit3A_254 : i32
    %sign3A_256 = arith.constant 0 : i32
    %sign3A_257 = arith.cmpi sgt, %select_n3A_250, %sign3A_256 : i32
    %sign3A_258 = arith.extui %sign3A_257 : i1 to i32
    %sign3A_259 = arith.constant 0 : i32
    %sign3A_260 = arith.cmpi slt, %select_n3A_250, %sign3A_259 : i32
    %sign3A_261 = arith.extui %sign3A_260 : i1 to i32
    %sign3A_262 = arith.subi %sign3A_258, %sign3A_261 : i32
    %sign3A_263 = arith.constant 0 : i32
    %sign3A_264 = arith.cmpi sgt, %jit3A_254, %sign3A_263 : i32
    %sign3A_265 = arith.extui %sign3A_264 : i1 to i32
    %sign3A_266 = arith.constant 0 : i32
    %sign3A_267 = arith.cmpi slt, %jit3A_254, %sign3A_266 : i32
    %sign3A_268 = arith.extui %sign3A_267 : i1 to i32
    %sign3A_269 = arith.subi %sign3A_265, %sign3A_268 : i32
    %ne3A_270 = arith.cmpi ne, %sign3A_262, %sign3A_269 : i32
    %rem3A_271 = arith.remsi %select_n3A_250, %jit3A_254 : i32
    %ne3A_272 = arith.constant 0 : i32
    %ne3A_273 = arith.cmpi ne, %rem3A_271, %ne3A_272 : i32
    %and3A_274 = arith.andi %ne3A_270, %ne3A_273 : i1
    %sub3A_275 = arith.constant 1 : i32
    %sub3A_276 = arith.subi %div3A_255, %sub3A_275 : i32
    %select_n3A_277 = arith.select %and3A_274, %sub3A_276, %div3A_255 : i32
    %mul3A_278 = arith.constant 8 : i32
    %mul3A_279 = arith.muli %select_n3A_277, %mul3A_278 : i32
    %sub3A_280 = arith.subi %select_n3A_250, %mul3A_279 : i32
    %scan3A = arith.constant 0 : i32
    %scan3A_281 = arith.constant 0 : i32
    %scan3A_282 = arith.constant 8 : i32
    %scan3A_283 = arith.addi %scan3A_281, %scan3A_282 : i32
    %scan3A_284 = arith.constant 1 : i32
    %scan3A_285 = scf.for %scan3A_466 = %scan3A_281 to %scan3A_283 step %scan3A_284 iter_args(%scan3A_467 = %scan3A) -> (i32)  : i32 {
      %mul3A_468 = arith.constant 16 : i32
      %mul3A_469 = arith.muli %scan3A_466, %mul3A_468 : i32
      %get3A = arith.constant 0 : i32
      %get3A_470 = arith.index_cast %get3A : i32 to index
      %get3A_471 = arith.index_cast %sub3A_280 : i32 to index
      %get3A_472 = arith.index_cast %mul3A_469 : i32 to index
      %get3A_473 = tpu.vector_load %arg5[%get3A_470, %get3A_471, %get3A_472] {strides = array<i32>} : memref<2x8x128xi32, #tpu.memory_space<vmem>>, vector<16xi32>,
      %shift_right_logical3A = arith.constant 1 : i32
      %shift_right_logical3A_474 = vector.broadcast %shift_right_logical3A : i32 to vector<16xi32>
      %shift_right_logical3A_475 = arith.shrui %get3A_473, %shift_right_logical3A_474 : vector<16xi32>
      %swap3A = arith.constant 0 : i32
      %swap3A_476 = arith.index_cast %swap3A : i32 to index
      %swap3A_477 = arith.index_cast %mul3A_469 : i32 to index
      %swap3A_478 = tpu.vector_load %arg6[%swap3A_476, %swap3A_477] {strides = array<i32>} : memref<2x128xi32, #tpu.memory_space<vmem>>, vector<16xi32>,
      tpu.vector_store %arg6[%swap3A_476, %swap3A_477], %shift_right_logical3A_475 {strides = array<i32>} : memref<2x128xi32, #tpu.memory_space<vmem>>, vector<16xi32>,
      %and3A_479 = arith.constant 1 : i32
      %and3A_480 = vector.broadcast %and3A_479 : i32 to vector<16xi32>
      %and3A_481 = arith.andi %get3A_473, %and3A_480 : vector<16xi32>
      %mul3A_482 = arith.constant 64 : i32
      %mul3A_483 = vector.broadcast %mul3A_482 : i32 to vector<16xi32>
      %mul3A_484 = arith.muli %and3A_481, %mul3A_483 : vector<16xi32>
      %swap3A_485 = arith.constant 0 : i32
      %swap3A_486 = arith.index_cast %swap3A_485 : i32 to index
      %swap3A_487 = arith.index_cast %mul3A_469 : i32 to index
      %swap3A_488 = tpu.vector_load %arg7[%swap3A_486, %swap3A_487] {strides = array<i32>} : memref<2x128xi32, #tpu.memory_space<vmem>>, vector<16xi32>,
      tpu.vector_store %arg7[%swap3A_486, %swap3A_487], %mul3A_484 {strides = array<i32>} : memref<2x128xi32, #tpu.memory_space<vmem>>, vector<16xi32>,
      %scan3A_489 = arith.constant 0 : i32
      scf.yield %scan3A_489 : i32
    }
    %scan3A_286 = arith.constant 8 : i32
    %dma_start3A_287 = arith.constant 0 : i32
    %dma_start3A_288 = arith.constant 0 : i32
    %dma_start3A_289 = arith.constant 0 : i32
    %dma_start3A_290 = arith.constant 0 : i32
    %dma_start3A_291 = tpu.memref_slice %arg8[%dma_start3A_288, %dma_start3A_289, %dma_start3A_290] : memref<2x128x128xf32, #tpu.memory_space<vmem>> -> memref<1x128x128xf32, #tpu.memory_space<vmem>>
    %dma_start3A_292 = tpu.memref_squeeze %dma_start3A_291 : memref<1x128x128xf32, #tpu.memory_space<vmem>> -> memref<128x128xf32, #tpu.memory_space<vmem>>
    %dma_start3A_293 = arith.constant 0 : i32
    %dma_start3A_294 = tpu.memref_slice %arg6[%dma_start3A_287, %dma_start3A_293] : memref<2x128xi32, #tpu.memory_space<vmem>> -> memref<1x128xi32, #tpu.memory_space<vmem>>
    %dma_start3A_295 = tpu.memref_squeeze %dma_start3A_294 : memref<1x128xi32, #tpu.memory_space<vmem>> -> memref<128xi32, #tpu.memory_space<vmem>>
    %dma_start3A_296 = arith.constant 0 : i32
    %dma_start3A_297 = arith.constant 0 : i32
    %dma_start3A_298 = tpu.memref_slice %arg3[%dma_start3A_296, %dma_start3A_297] : memref<500000x128xf32, #tpu.memory_space<hbm>> -> memref<500000x128xf32, #tpu.memory_space<hbm>>
    tpu.enqueue_indirect_dma source(%dma_start3A_298 : memref<500000x128xf32, #tpu.memory_space<hbm>>) target(%dma_start3A_292 : memref<128x128xf32, #tpu.memory_space<vmem>>) offsets(%dma_start3A_295 : memref<128xi32, #tpu.memory_space<vmem>>) semaphore(%arg11 : memref<!tpu.dma_semaphore, #tpu.memory_space<semaphore_mem>>)
    %add3A_299 = arith.constant 1 : i32
    %add3A_300 = arith.addi %mul3A_97, %add3A_299 : i32
    %jit3A_301 = arith.constant 128 : i32
    %div3A_302 = arith.divsi %add3A_300, %jit3A_301 : i32
    %sign3A_303 = arith.constant 0 : i32
    %sign3A_304 = arith.cmpi sgt, %add3A_300, %sign3A_303 : i32
    %sign3A_305 = arith.extui %sign3A_304 : i1 to i32
    %sign3A_306 = arith.constant 0 : i32
    %sign3A_307 = arith.cmpi slt, %add3A_300, %sign3A_306 : i32
    %sign3A_308 = arith.extui %sign3A_307 : i1 to i32
    %sign3A_309 = arith.subi %sign3A_305, %sign3A_308 : i32
    %sign3A_310 = arith.constant 0 : i32
    %sign3A_311 = arith.cmpi sgt, %jit3A_301, %sign3A_310 : i32
    %sign3A_312 = arith.extui %sign3A_311 : i1 to i32
    %sign3A_313 = arith.constant 0 : i32
    %sign3A_314 = arith.cmpi slt, %jit3A_301, %sign3A_313 : i32
    %sign3A_315 = arith.extui %sign3A_314 : i1 to i32
    %sign3A_316 = arith.subi %sign3A_312, %sign3A_315 : i32
    %ne3A_317 = arith.cmpi ne, %sign3A_309, %sign3A_316 : i32
    %rem3A_318 = arith.remsi %add3A_300, %jit3A_301 : i32
    %ne3A_319 = arith.constant 0 : i32
    %ne3A_320 = arith.cmpi ne, %rem3A_318, %ne3A_319 : i32
    %and3A_321 = arith.andi %ne3A_317, %ne3A_320 : i1
    %sub3A_322 = arith.constant 1 : i32
    %sub3A_323 = arith.subi %div3A_302, %sub3A_322 : i32
    %select_n3A_324 = arith.select %and3A_321, %sub3A_323, %div3A_302 : i32
    %mul3A_325 = arith.constant 128 : i32
    %mul3A_326 = arith.muli %select_n3A_324, %mul3A_325 : i32
    %sub3A_327 = arith.subi %add3A_300, %mul3A_326 : i32
    %jit3A_328 = arith.constant 8 : i32
    %div3A_329 = arith.divsi %select_n3A_324, %jit3A_328 : i32
    %sign3A_330 = arith.constant 0 : i32
    %sign3A_331 = arith.cmpi sgt, %select_n3A_324, %sign3A_330 : i32
    %sign3A_332 = arith.extui %sign3A_331 : i1 to i32
    %sign3A_333 = arith.constant 0 : i32
    %sign3A_334 = arith.cmpi slt, %select_n3A_324, %sign3A_333 : i32
    %sign3A_335 = arith.extui %sign3A_334 : i1 to i32
    %sign3A_336 = arith.subi %sign3A_332, %sign3A_335 : i32
    %sign3A_337 = arith.constant 0 : i32
    %sign3A_338 = arith.cmpi sgt, %jit3A_328, %sign3A_337 : i32
    %sign3A_339 = arith.extui %sign3A_338 : i1 to i32
    %sign3A_340 = arith.constant 0 : i32
    %sign3A_341 = arith.cmpi slt, %jit3A_328, %sign3A_340 : i32
    %sign3A_342 = arith.extui %sign3A_341 : i1 to i32
    %sign3A_343 = arith.subi %sign3A_339, %sign3A_342 : i32
    %ne3A_344 = arith.cmpi ne, %sign3A_336, %sign3A_343 : i32
    %rem3A_345 = arith.remsi %select_n3A_324, %jit3A_328 : i32
    %ne3A_346 = arith.constant 0 : i32
    %ne3A_347 = arith.cmpi ne, %rem3A_345, %ne3A_346 : i32
    %and3A_348 = arith.andi %ne3A_344, %ne3A_347 : i1
    %sub3A_349 = arith.constant 1 : i32
    %sub3A_350 = arith.subi %div3A_329, %sub3A_349 : i32
    %select_n3A_351 = arith.select %and3A_348, %sub3A_350, %div3A_329 : i32
    %mul3A_352 = arith.constant 8 : i32
    %mul3A_353 = arith.muli %select_n3A_351, %mul3A_352 : i32
    %mul3A_354 = arith.constant 128 : i32
    %mul3A_355 = arith.muli %sub3A_327, %mul3A_354 : i32
    %dma_start3A_356 = arith.constant 1 : i32
    %dma_start3A_357 = arith.constant 0 : i32
    %dma_start3A_358 = arith.constant 0 : i32
    %dma_start3A_359 = tpu.memref_slice %arg5[%dma_start3A_356, %dma_start3A_357, %dma_start3A_358] : memref<2x8x128xi32, #tpu.memory_space<vmem>> -> memref<1x8x128xi32, #tpu.memory_space<vmem>>
    %dma_start3A_360 = tpu.memref_squeeze %dma_start3A_359 : memref<1x8x128xi32, #tpu.memory_space<vmem>> -> memref<8x128xi32, #tpu.memory_space<vmem>>
    %dma_start3A_361 = tpu.memref_slice %arg2[%mul3A_353, %mul3A_355] : memref<50x16384xi32, #tpu.memory_space<hbm>> -> memref<8x128xi32, #tpu.memory_space<hbm>>
    %dma_start3A_362 = arith.constant 0 : i32
    %dma_start3A_363 = arith.constant 0 : i32
    %dma_start3A_364 = tpu.memref_slice %arg5[%dma_start3A_356, %dma_start3A_362, %dma_start3A_363] : memref<2x8x128xi32, #tpu.memory_space<vmem>> -> memref<1x8x128xi32, #tpu.memory_space<vmem>>
    %dma_start3A_365 = tpu.memref_squeeze %dma_start3A_364 : memref<1x8x128xi32, #tpu.memory_space<vmem>> -> memref<8x128xi32, #tpu.memory_space<vmem>>
    %dma_start3A_366 = tpu.memref_slice %arg2[%mul3A_353, %mul3A_355] : memref<50x16384xi32, #tpu.memory_space<hbm>> -> memref<8x128xi32, #tpu.memory_space<hbm>>
    tpu.enqueue_dma source(%dma_start3A_366 : memref<8x128xi32, #tpu.memory_space<hbm>>) target(%dma_start3A_365 : memref<8x128xi32, #tpu.memory_space<vmem>>) target_semaphore(%arg10 : memref<!tpu.dma_semaphore, #tpu.memory_space<semaphore_mem>>)
    %scan3A_367 = arith.constant 0 : i32
    %scan3A_368 = arith.constant 0 : i32
    %scan3A_369 = arith.constant 200 : i32
    %scan3A_370 = arith.addi %scan3A_368, %scan3A_369 : i32
    %scan3A_371 = arith.constant 1 : i32
    %scan3A_372 = scf.for %scan3A_466 = %scan3A_368 to %scan3A_370 step %scan3A_371 iter_args(%scan3A_467 = %scan3A_367) -> (i32)  : i32 {
      %and3A_468 = arith.constant 1 : i32
      %and3A_469 = arith.andi %scan3A_466, %and3A_468 : i32
      %add3A_470 = arith.constant 1 : i32
      %add3A_471 = arith.addi %scan3A_466, %add3A_470 : i32
      %lt3A = arith.constant 200 : i32
      %lt3A_472 = arith.cmpi slt, %add3A_471, %lt3A : i32
      %convert_element_type3A = arith.extui %lt3A_472 : i1 to i32
      %cond3A = arith.constant 0 : i32
      %cond3A_473 = arith.cmpi ne, %convert_element_type3A, %cond3A : i32
      scf.if %cond3A_473 {
        %add3A_553 = arith.constant 1 : i32
        %add3A_554 = arith.addi %scan3A_466, %add3A_553 : i32
        %add3A_555 = arith.addi %mul3A_97, %add3A_554 : i32
        %jit3A_556 = arith.constant 128 : i32
        %div3A_557 = arith.divsi %add3A_555, %jit3A_556 : i32
        %sign3A_558 = arith.constant 0 : i32
        %sign3A_559 = arith.cmpi sgt, %add3A_555, %sign3A_558 : i32
        %sign3A_560 = arith.extui %sign3A_559 : i1 to i32
        %sign3A_561 = arith.constant 0 : i32
        %sign3A_562 = arith.cmpi slt, %add3A_555, %sign3A_561 : i32
        %sign3A_563 = arith.extui %sign3A_562 : i1 to i32
        %sign3A_564 = arith.subi %sign3A_560, %sign3A_563 : i32
        %sign3A_565 = arith.constant 0 : i32
        %sign3A_566 = arith.cmpi sgt, %jit3A_556, %sign3A_565 : i32
        %sign3A_567 = arith.extui %sign3A_566 : i1 to i32
        %sign3A_568 = arith.constant 0 : i32
        %sign3A_569 = arith.cmpi slt, %jit3A_556, %sign3A_568 : i32
        %sign3A_570 = arith.extui %sign3A_569 : i1 to i32
        %sign3A_571 = arith.subi %sign3A_567, %sign3A_570 : i32
        %ne3A_572 = arith.cmpi ne, %sign3A_564, %sign3A_571 : i32
        %rem3A_573 = arith.remsi %add3A_555, %jit3A_556 : i32
        %ne3A_574 = arith.constant 0 : i32
        %ne3A_575 = arith.cmpi ne, %rem3A_573, %ne3A_574 : i32
        %and3A_576 = arith.andi %ne3A_572, %ne3A_575 : i1
        %sub3A_577 = arith.constant 1 : i32
        %sub3A_578 = arith.subi %div3A_557, %sub3A_577 : i32
        %select_n3A_579 = arith.select %and3A_576, %sub3A_578, %div3A_557 : i32
        %mul3A_580 = arith.constant 128 : i32
        %mul3A_581 = arith.muli %select_n3A_579, %mul3A_580 : i32
        %sub3A_582 = arith.subi %add3A_555, %mul3A_581 : i32
        %jit3A_583 = arith.constant 8 : i32
        %div3A_584 = arith.divsi %select_n3A_579, %jit3A_583 : i32
        %sign3A_585 = arith.constant 0 : i32
        %sign3A_586 = arith.cmpi sgt, %select_n3A_579, %sign3A_585 : i32
        %sign3A_587 = arith.extui %sign3A_586 : i1 to i32
        %sign3A_588 = arith.constant 0 : i32
        %sign3A_589 = arith.cmpi slt, %select_n3A_579, %sign3A_588 : i32
        %sign3A_590 = arith.extui %sign3A_589 : i1 to i32
        %sign3A_591 = arith.subi %sign3A_587, %sign3A_590 : i32
        %sign3A_592 = arith.constant 0 : i32
        %sign3A_593 = arith.cmpi sgt, %jit3A_583, %sign3A_592 : i32
        %sign3A_594 = arith.extui %sign3A_593 : i1 to i32
        %sign3A_595 = arith.constant 0 : i32
        %sign3A_596 = arith.cmpi slt, %jit3A_583, %sign3A_595 : i32
        %sign3A_597 = arith.extui %sign3A_596 : i1 to i32
        %sign3A_598 = arith.subi %sign3A_594, %sign3A_597 : i32
        %ne3A_599 = arith.cmpi ne, %sign3A_591, %sign3A_598 : i32
        %rem3A_600 = arith.remsi %select_n3A_579, %jit3A_583 : i32
        %ne3A_601 = arith.constant 0 : i32
        %ne3A_602 = arith.cmpi ne, %rem3A_600, %ne3A_601 : i32
        %and3A_603 = arith.andi %ne3A_599, %ne3A_602 : i1
        %sub3A_604 = arith.constant 1 : i32
        %sub3A_605 = arith.subi %div3A_584, %sub3A_604 : i32
        %select_n3A_606 = arith.select %and3A_603, %sub3A_605, %div3A_584 : i32
        %mul3A_607 = arith.constant 8 : i32
        %mul3A_608 = arith.muli %select_n3A_606, %mul3A_607 : i32
        %mul3A_609 = arith.constant 128 : i32
        %mul3A_610 = arith.muli %sub3A_582, %mul3A_609 : i32
        %and3A_611 = arith.constant 1 : i32
        %and3A_612 = arith.andi %add3A_554, %and3A_611 : i32
        %dma_wait3A_613 = arith.constant 0 : i32
        %dma_wait3A_614 = arith.constant 0 : i32
        %dma_wait3A_615 = tpu.memref_slice %arg5[%and3A_612, %dma_wait3A_613, %dma_wait3A_614] : memref<2x8x128xi32, #tpu.memory_space<vmem>> -> memref<1x8x128xi32, #tpu.memory_space<vmem>>
        %dma_wait3A_616 = tpu.memref_squeeze %dma_wait3A_615 : memref<1x8x128xi32, #tpu.memory_space<vmem>> -> memref<8x128xi32, #tpu.memory_space<vmem>>
        %dma_wait3A_617 = tpu.memref_slice %arg2[%mul3A_608, %mul3A_610] : memref<50x16384xi32, #tpu.memory_space<hbm>> -> memref<8x128xi32, #tpu.memory_space<hbm>>
        %dma_wait3A_618 = arith.constant 0 : i32
        %dma_wait3A_619 = arith.constant 0 : i32
        %dma_wait3A_620 = tpu.memref_slice %arg5[%and3A_612, %dma_wait3A_618, %dma_wait3A_619] : memref<2x8x128xi32, #tpu.memory_space<vmem>> -> memref<1x8x128xi32, #tpu.memory_space<vmem>>
        %dma_wait3A_621 = tpu.memref_squeeze %dma_wait3A_620 : memref<1x8x128xi32, #tpu.memory_space<vmem>> -> memref<8x128xi32, #tpu.memory_space<vmem>>
        %dma_wait3A_622 = tpu.memref_slice %arg2[%mul3A_608, %mul3A_610] : memref<50x16384xi32, #tpu.memory_space<hbm>> -> memref<8x128xi32, #tpu.memory_space<hbm>>
        tpu.wait_dma2 semaphore(%arg10 : memref<!tpu.dma_semaphore, #tpu.memory_space<semaphore_mem>>) src(%dma_wait3A_622 : memref<8x128xi32, #tpu.memory_space<hbm>>) dst(%dma_wait3A_621 : memref<8x128xi32, #tpu.memory_space<vmem>>)
        %add3A_623 = arith.constant 1 : i32
        %add3A_624 = arith.addi %scan3A_466, %add3A_623 : i32
        %and3A_625 = arith.constant 1 : i32
        %and3A_626 = arith.andi %add3A_624, %and3A_625 : i32
        %add3A_627 = arith.addi %mul3A_97, %add3A_624 : i32
        %jit3A_628 = arith.constant 128 : i32
        %div3A_629 = arith.divsi %add3A_627, %jit3A_628 : i32
        %sign3A_630 = arith.constant 0 : i32
        %sign3A_631 = arith.cmpi sgt, %add3A_627, %sign3A_630 : i32
        %sign3A_632 = arith.extui %sign3A_631 : i1 to i32
        %sign3A_633 = arith.constant 0 : i32
        %sign3A_634 = arith.cmpi slt, %add3A_627, %sign3A_633 : i32
        %sign3A_635 = arith.extui %sign3A_634 : i1 to i32
        %sign3A_636 = arith.subi %sign3A_632, %sign3A_635 : i32
        %sign3A_637 = arith.constant 0 : i32
        %sign3A_638 = arith.cmpi sgt, %jit3A_628, %sign3A_637 : i32
        %sign3A_639 = arith.extui %sign3A_638 : i1 to i32
        %sign3A_640 = arith.constant 0 : i32
        %sign3A_641 = arith.cmpi slt, %jit3A_628, %sign3A_640 : i32
        %sign3A_642 = arith.extui %sign3A_641 : i1 to i32
        %sign3A_643 = arith.subi %sign3A_639, %sign3A_642 : i32
        %ne3A_644 = arith.cmpi ne, %sign3A_636, %sign3A_643 : i32
        %rem3A_645 = arith.remsi %add3A_627, %jit3A_628 : i32
        %ne3A_646 = arith.constant 0 : i32
        %ne3A_647 = arith.cmpi ne, %rem3A_645, %ne3A_646 : i32
        %and3A_648 = arith.andi %ne3A_644, %ne3A_647 : i1
        %sub3A_649 = arith.constant 1 : i32
        %sub3A_650 = arith.subi %div3A_629, %sub3A_649 : i32
        %select_n3A_651 = arith.select %and3A_648, %sub3A_650, %div3A_629 : i32
        %mul3A_652 = arith.constant 128 : i32
        %mul3A_653 = arith.muli %select_n3A_651, %mul3A_652 : i32
        %sub3A_654 = arith.subi %add3A_627, %mul3A_653 : i32
        %jit3A_655 = arith.constant 8 : i32
        %div3A_656 = arith.divsi %select_n3A_651, %jit3A_655 : i32
        %sign3A_657 = arith.constant 0 : i32
        %sign3A_658 = arith.cmpi sgt, %select_n3A_651, %sign3A_657 : i32
        %sign3A_659 = arith.extui %sign3A_658 : i1 to i32
        %sign3A_660 = arith.constant 0 : i32
        %sign3A_661 = arith.cmpi slt, %select_n3A_651, %sign3A_660 : i32
        %sign3A_662 = arith.extui %sign3A_661 : i1 to i32
        %sign3A_663 = arith.subi %sign3A_659, %sign3A_662 : i32
        %sign3A_664 = arith.constant 0 : i32
        %sign3A_665 = arith.cmpi sgt, %jit3A_655, %sign3A_664 : i32
        %sign3A_666 = arith.extui %sign3A_665 : i1 to i32
        %sign3A_667 = arith.constant 0 : i32
        %sign3A_668 = arith.cmpi slt, %jit3A_655, %sign3A_667 : i32
        %sign3A_669 = arith.extui %sign3A_668 : i1 to i32
        %sign3A_670 = arith.subi %sign3A_666, %sign3A_669 : i32
        %ne3A_671 = arith.cmpi ne, %sign3A_663, %sign3A_670 : i32
        %rem3A_672 = arith.remsi %select_n3A_651, %jit3A_655 : i32
        %ne3A_673 = arith.constant 0 : i32
        %ne3A_674 = arith.cmpi ne, %rem3A_672, %ne3A_673 : i32
        %and3A_675 = arith.andi %ne3A_671, %ne3A_674 : i1
        %sub3A_676 = arith.constant 1 : i32
        %sub3A_677 = arith.subi %div3A_656, %sub3A_676 : i32
        %select_n3A_678 = arith.select %and3A_675, %sub3A_677, %div3A_656 : i32
        %mul3A_679 = arith.constant 8 : i32
        %mul3A_680 = arith.muli %select_n3A_678, %mul3A_679 : i32
        %sub3A_681 = arith.subi %select_n3A_651, %mul3A_680 : i32
        %scan3A_682 = arith.constant 0 : i32
        %scan3A_683 = arith.constant 0 : i32
        %scan3A_684 = arith.constant 8 : i32
        %scan3A_685 = arith.addi %scan3A_683, %scan3A_684 : i32
        %scan3A_686 = arith.constant 1 : i32
        %scan3A_687 = scf.for %scan3A_703 = %scan3A_683 to %scan3A_685 step %scan3A_686 iter_args(%scan3A_704 = %scan3A_682) -> (i32)  : i32 {
          %mul3A_705 = arith.constant 16 : i32
          %mul3A_706 = arith.muli %scan3A_703, %mul3A_705 : i32
          %get3A = arith.index_cast %and3A_626 : i32 to index
          %get3A_707 = arith.index_cast %sub3A_681 : i32 to index
          %get3A_708 = arith.index_cast %mul3A_706 : i32 to index
          %get3A_709 = tpu.vector_load %arg5[%get3A, %get3A_707, %get3A_708] {strides = array<i32>} : memref<2x8x128xi32, #tpu.memory_space<vmem>>, vector<16xi32>,
          %shift_right_logical3A = arith.constant 1 : i32
          %shift_right_logical3A_710 = vector.broadcast %shift_right_logical3A : i32 to vector<16xi32>
          %shift_right_logical3A_711 = arith.shrui %get3A_709, %shift_right_logical3A_710 : vector<16xi32>
          %swap3A = arith.index_cast %and3A_626 : i32 to index
          %swap3A_712 = arith.index_cast %mul3A_706 : i32 to index
          %swap3A_713 = tpu.vector_load %arg6[%swap3A, %swap3A_712] {strides = array<i32>} : memref<2x128xi32, #tpu.memory_space<vmem>>, vector<16xi32>,
          tpu.vector_store %arg6[%swap3A, %swap3A_712], %shift_right_logical3A_711 {strides = array<i32>} : memref<2x128xi32, #tpu.memory_space<vmem>>, vector<16xi32>,
          %and3A_714 = arith.constant 1 : i32
          %and3A_715 = vector.broadcast %and3A_714 : i32 to vector<16xi32>
          %and3A_716 = arith.andi %get3A_709, %and3A_715 : vector<16xi32>
          %mul3A_717 = arith.constant 64 : i32
          %mul3A_718 = vector.broadcast %mul3A_717 : i32 to vector<16xi32>
          %mul3A_719 = arith.muli %and3A_716, %mul3A_718 : vector<16xi32>
          %swap3A_720 = arith.index_cast %and3A_626 : i32 to index
          %swap3A_721 = arith.index_cast %mul3A_706 : i32 to index
          %swap3A_722 = tpu.vector_load %arg7[%swap3A_720, %swap3A_721] {strides = array<i32>} : memref<2x128xi32, #tpu.memory_space<vmem>>, vector<16xi32>,
          tpu.vector_store %arg7[%swap3A_720, %swap3A_721], %mul3A_719 {strides = array<i32>} : memref<2x128xi32, #tpu.memory_space<vmem>>, vector<16xi32>,
          %scan3A_723 = arith.constant 0 : i32
          scf.yield %scan3A_723 : i32
        }
        %scan3A_688 = arith.constant 8 : i32
        %and3A_689 = arith.constant 1 : i32
        %and3A_690 = arith.andi %add3A_624, %and3A_689 : i32
        %and3A_691 = arith.constant 1 : i32
        %and3A_692 = arith.andi %add3A_624, %and3A_691 : i32
        %dma_start3A_693 = arith.constant 0 : i32
        %dma_start3A_694 = arith.constant 0 : i32
        %dma_start3A_695 = tpu.memref_slice %arg8[%and3A_692, %dma_start3A_693, %dma_start3A_694] : memref<2x128x128xf32, #tpu.memory_space<vmem>> -> memref<1x128x128xf32, #tpu.memory_space<vmem>>
        %dma_start3A_696 = tpu.memref_squeeze %dma_start3A_695 : memref<1x128x128xf32, #tpu.memory_space<vmem>> -> memref<128x128xf32, #tpu.memory_space<vmem>>
        %dma_start3A_697 = arith.constant 0 : i32
        %dma_start3A_698 = tpu.memref_slice %arg6[%and3A_690, %dma_start3A_697] : memref<2x128xi32, #tpu.memory_space<vmem>> -> memref<1x128xi32, #tpu.memory_space<vmem>>
        %dma_start3A_699 = tpu.memref_squeeze %dma_start3A_698 : memref<1x128xi32, #tpu.memory_space<vmem>> -> memref<128xi32, #tpu.memory_space<vmem>>
        %dma_start3A_700 = arith.constant 0 : i32
        %dma_start3A_701 = arith.constant 0 : i32
        %dma_start3A_702 = tpu.memref_slice %arg3[%dma_start3A_700, %dma_start3A_701] : memref<500000x128xf32, #tpu.memory_space<hbm>> -> memref<500000x128xf32, #tpu.memory_space<hbm>>
        tpu.enqueue_indirect_dma source(%dma_start3A_702 : memref<500000x128xf32, #tpu.memory_space<hbm>>) target(%dma_start3A_696 : memref<128x128xf32, #tpu.memory_space<vmem>>) offsets(%dma_start3A_699 : memref<128xi32, #tpu.memory_space<vmem>>) semaphore(%arg11 : memref<!tpu.dma_semaphore, #tpu.memory_space<semaphore_mem>>)
      } else {
      }
      %add3A_474 = arith.constant 2 : i32
      %add3A_475 = arith.addi %scan3A_466, %add3A_474 : i32
      %lt3A_476 = arith.constant 200 : i32
      %lt3A_477 = arith.cmpi slt, %add3A_475, %lt3A_476 : i32
      %convert_element_type3A_478 = arith.extui %lt3A_477 : i1 to i32
      %cond3A_479 = arith.constant 0 : i32
      %cond3A_480 = arith.cmpi ne, %convert_element_type3A_478, %cond3A_479 : i32
      scf.if %cond3A_480 {
        %add3A_553 = arith.constant 2 : i32
        %add3A_554 = arith.addi %scan3A_466, %add3A_553 : i32
        %add3A_555 = arith.addi %mul3A_97, %add3A_554 : i32
        %jit3A_556 = arith.constant 128 : i32
        %div3A_557 = arith.divsi %add3A_555, %jit3A_556 : i32
        %sign3A_558 = arith.constant 0 : i32
        %sign3A_559 = arith.cmpi sgt, %add3A_555, %sign3A_558 : i32
        %sign3A_560 = arith.extui %sign3A_559 : i1 to i32
        %sign3A_561 = arith.constant 0 : i32
        %sign3A_562 = arith.cmpi slt, %add3A_555, %sign3A_561 : i32
        %sign3A_563 = arith.extui %sign3A_562 : i1 to i32
        %sign3A_564 = arith.subi %sign3A_560, %sign3A_563 : i32
        %sign3A_565 = arith.constant 0 : i32
        %sign3A_566 = arith.cmpi sgt, %jit3A_556, %sign3A_565 : i32
        %sign3A_567 = arith.extui %sign3A_566 : i1 to i32
        %sign3A_568 = arith.constant 0 : i32
        %sign3A_569 = arith.cmpi slt, %jit3A_556, %sign3A_568 : i32
        %sign3A_570 = arith.extui %sign3A_569 : i1 to i32
        %sign3A_571 = arith.subi %sign3A_567, %sign3A_570 : i32
        %ne3A_572 = arith.cmpi ne, %sign3A_564, %sign3A_571 : i32
        %rem3A_573 = arith.remsi %add3A_555, %jit3A_556 : i32
        %ne3A_574 = arith.constant 0 : i32
        %ne3A_575 = arith.cmpi ne, %rem3A_573, %ne3A_574 : i32
        %and3A_576 = arith.andi %ne3A_572, %ne3A_575 : i1
        %sub3A_577 = arith.constant 1 : i32
        %sub3A_578 = arith.subi %div3A_557, %sub3A_577 : i32
        %select_n3A_579 = arith.select %and3A_576, %sub3A_578, %div3A_557 : i32
        %mul3A_580 = arith.constant 128 : i32
        %mul3A_581 = arith.muli %select_n3A_579, %mul3A_580 : i32
        %sub3A_582 = arith.subi %add3A_555, %mul3A_581 : i32
        %jit3A_583 = arith.constant 8 : i32
        %div3A_584 = arith.divsi %select_n3A_579, %jit3A_583 : i32
        %sign3A_585 = arith.constant 0 : i32
        %sign3A_586 = arith.cmpi sgt, %select_n3A_579, %sign3A_585 : i32
        %sign3A_587 = arith.extui %sign3A_586 : i1 to i32
        %sign3A_588 = arith.constant 0 : i32
        %sign3A_589 = arith.cmpi slt, %select_n3A_579, %sign3A_588 : i32
        %sign3A_590 = arith.extui %sign3A_589 : i1 to i32
        %sign3A_591 = arith.subi %sign3A_587, %sign3A_590 : i32
        %sign3A_592 = arith.constant 0 : i32
        %sign3A_593 = arith.cmpi sgt, %jit3A_583, %sign3A_592 : i32
        %sign3A_594 = arith.extui %sign3A_593 : i1 to i32
        %sign3A_595 = arith.constant 0 : i32
        %sign3A_596 = arith.cmpi slt, %jit3A_583, %sign3A_595 : i32
        %sign3A_597 = arith.extui %sign3A_596 : i1 to i32
        %sign3A_598 = arith.subi %sign3A_594, %sign3A_597 : i32
        %ne3A_599 = arith.cmpi ne, %sign3A_591, %sign3A_598 : i32
        %rem3A_600 = arith.remsi %select_n3A_579, %jit3A_583 : i32
        %ne3A_601 = arith.constant 0 : i32
        %ne3A_602 = arith.cmpi ne, %rem3A_600, %ne3A_601 : i32
        %and3A_603 = arith.andi %ne3A_599, %ne3A_602 : i1
        %sub3A_604 = arith.constant 1 : i32
        %sub3A_605 = arith.subi %div3A_584, %sub3A_604 : i32
        %select_n3A_606 = arith.select %and3A_603, %sub3A_605, %div3A_584 : i32
        %mul3A_607 = arith.constant 8 : i32
        %mul3A_608 = arith.muli %select_n3A_606, %mul3A_607 : i32
        %mul3A_609 = arith.constant 128 : i32
        %mul3A_610 = arith.muli %sub3A_582, %mul3A_609 : i32
        %and3A_611 = arith.constant 1 : i32
        %and3A_612 = arith.andi %add3A_554, %and3A_611 : i32
        %dma_start3A_613 = arith.constant 0 : i32
        %dma_start3A_614 = arith.constant 0 : i32
        %dma_start3A_615 = tpu.memref_slice %arg5[%and3A_612, %dma_start3A_613, %dma_start3A_614] : memref<2x8x128xi32, #tpu.memory_space<vmem>> -> memref<1x8x128xi32, #tpu.memory_space<vmem>>
        %dma_start3A_616 = tpu.memref_squeeze %dma_start3A_615 : memref<1x8x128xi32, #tpu.memory_space<vmem>> -> memref<8x128xi32, #tpu.memory_space<vmem>>
        %dma_start3A_617 = tpu.memref_slice %arg2[%mul3A_608, %mul3A_610] : memref<50x16384xi32, #tpu.memory_space<hbm>> -> memref<8x128xi32, #tpu.memory_space<hbm>>
        %dma_start3A_618 = arith.constant 0 : i32
        %dma_start3A_619 = arith.constant 0 : i32
        %dma_start3A_620 = tpu.memref_slice %arg5[%and3A_612, %dma_start3A_618, %dma_start3A_619] : memref<2x8x128xi32, #tpu.memory_space<vmem>> -> memref<1x8x128xi32, #tpu.memory_space<vmem>>
        %dma_start3A_621 = tpu.memref_squeeze %dma_start3A_620 : memref<1x8x128xi32, #tpu.memory_space<vmem>> -> memref<8x128xi32, #tpu.memory_space<vmem>>
        %dma_start3A_622 = tpu.memref_slice %arg2[%mul3A_608, %mul3A_610] : memref<50x16384xi32, #tpu.memory_space<hbm>> -> memref<8x128xi32, #tpu.memory_space<hbm>>
        tpu.enqueue_dma source(%dma_start3A_622 : memref<8x128xi32, #tpu.memory_space<hbm>>) target(%dma_start3A_621 : memref<8x128xi32, #tpu.memory_space<vmem>>) target_semaphore(%arg10 : memref<!tpu.dma_semaphore, #tpu.memory_space<semaphore_mem>>)
      } else {
      }
      %and3A_481 = arith.constant 1 : i32
      %and3A_482 = arith.andi %scan3A_466, %and3A_481 : i32
      %and3A_483 = arith.constant 1 : i32
      %and3A_484 = arith.andi %scan3A_466, %and3A_483 : i32
      %dma_wait3A_485 = arith.constant 0 : i32
      %dma_wait3A_486 = arith.constant 0 : i32
      %dma_wait3A_487 = tpu.memref_slice %arg8[%and3A_484, %dma_wait3A_485, %dma_wait3A_486] : memref<2x128x128xf32, #tpu.memory_space<vmem>> -> memref<1x128x128xf32, #tpu.memory_space<vmem>>
      %dma_wait3A_488 = tpu.memref_squeeze %dma_wait3A_487 : memref<1x128x128xf32, #tpu.memory_space<vmem>> -> memref<128x128xf32, #tpu.memory_space<vmem>>
      %dma_wait3A_489 = arith.constant 0 : i32
      %dma_wait3A_490 = tpu.memref_slice %arg6[%and3A_482, %dma_wait3A_489] : memref<2x128xi32, #tpu.memory_space<vmem>> -> memref<1x128xi32, #tpu.memory_space<vmem>>
      %dma_wait3A_491 = tpu.memref_squeeze %dma_wait3A_490 : memref<1x128xi32, #tpu.memory_space<vmem>> -> memref<128xi32, #tpu.memory_space<vmem>>
      %dma_wait3A_492 = arith.constant 0 : i32
      %dma_wait3A_493 = arith.constant 0 : i32
      %dma_wait3A_494 = tpu.memref_slice %arg3[%dma_wait3A_492, %dma_wait3A_493] : memref<500000x128xf32, #tpu.memory_space<hbm>> -> memref<500000x128xf32, #tpu.memory_space<hbm>>
      tpu.wait_indirect_dma semaphore(%arg11 : memref<!tpu.dma_semaphore, #tpu.memory_space<semaphore_mem>>) src(%dma_wait3A_494 : memref<500000x128xf32, #tpu.memory_space<hbm>>) dst(%dma_wait3A_488 : memref<128x128xf32, #tpu.memory_space<vmem>>)
      %ge3A = arith.constant 2 : i32
      %ge3A_495 = arith.cmpi sge, %scan3A_466, %ge3A : i32
      %convert_element_type3A_496 = arith.extui %ge3A_495 : i1 to i32
      %cond3A_497 = arith.constant 0 : i32
      %cond3A_498 = arith.cmpi ne, %convert_element_type3A_496, %cond3A_497 : i32
      scf.if %cond3A_498 {
        %sub3A_553 = arith.constant 2 : i32
        %sub3A_554 = arith.subi %scan3A_466, %sub3A_553 : i32
        %add3A_555 = arith.addi %mul3A_97, %sub3A_554 : i32
        %jit3A_556 = arith.constant 128 : i32
        %div3A_557 = arith.divsi %add3A_555, %jit3A_556 : i32
        %sign3A_558 = arith.constant 0 : i32
        %sign3A_559 = arith.cmpi sgt, %add3A_555, %sign3A_558 : i32
        %sign3A_560 = arith.extui %sign3A_559 : i1 to i32
        %sign3A_561 = arith.constant 0 : i32
        %sign3A_562 = arith.cmpi slt, %add3A_555, %sign3A_561 : i32
        %sign3A_563 = arith.extui %sign3A_562 : i1 to i32
        %sign3A_564 = arith.subi %sign3A_560, %sign3A_563 : i32
        %sign3A_565 = arith.constant 0 : i32
        %sign3A_566 = arith.cmpi sgt, %jit3A_556, %sign3A_565 : i32
        %sign3A_567 = arith.extui %sign3A_566 : i1 to i32
        %sign3A_568 = arith.constant 0 : i32
        %sign3A_569 = arith.cmpi slt, %jit3A_556, %sign3A_568 : i32
        %sign3A_570 = arith.extui %sign3A_569 : i1 to i32
        %sign3A_571 = arith.subi %sign3A_567, %sign3A_570 : i32
        %ne3A_572 = arith.cmpi ne, %sign3A_564, %sign3A_571 : i32
        %rem3A_573 = arith.remsi %add3A_555, %jit3A_556 : i32
        %ne3A_574 = arith.constant 0 : i32
        %ne3A_575 = arith.cmpi ne, %rem3A_573, %ne3A_574 : i32
        %and3A_576 = arith.andi %ne3A_572, %ne3A_575 : i1
        %sub3A_577 = arith.constant 1 : i32
        %sub3A_578 = arith.subi %div3A_557, %sub3A_577 : i32
        %select_n3A_579 = arith.select %and3A_576, %sub3A_578, %div3A_557 : i32
        %mul3A_580 = arith.constant 128 : i32
        %mul3A_581 = arith.muli %select_n3A_579, %mul3A_580 : i32
        %sub3A_582 = arith.subi %add3A_555, %mul3A_581 : i32
        %and3A_583 = arith.constant 1 : i32
        %and3A_584 = arith.andi %sub3A_554, %and3A_583 : i32
        %mul3A_585 = arith.constant 128 : i32
        %mul3A_586 = arith.muli %sub3A_582, %mul3A_585 : i32
        %dma_wait3A_587 = arith.constant 0 : i32
        %dma_wait3A_588 = arith.constant 0 : i32
        %dma_wait3A_589 = tpu.memref_slice %arg9[%and3A_584, %dma_wait3A_587, %dma_wait3A_588] : memref<2x64x128xf32, #tpu.memory_space<vmem>> -> memref<1x64x128xf32, #tpu.memory_space<vmem>>
        %dma_wait3A_590 = tpu.memref_squeeze %dma_wait3A_589 : memref<1x64x128xf32, #tpu.memory_space<vmem>> -> memref<64x128xf32, #tpu.memory_space<vmem>>
        %dma_wait3A_591 = arith.constant 0 : i32
        %dma_wait3A_592 = tpu.memref_slice %arg4[%select_n3A_579, %dma_wait3A_591, %mul3A_586] : memref<50x64x16384xf32, #tpu.memory_space<hbm>> -> memref<1x64x128xf32, #tpu.memory_space<hbm>>
        %dma_wait3A_593 = tpu.memref_squeeze %dma_wait3A_592 : memref<1x64x128xf32, #tpu.memory_space<hbm>> -> memref<64x128xf32, #tpu.memory_space<hbm>>
        %dma_wait3A_594 = arith.constant 0 : i32
        %dma_wait3A_595 = tpu.memref_slice %arg4[%select_n3A_579, %dma_wait3A_594, %mul3A_586] : memref<50x64x16384xf32, #tpu.memory_space<hbm>> -> memref<1x64x128xf32, #tpu.memory_space<hbm>>
        %dma_wait3A_596 = tpu.memref_squeeze %dma_wait3A_595 : memref<1x64x128xf32, #tpu.memory_space<hbm>> -> memref<64x128xf32, #tpu.memory_space<hbm>>
        %dma_wait3A_597 = arith.constant 0 : i32
        %dma_wait3A_598 = arith.constant 0 : i32
        %dma_wait3A_599 = tpu.memref_slice %arg9[%and3A_584, %dma_wait3A_597, %dma_wait3A_598] : memref<2x64x128xf32, #tpu.memory_space<vmem>> -> memref<1x64x128xf32, #tpu.memory_space<vmem>>
        %dma_wait3A_600 = tpu.memref_squeeze %dma_wait3A_599 : memref<1x64x128xf32, #tpu.memory_space<vmem>> -> memref<64x128xf32, #tpu.memory_space<vmem>>
        tpu.wait_dma2 semaphore(%arg12 : memref<!tpu.dma_semaphore, #tpu.memory_space<semaphore_mem>>) src(%dma_wait3A_600 : memref<64x128xf32, #tpu.memory_space<vmem>>) dst(%dma_wait3A_596 : memref<64x128xf32, #tpu.memory_space<hbm>>)
      } else {
      }
      %scan3A_499 = arith.constant 0 : i32
      %scan3A_500 = arith.constant 0 : i32
      %scan3A_501 = arith.constant 8 : i32
      %scan3A_502 = arith.addi %scan3A_500, %scan3A_501 : i32
      %scan3A_503 = arith.constant 1 : i32
      %scan3A_504 = scf.for %scan3A_553 = %scan3A_500 to %scan3A_502 step %scan3A_503 iter_args(%scan3A_554 = %scan3A_499) -> (i32)  : i32 {
        %mul3A_555 = arith.constant 16 : i32
        %mul3A_556 = arith.muli %scan3A_553, %mul3A_555 : i32
        %add3A_557 = vector.broadcast %mul3A_556 : i32 to vector<16xi32>
        %add3A_558 = arith.addi %add3A_557, %iota3A : vector<16xi32>
        %get3A = arith.index_cast %and3A_469 : i32 to index
        %get3A_559 = arith.index_cast %mul3A_556 : i32 to index
        %get3A_560 = tpu.vector_load %arg7[%get3A, %get3A_559] {strides = array<i32>} : memref<2x128xi32, #tpu.memory_space<vmem>>, vector<16xi32>,
        %add3A_561 = arith.constant 0 : i32
        %add3A_562 = vector.broadcast %add3A_561 : i32 to vector<16xi32>
        %add3A_563 = arith.addi %get3A_560, %add3A_562 : vector<16xi32>
        %add3A_564 = arith.addi %add3A_563, %and3A_5 : vector<16xi32>
        %gather3A = arith.constant 0 : i32
        %gather3A_565 = arith.constant 0 : i32
        %gather3A_566 = tpu.memref_slice %arg8[%and3A_469, %gather3A, %gather3A_565] : memref<2x128x128xf32, #tpu.memory_space<vmem>> -> memref<1x128x128xf32, #tpu.memory_space<vmem>>
        %gather3A_567 = tpu.memref_squeeze %gather3A_566 : memref<1x128x128xf32, #tpu.memory_space<vmem>> -> memref<128x128xf32, #tpu.memory_space<vmem>>
        %gather3A_568 = tpu.vector_load_idx %gather3A_567[%add3A_558, %add3A_564] : memref<128x128xf32, #tpu.memory_space<vmem>>[vector<16xi32>, vector<16xi32>], vector<16xf32>,
        %add3A_569 = arith.constant 0 : i32
        %add3A_570 = vector.broadcast %add3A_569 : i32 to vector<16xi32>
        %add3A_571 = arith.addi %add3A_570, %and3A_5 : vector<16xi32>
        %mul3A_572 = arith.constant 8.000000e+00 : f32
        %mul3A_573 = vector.broadcast %mul3A_572 : f32 to vector<16xf32>
        %mul3A_574 = arith.mulf %gather3A_568, %mul3A_573 : vector<16xf32>
        %scatter3A = arith.constant 0 : i32
        %scatter3A_575 = arith.constant 0 : i32
        %scatter3A_576 = tpu.memref_slice %arg9[%and3A_469, %scatter3A, %scatter3A_575] : memref<2x64x128xf32, #tpu.memory_space<vmem>> -> memref<1x64x128xf32, #tpu.memory_space<vmem>>
        %scatter3A_577 = tpu.memref_squeeze %scatter3A_576 : memref<1x64x128xf32, #tpu.memory_space<vmem>> -> memref<64x128xf32, #tpu.memory_space<vmem>>
        tpu.vector_store_idx %scatter3A_577[%add3A_571, %add3A_558], %mul3A_574 : memref<64x128xf32, #tpu.memory_space<vmem>>[vector<16xi32>, vector<16xi32>], vector<16xf32>,
        %add3A_578 = arith.addi %add3A_563, %and3A_11 : vector<16xi32>
        %gather3A_579 = arith.constant 0 : i32
        %gather3A_580 = arith.constant 0 : i32
        %gather3A_581 = tpu.memref_slice %arg8[%and3A_469, %gather3A_579, %gather3A_580] : memref<2x128x128xf32, #tpu.memory_space<vmem>> -> memref<1x128x128xf32, #tpu.memory_space<vmem>>
        %gather3A_582 = tpu.memref_squeeze %gather3A_581 : memref<1x128x128xf32, #tpu.memory_space<vmem>> -> memref<128x128xf32, #tpu.memory_space<vmem>>
        %gather3A_583 = tpu.vector_load_idx %gather3A_582[%add3A_558, %add3A_578] : memref<128x128xf32, #tpu.memory_space<vmem>>[vector<16xi32>, vector<16xi32>], vector<16xf32>,
        %add3A_584 = arith.constant 0 : i32
        %add3A_585 = vector.broadcast %add3A_584 : i32 to vector<16xi32>
        %add3A_586 = arith.addi %add3A_585, %and3A_11 : vector<16xi32>
        %mul3A_587 = arith.constant 8.000000e+00 : f32
        %mul3A_588 = vector.broadcast %mul3A_587 : f32 to vector<16xf32>
        %mul3A_589 = arith.mulf %gather3A_583, %mul3A_588 : vector<16xf32>
        %scatter3A_590 = arith.constant 0 : i32
        %scatter3A_591 = arith.constant 0 : i32
        %scatter3A_592 = tpu.memref_slice %arg9[%and3A_469, %scatter3A_590, %scatter3A_591] : memref<2x64x128xf32, #tpu.memory_space<vmem>> -> memref<1x64x128xf32, #tpu.memory_space<vmem>>
        %scatter3A_593 = tpu.memref_squeeze %scatter3A_592 : memref<1x64x128xf32, #tpu.memory_space<vmem>> -> memref<64x128xf32, #tpu.memory_space<vmem>>
        tpu.vector_store_idx %scatter3A_593[%add3A_586, %add3A_558], %mul3A_589 : memref<64x128xf32, #tpu.memory_space<vmem>>[vector<16xi32>, vector<16xi32>], vector<16xf32>,
        %add3A_594 = arith.addi %add3A_563, %and3A_17 : vector<16xi32>
        %gather3A_595 = arith.constant 0 : i32
        %gather3A_596 = arith.constant 0 : i32
        %gather3A_597 = tpu.memref_slice %arg8[%and3A_469, %gather3A_595, %gather3A_596] : memref<2x128x128xf32, #tpu.memory_space<vmem>> -> memref<1x128x128xf32, #tpu.memory_space<vmem>>
        %gather3A_598 = tpu.memref_squeeze %gather3A_597 : memref<1x128x128xf32, #tpu.memory_space<vmem>> -> memref<128x128xf32, #tpu.memory_space<vmem>>
        %gather3A_599 = tpu.vector_load_idx %gather3A_598[%add3A_558, %add3A_594] : memref<128x128xf32, #tpu.memory_space<vmem>>[vector<16xi32>, vector<16xi32>], vector<16xf32>,
        %add3A_600 = arith.constant 0 : i32
        %add3A_601 = vector.broadcast %add3A_600 : i32 to vector<16xi32>
        %add3A_602 = arith.addi %add3A_601, %and3A_17 : vector<16xi32>
        %mul3A_603 = arith.constant 8.000000e+00 : f32
        %mul3A_604 = vector.broadcast %mul3A_603 : f32 to vector<16xf32>
        %mul3A_605 = arith.mulf %gather3A_599, %mul3A_604 : vector<16xf32>
        %scatter3A_606 = arith.constant 0 : i32
        %scatter3A_607 = arith.constant 0 : i32
        %scatter3A_608 = tpu.memref_slice %arg9[%and3A_469, %scatter3A_606, %scatter3A_607] : memref<2x64x128xf32, #tpu.memory_space<vmem>> -> memref<1x64x128xf32, #tpu.memory_space<vmem>>
        %scatter3A_609 = tpu.memref_squeeze %scatter3A_608 : memref<1x64x128xf32, #tpu.memory_space<vmem>> -> memref<64x128xf32, #tpu.memory_space<vmem>>
        tpu.vector_store_idx %scatter3A_609[%add3A_602, %add3A_558], %mul3A_605 : memref<64x128xf32, #tpu.memory_space<vmem>>[vector<16xi32>, vector<16xi32>], vector<16xf32>,
        %add3A_610 = arith.addi %add3A_563, %and3A_23 : vector<16xi32>
        %gather3A_611 = arith.constant 0 : i32
        %gather3A_612 = arith.constant 0 : i32
        %gather3A_613 = tpu.memref_slice %arg8[%and3A_469, %gather3A_611, %gather3A_612] : memref<2x128x128xf32, #tpu.memory_space<vmem>> -> memref<1x128x128xf32, #tpu.memory_space<vmem>>
        %gather3A_614 = tpu.memref_squeeze %gather3A_613 : memref<1x128x128xf32, #tpu.memory_space<vmem>> -> memref<128x128xf32, #tpu.memory_space<vmem>>
        %gather3A_615 = tpu.vector_load_idx %gather3A_614[%add3A_558, %add3A_610] : memref<128x128xf32, #tpu.memory_space<vmem>>[vector<16xi32>, vector<16xi32>], vector<16xf32>,
        %add3A_616 = arith.constant 0 : i32
        %add3A_617 = vector.broadcast %add3A_616 : i32 to vector<16xi32>
        %add3A_618 = arith.addi %add3A_617, %and3A_23 : vector<16xi32>
        %mul3A_619 = arith.constant 8.000000e+00 : f32
        %mul3A_620 = vector.broadcast %mul3A_619 : f32 to vector<16xf32>
        %mul3A_621 = arith.mulf %gather3A_615, %mul3A_620 : vector<16xf32>
        %scatter3A_622 = arith.constant 0 : i32
        %scatter3A_623 = arith.constant 0 : i32
        %scatter3A_624 = tpu.memref_slice %arg9[%and3A_469, %scatter3A_622, %scatter3A_623] : memref<2x64x128xf32, #tpu.memory_space<vmem>> -> memref<1x64x128xf32, #tpu.memory_space<vmem>>
        %scatter3A_625 = tpu.memref_squeeze %scatter3A_624 : memref<1x64x128xf32, #tpu.memory_space<vmem>> -> memref<64x128xf32, #tpu.memory_space<vmem>>
        tpu.vector_store_idx %scatter3A_625[%add3A_618, %add3A_558], %mul3A_621 : memref<64x128xf32, #tpu.memory_space<vmem>>[vector<16xi32>, vector<16xi32>], vector<16xf32>,
        %add3A_626 = arith.addi %add3A_563, %and3A_29 : vector<16xi32>
        %gather3A_627 = arith.constant 0 : i32
        %gather3A_628 = arith.constant 0 : i32
        %gather3A_629 = tpu.memref_slice %arg8[%and3A_469, %gather3A_627, %gather3A_628] : memref<2x128x128xf32, #tpu.memory_space<vmem>> -> memref<1x128x128xf32, #tpu.memory_space<vmem>>
        %gather3A_630 = tpu.memref_squeeze %gather3A_629 : memref<1x128x128xf32, #tpu.memory_space<vmem>> -> memref<128x128xf32, #tpu.memory_space<vmem>>
        %gather3A_631 = tpu.vector_load_idx %gather3A_630[%add3A_558, %add3A_626] : memref<128x128xf32, #tpu.memory_space<vmem>>[vector<16xi32>, vector<16xi32>], vector<16xf32>,
        %add3A_632 = arith.constant 0 : i32
        %add3A_633 = vector.broadcast %add3A_632 : i32 to vector<16xi32>
        %add3A_634 = arith.addi %add3A_633, %and3A_29 : vector<16xi32>
        %mul3A_635 = arith.constant 8.000000e+00 : f32
        %mul3A_636 = vector.broadcast %mul3A_635 : f32 to vector<16xf32>
        %mul3A_637 = arith.mulf %gather3A_631, %mul3A_636 : vector<16xf32>
        %scatter3A_638 = arith.constant 0 : i32
        %scatter3A_639 = arith.constant 0 : i32
        %scatter3A_640 = tpu.memref_slice %arg9[%and3A_469, %scatter3A_638, %scatter3A_639] : memref<2x64x128xf32, #tpu.memory_space<vmem>> -> memref<1x64x128xf32, #tpu.memory_space<vmem>>
        %scatter3A_641 = tpu.memref_squeeze %scatter3A_640 : memref<1x64x128xf32, #tpu.memory_space<vmem>> -> memref<64x128xf32, #tpu.memory_space<vmem>>
        tpu.vector_store_idx %scatter3A_641[%add3A_634, %add3A_558], %mul3A_637 : memref<64x128xf32, #tpu.memory_space<vmem>>[vector<16xi32>, vector<16xi32>], vector<16xf32>,
        %add3A_642 = arith.addi %add3A_563, %and3A_35 : vector<16xi32>
        %gather3A_643 = arith.constant 0 : i32
        %gather3A_644 = arith.constant 0 : i32
        %gather3A_645 = tpu.memref_slice %arg8[%and3A_469, %gather3A_643, %gather3A_644] : memref<2x128x128xf32, #tpu.memory_space<vmem>> -> memref<1x128x128xf32, #tpu.memory_space<vmem>>
        %gather3A_646 = tpu.memref_squeeze %gather3A_645 : memref<1x128x128xf32, #tpu.memory_space<vmem>> -> memref<128x128xf32, #tpu.memory_space<vmem>>
        %gather3A_647 = tpu.vector_load_idx %gather3A_646[%add3A_558, %add3A_642] : memref<128x128xf32, #tpu.memory_space<vmem>>[vector<16xi32>, vector<16xi32>], vector<16xf32>,
        %add3A_648 = arith.constant 0 : i32
        %add3A_649 = vector.broadcast %add3A_648 : i32 to vector<16xi32>
        %add3A_650 = arith.addi %add3A_649, %and3A_35 : vector<16xi32>
        %mul3A_651 = arith.constant 8.000000e+00 : f32
        %mul3A_652 = vector.broadcast %mul3A_651 : f32 to vector<16xf32>
        %mul3A_653 = arith.mulf %gather3A_647, %mul3A_652 : vector<16xf32>
        %scatter3A_654 = arith.constant 0 : i32
        %scatter3A_655 = arith.constant 0 : i32
        %scatter3A_656 = tpu.memref_slice %arg9[%and3A_469, %scatter3A_654, %scatter3A_655] : memref<2x64x128xf32, #tpu.memory_space<vmem>> -> memref<1x64x128xf32, #tpu.memory_space<vmem>>
        %scatter3A_657 = tpu.memref_squeeze %scatter3A_656 : memref<1x64x128xf32, #tpu.memory_space<vmem>> -> memref<64x128xf32, #tpu.memory_space<vmem>>
        tpu.vector_store_idx %scatter3A_657[%add3A_650, %add3A_558], %mul3A_653 : memref<64x128xf32, #tpu.memory_space<vmem>>[vector<16xi32>, vector<16xi32>], vector<16xf32>,
        %add3A_658 = arith.addi %add3A_563, %and3A_41 : vector<16xi32>
        %gather3A_659 = arith.constant 0 : i32
        %gather3A_660 = arith.constant 0 : i32
        %gather3A_661 = tpu.memref_slice %arg8[%and3A_469, %gather3A_659, %gather3A_660] : memref<2x128x128xf32, #tpu.memory_space<vmem>> -> memref<1x128x128xf32, #tpu.memory_space<vmem>>
        %gather3A_662 = tpu.memref_squeeze %gather3A_661 : memref<1x128x128xf32, #tpu.memory_space<vmem>> -> memref<128x128xf32, #tpu.memory_space<vmem>>
        %gather3A_663 = tpu.vector_load_idx %gather3A_662[%add3A_558, %add3A_658] : memref<128x128xf32, #tpu.memory_space<vmem>>[vector<16xi32>, vector<16xi32>], vector<16xf32>,
        %add3A_664 = arith.constant 0 : i32
        %add3A_665 = vector.broadcast %add3A_664 : i32 to vector<16xi32>
        %add3A_666 = arith.addi %add3A_665, %and3A_41 : vector<16xi32>
        %mul3A_667 = arith.constant 8.000000e+00 : f32
        %mul3A_668 = vector.broadcast %mul3A_667 : f32 to vector<16xf32>
        %mul3A_669 = arith.mulf %gather3A_663, %mul3A_668 : vector<16xf32>
        %scatter3A_670 = arith.constant 0 : i32
        %scatter3A_671 = arith.constant 0 : i32
        %scatter3A_672 = tpu.memref_slice %arg9[%and3A_469, %scatter3A_670, %scatter3A_671] : memref<2x64x128xf32, #tpu.memory_space<vmem>> -> memref<1x64x128xf32, #tpu.memory_space<vmem>>
        %scatter3A_673 = tpu.memref_squeeze %scatter3A_672 : memref<1x64x128xf32, #tpu.memory_space<vmem>> -> memref<64x128xf32, #tpu.memory_space<vmem>>
        tpu.vector_store_idx %scatter3A_673[%add3A_666, %add3A_558], %mul3A_669 : memref<64x128xf32, #tpu.memory_space<vmem>>[vector<16xi32>, vector<16xi32>], vector<16xf32>,
        %add3A_674 = arith.addi %add3A_563, %and3A_47 : vector<16xi32>
        %gather3A_675 = arith.constant 0 : i32
        %gather3A_676 = arith.constant 0 : i32
        %gather3A_677 = tpu.memref_slice %arg8[%and3A_469, %gather3A_675, %gather3A_676] : memref<2x128x128xf32, #tpu.memory_space<vmem>> -> memref<1x128x128xf32, #tpu.memory_space<vmem>>
        %gather3A_678 = tpu.memref_squeeze %gather3A_677 : memref<1x128x128xf32, #tpu.memory_space<vmem>> -> memref<128x128xf32, #tpu.memory_space<vmem>>
        %gather3A_679 = tpu.vector_load_idx %gather3A_678[%add3A_558, %add3A_674] : memref<128x128xf32, #tpu.memory_space<vmem>>[vector<16xi32>, vector<16xi32>], vector<16xf32>,
        %add3A_680 = arith.constant 0 : i32
        %add3A_681 = vector.broadcast %add3A_680 : i32 to vector<16xi32>
        %add3A_682 = arith.addi %add3A_681, %and3A_47 : vector<16xi32>
        %mul3A_683 = arith.constant 8.000000e+00 : f32
        %mul3A_684 = vector.broadcast %mul3A_683 : f32 to vector<16xf32>
        %mul3A_685 = arith.mulf %gather3A_679, %mul3A_684 : vector<16xf32>
        %scatter3A_686 = arith.constant 0 : i32
        %scatter3A_687 = arith.constant 0 : i32
        %scatter3A_688 = tpu.memref_slice %arg9[%and3A_469, %scatter3A_686, %scatter3A_687] : memref<2x64x128xf32, #tpu.memory_space<vmem>> -> memref<1x64x128xf32, #tpu.memory_space<vmem>>
        %scatter3A_689 = tpu.memref_squeeze %scatter3A_688 : memref<1x64x128xf32, #tpu.memory_space<vmem>> -> memref<64x128xf32, #tpu.memory_space<vmem>>
        tpu.vector_store_idx %scatter3A_689[%add3A_682, %add3A_558], %mul3A_685 : memref<64x128xf32, #tpu.memory_space<vmem>>[vector<16xi32>, vector<16xi32>], vector<16xf32>,
        %add3A_690 = arith.addi %add3A_563, %and3A_53 : vector<16xi32>
        %gather3A_691 = arith.constant 0 : i32
        %gather3A_692 = arith.constant 0 : i32
        %gather3A_693 = tpu.memref_slice %arg8[%and3A_469, %gather3A_691, %gather3A_692] : memref<2x128x128xf32, #tpu.memory_space<vmem>> -> memref<1x128x128xf32, #tpu.memory_space<vmem>>
        %gather3A_694 = tpu.memref_squeeze %gather3A_693 : memref<1x128x128xf32, #tpu.memory_space<vmem>> -> memref<128x128xf32, #tpu.memory_space<vmem>>
        %gather3A_695 = tpu.vector_load_idx %gather3A_694[%add3A_558, %add3A_690] : memref<128x128xf32, #tpu.memory_space<vmem>>[vector<16xi32>, vector<16xi32>], vector<16xf32>,
        %add3A_696 = arith.constant 0 : i32
        %add3A_697 = vector.broadcast %add3A_696 : i32 to vector<16xi32>
        %add3A_698 = arith.addi %add3A_697, %and3A_53 : vector<16xi32>
        %mul3A_699 = arith.constant 8.000000e+00 : f32
        %mul3A_700 = vector.broadcast %mul3A_699 : f32 to vector<16xf32>
        %mul3A_701 = arith.mulf %gather3A_695, %mul3A_700 : vector<16xf32>
        %scatter3A_702 = arith.constant 0 : i32
        %scatter3A_703 = arith.constant 0 : i32
        %scatter3A_704 = tpu.memref_slice %arg9[%and3A_469, %scatter3A_702, %scatter3A_703] : memref<2x64x128xf32, #tpu.memory_space<vmem>> -> memref<1x64x128xf32, #tpu.memory_space<vmem>>
        %scatter3A_705 = tpu.memref_squeeze %scatter3A_704 : memref<1x64x128xf32, #tpu.memory_space<vmem>> -> memref<64x128xf32, #tpu.memory_space<vmem>>
        tpu.vector_store_idx %scatter3A_705[%add3A_698, %add3A_558], %mul3A_701 : memref<64x128xf32, #tpu.memory_space<vmem>>[vector<16xi32>, vector<16xi32>], vector<16xf32>,
        %add3A_706 = arith.addi %add3A_563, %and3A_59 : vector<16xi32>
        %gather3A_707 = arith.constant 0 : i32
        %gather3A_708 = arith.constant 0 : i32
        %gather3A_709 = tpu.memref_slice %arg8[%and3A_469, %gather3A_707, %gather3A_708] : memref<2x128x128xf32, #tpu.memory_space<vmem>> -> memref<1x128x128xf32, #tpu.memory_space<vmem>>
        %gather3A_710 = tpu.memref_squeeze %gather3A_709 : memref<1x128x128xf32, #tpu.memory_space<vmem>> -> memref<128x128xf32, #tpu.memory_space<vmem>>
        %gather3A_711 = tpu.vector_load_idx %gather3A_710[%add3A_558, %add3A_706] : memref<128x128xf32, #tpu.memory_space<vmem>>[vector<16xi32>, vector<16xi32>], vector<16xf32>,
        %add3A_712 = arith.constant 0 : i32
        %add3A_713 = vector.broadcast %add3A_712 : i32 to vector<16xi32>
        %add3A_714 = arith.addi %add3A_713, %and3A_59 : vector<16xi32>
        %mul3A_715 = arith.constant 8.000000e+00 : f32
        %mul3A_716 = vector.broadcast %mul3A_715 : f32 to vector<16xf32>
        %mul3A_717 = arith.mulf %gather3A_711, %mul3A_716 : vector<16xf32>
        %scatter3A_718 = arith.constant 0 : i32
        %scatter3A_719 = arith.constant 0 : i32
        %scatter3A_720 = tpu.memref_slice %arg9[%and3A_469, %scatter3A_718, %scatter3A_719] : memref<2x64x128xf32, #tpu.memory_space<vmem>> -> memref<1x64x128xf32, #tpu.memory_space<vmem>>
        %scatter3A_721 = tpu.memref_squeeze %scatter3A_720 : memref<1x64x128xf32, #tpu.memory_space<vmem>> -> memref<64x128xf32, #tpu.memory_space<vmem>>
        tpu.vector_store_idx %scatter3A_721[%add3A_714, %add3A_558], %mul3A_717 : memref<64x128xf32, #tpu.memory_space<vmem>>[vector<16xi32>, vector<16xi32>], vector<16xf32>,
        %add3A_722 = arith.addi %add3A_563, %and3A_65 : vector<16xi32>
        %gather3A_723 = arith.constant 0 : i32
        %gather3A_724 = arith.constant 0 : i32
        %gather3A_725 = tpu.memref_slice %arg8[%and3A_469, %gather3A_723, %gather3A_724] : memref<2x128x128xf32, #tpu.memory_space<vmem>> -> memref<1x128x128xf32, #tpu.memory_space<vmem>>
        %gather3A_726 = tpu.memref_squeeze %gather3A_725 : memref<1x128x128xf32, #tpu.memory_space<vmem>> -> memref<128x128xf32, #tpu.memory_space<vmem>>
        %gather3A_727 = tpu.vector_load_idx %gather3A_726[%add3A_558, %add3A_722] : memref<128x128xf32, #tpu.memory_space<vmem>>[vector<16xi32>, vector<16xi32>], vector<16xf32>,
        %add3A_728 = arith.constant 0 : i32
        %add3A_729 = vector.broadcast %add3A_728 : i32 to vector<16xi32>
        %add3A_730 = arith.addi %add3A_729, %and3A_65 : vector<16xi32>
        %mul3A_731 = arith.constant 8.000000e+00 : f32
        %mul3A_732 = vector.broadcast %mul3A_731 : f32 to vector<16xf32>
        %mul3A_733 = arith.mulf %gather3A_727, %mul3A_732 : vector<16xf32>
        %scatter3A_734 = arith.constant 0 : i32
        %scatter3A_735 = arith.constant 0 : i32
        %scatter3A_736 = tpu.memref_slice %arg9[%and3A_469, %scatter3A_734, %scatter3A_735] : memref<2x64x128xf32, #tpu.memory_space<vmem>> -> memref<1x64x128xf32, #tpu.memory_space<vmem>>
        %scatter3A_737 = tpu.memref_squeeze %scatter3A_736 : memref<1x64x128xf32, #tpu.memory_space<vmem>> -> memref<64x128xf32, #tpu.memory_space<vmem>>
        tpu.vector_store_idx %scatter3A_737[%add3A_730, %add3A_558], %mul3A_733 : memref<64x128xf32, #tpu.memory_space<vmem>>[vector<16xi32>, vector<16xi32>], vector<16xf32>,
        %add3A_738 = arith.addi %add3A_563, %and3A_71 : vector<16xi32>
        %gather3A_739 = arith.constant 0 : i32
        %gather3A_740 = arith.constant 0 : i32
        %gather3A_741 = tpu.memref_slice %arg8[%and3A_469, %gather3A_739, %gather3A_740] : memref<2x128x128xf32, #tpu.memory_space<vmem>> -> memref<1x128x128xf32, #tpu.memory_space<vmem>>
        %gather3A_742 = tpu.memref_squeeze %gather3A_741 : memref<1x128x128xf32, #tpu.memory_space<vmem>> -> memref<128x128xf32, #tpu.memory_space<vmem>>
        %gather3A_743 = tpu.vector_load_idx %gather3A_742[%add3A_558, %add3A_738] : memref<128x128xf32, #tpu.memory_space<vmem>>[vector<16xi32>, vector<16xi32>], vector<16xf32>,
        %add3A_744 = arith.constant 0 : i32
        %add3A_745 = vector.broadcast %add3A_744 : i32 to vector<16xi32>
        %add3A_746 = arith.addi %add3A_745, %and3A_71 : vector<16xi32>
        %mul3A_747 = arith.constant 8.000000e+00 : f32
        %mul3A_748 = vector.broadcast %mul3A_747 : f32 to vector<16xf32>
        %mul3A_749 = arith.mulf %gather3A_743, %mul3A_748 : vector<16xf32>
        %scatter3A_750 = arith.constant 0 : i32
        %scatter3A_751 = arith.constant 0 : i32
        %scatter3A_752 = tpu.memref_slice %arg9[%and3A_469, %scatter3A_750, %scatter3A_751] : memref<2x64x128xf32, #tpu.memory_space<vmem>> -> memref<1x64x128xf32, #tpu.memory_space<vmem>>
        %scatter3A_753 = tpu.memref_squeeze %scatter3A_752 : memref<1x64x128xf32, #tpu.memory_space<vmem>> -> memref<64x128xf32, #tpu.memory_space<vmem>>
        tpu.vector_store_idx %scatter3A_753[%add3A_746, %add3A_558], %mul3A_749 : memref<64x128xf32, #tpu.memory_space<vmem>>[vector<16xi32>, vector<16xi32>], vector<16xf32>,
        %add3A_754 = arith.addi %add3A_563, %and3A_77 : vector<16xi32>
        %gather3A_755 = arith.constant 0 : i32
        %gather3A_756 = arith.constant 0 : i32
        %gather3A_757 = tpu.memref_slice %arg8[%and3A_469, %gather3A_755, %gather3A_756] : memref<2x128x128xf32, #tpu.memory_space<vmem>> -> memref<1x128x128xf32, #tpu.memory_space<vmem>>
        %gather3A_758 = tpu.memref_squeeze %gather3A_757 : memref<1x128x128xf32, #tpu.memory_space<vmem>> -> memref<128x128xf32, #tpu.memory_space<vmem>>
        %gather3A_759 = tpu.vector_load_idx %gather3A_758[%add3A_558, %add3A_754] : memref<128x128xf32, #tpu.memory_space<vmem>>[vector<16xi32>, vector<16xi32>], vector<16xf32>,
        %add3A_760 = arith.constant 0 : i32
        %add3A_761 = vector.broadcast %add3A_760 : i32 to vector<16xi32>
        %add3A_762 = arith.addi %add3A_761, %and3A_77 : vector<16xi32>
        %mul3A_763 = arith.constant 8.000000e+00 : f32
        %mul3A_764 = vector.broadcast %mul3A_763 : f32 to vector<16xf32>
        %mul3A_765 = arith.mulf %gather3A_759, %mul3A_764 : vector<16xf32>
        %scatter3A_766 = arith.constant 0 : i32
        %scatter3A_767 = arith.constant 0 : i32
        %scatter3A_768 = tpu.memref_slice %arg9[%and3A_469, %scatter3A_766, %scatter3A_767] : memref<2x64x128xf32, #tpu.memory_space<vmem>> -> memref<1x64x128xf32, #tpu.memory_space<vmem>>
        %scatter3A_769 = tpu.memref_squeeze %scatter3A_768 : memref<1x64x128xf32, #tpu.memory_space<vmem>> -> memref<64x128xf32, #tpu.memory_space<vmem>>
        tpu.vector_store_idx %scatter3A_769[%add3A_762, %add3A_558], %mul3A_765 : memref<64x128xf32, #tpu.memory_space<vmem>>[vector<16xi32>, vector<16xi32>], vector<16xf32>,
        %add3A_770 = arith.addi %add3A_563, %and3A_83 : vector<16xi32>
        %gather3A_771 = arith.constant 0 : i32
        %gather3A_772 = arith.constant 0 : i32
        %gather3A_773 = tpu.memref_slice %arg8[%and3A_469, %gather3A_771, %gather3A_772] : memref<2x128x128xf32, #tpu.memory_space<vmem>> -> memref<1x128x128xf32, #tpu.memory_space<vmem>>
        %gather3A_774 = tpu.memref_squeeze %gather3A_773 : memref<1x128x128xf32, #tpu.memory_space<vmem>> -> memref<128x128xf32, #tpu.memory_space<vmem>>
        %gather3A_775 = tpu.vector_load_idx %gather3A_774[%add3A_558, %add3A_770] : memref<128x128xf32, #tpu.memory_space<vmem>>[vector<16xi32>, vector<16xi32>], vector<16xf32>,
        %add3A_776 = arith.constant 0 : i32
        %add3A_777 = vector.broadcast %add3A_776 : i32 to vector<16xi32>
        %add3A_778 = arith.addi %add3A_777, %and3A_83 : vector<16xi32>
        %mul3A_779 = arith.constant 8.000000e+00 : f32
        %mul3A_780 = vector.broadcast %mul3A_779 : f32 to vector<16xf32>
        %mul3A_781 = arith.mulf %gather3A_775, %mul3A_780 : vector<16xf32>
        %scatter3A_782 = arith.constant 0 : i32
        %scatter3A_783 = arith.constant 0 : i32
        %scatter3A_784 = tpu.memref_slice %arg9[%and3A_469, %scatter3A_782, %scatter3A_783] : memref<2x64x128xf32, #tpu.memory_space<vmem>> -> memref<1x64x128xf32, #tpu.memory_space<vmem>>
        %scatter3A_785 = tpu.memref_squeeze %scatter3A_784 : memref<1x64x128xf32, #tpu.memory_space<vmem>> -> memref<64x128xf32, #tpu.memory_space<vmem>>
        tpu.vector_store_idx %scatter3A_785[%add3A_778, %add3A_558], %mul3A_781 : memref<64x128xf32, #tpu.memory_space<vmem>>[vector<16xi32>, vector<16xi32>], vector<16xf32>,
        %add3A_786 = arith.addi %add3A_563, %and3A_89 : vector<16xi32>
        %gather3A_787 = arith.constant 0 : i32
        %gather3A_788 = arith.constant 0 : i32
        %gather3A_789 = tpu.memref_slice %arg8[%and3A_469, %gather3A_787, %gather3A_788] : memref<2x128x128xf32, #tpu.memory_space<vmem>> -> memref<1x128x128xf32, #tpu.memory_space<vmem>>
        %gather3A_790 = tpu.memref_squeeze %gather3A_789 : memref<1x128x128xf32, #tpu.memory_space<vmem>> -> memref<128x128xf32, #tpu.memory_space<vmem>>
        %gather3A_791 = tpu.vector_load_idx %gather3A_790[%add3A_558, %add3A_786] : memref<128x128xf32, #tpu.memory_space<vmem>>[vector<16xi32>, vector<16xi32>], vector<16xf32>,
        %add3A_792 = arith.constant 0 : i32
        %add3A_793 = vector.broadcast %add3A_792 : i32 to vector<16xi32>
        %add3A_794 = arith.addi %add3A_793, %and3A_89 : vector<16xi32>
        %mul3A_795 = arith.constant 8.000000e+00 : f32
        %mul3A_796 = vector.broadcast %mul3A_795 : f32 to vector<16xf32>
        %mul3A_797 = arith.mulf %gather3A_791, %mul3A_796 : vector<16xf32>
        %scatter3A_798 = arith.constant 0 : i32
        %scatter3A_799 = arith.constant 0 : i32
        %scatter3A_800 = tpu.memref_slice %arg9[%and3A_469, %scatter3A_798, %scatter3A_799] : memref<2x64x128xf32, #tpu.memory_space<vmem>> -> memref<1x64x128xf32, #tpu.memory_space<vmem>>
        %scatter3A_801 = tpu.memref_squeeze %scatter3A_800 : memref<1x64x128xf32, #tpu.memory_space<vmem>> -> memref<64x128xf32, #tpu.memory_space<vmem>>
        tpu.vector_store_idx %scatter3A_801[%add3A_794, %add3A_558], %mul3A_797 : memref<64x128xf32, #tpu.memory_space<vmem>>[vector<16xi32>, vector<16xi32>], vector<16xf32>,
        %add3A_802 = arith.addi %add3A_563, %and3A_95 : vector<16xi32>
        %gather3A_803 = arith.constant 0 : i32
        %gather3A_804 = arith.constant 0 : i32
        %gather3A_805 = tpu.memref_slice %arg8[%and3A_469, %gather3A_803, %gather3A_804] : memref<2x128x128xf32, #tpu.memory_space<vmem>> -> memref<1x128x128xf32, #tpu.memory_space<vmem>>
        %gather3A_806 = tpu.memref_squeeze %gather3A_805 : memref<1x128x128xf32, #tpu.memory_space<vmem>> -> memref<128x128xf32, #tpu.memory_space<vmem>>
        %gather3A_807 = tpu.vector_load_idx %gather3A_806[%add3A_558, %add3A_802] : memref<128x128xf32, #tpu.memory_space<vmem>>[vector<16xi32>, vector<16xi32>], vector<16xf32>,
        %add3A_808 = arith.constant 0 : i32
        %add3A_809 = vector.broadcast %add3A_808 : i32 to vector<16xi32>
        %add3A_810 = arith.addi %add3A_809, %and3A_95 : vector<16xi32>
        %mul3A_811 = arith.constant 8.000000e+00 : f32
        %mul3A_812 = vector.broadcast %mul3A_811 : f32 to vector<16xf32>
        %mul3A_813 = arith.mulf %gather3A_807, %mul3A_812 : vector<16xf32>
        %scatter3A_814 = arith.constant 0 : i32
        %scatter3A_815 = arith.constant 0 : i32
        %scatter3A_816 = tpu.memref_slice %arg9[%and3A_469, %scatter3A_814, %scatter3A_815] : memref<2x64x128xf32, #tpu.memory_space<vmem>> -> memref<1x64x128xf32, #tpu.memory_space<vmem>>
        %scatter3A_817 = tpu.memref_squeeze %scatter3A_816 : memref<1x64x128xf32, #tpu.memory_space<vmem>> -> memref<64x128xf32, #tpu.memory_space<vmem>>
        tpu.vector_store_idx %scatter3A_817[%add3A_810, %add3A_558], %mul3A_813 : memref<64x128xf32, #tpu.memory_space<vmem>>[vector<16xi32>, vector<16xi32>], vector<16xf32>,
        %add3A_818 = arith.constant 16 : i32
        %add3A_819 = vector.broadcast %add3A_818 : i32 to vector<16xi32>
        %add3A_820 = arith.addi %get3A_560, %add3A_819 : vector<16xi32>
        %add3A_821 = arith.addi %add3A_820, %and3A_5 : vector<16xi32>
        %gather3A_822 = arith.constant 0 : i32
        %gather3A_823 = arith.constant 0 : i32
        %gather3A_824 = tpu.memref_slice %arg8[%and3A_469, %gather3A_822, %gather3A_823] : memref<2x128x128xf32, #tpu.memory_space<vmem>> -> memref<1x128x128xf32, #tpu.memory_space<vmem>>
        %gather3A_825 = tpu.memref_squeeze %gather3A_824 : memref<1x128x128xf32, #tpu.memory_space<vmem>> -> memref<128x128xf32, #tpu.memory_space<vmem>>
        %gather3A_826 = tpu.vector_load_idx %gather3A_825[%add3A_558, %add3A_821] : memref<128x128xf32, #tpu.memory_space<vmem>>[vector<16xi32>, vector<16xi32>], vector<16xf32>,
        %add3A_827 = arith.constant 16 : i32
        %add3A_828 = vector.broadcast %add3A_827 : i32 to vector<16xi32>
        %add3A_829 = arith.addi %add3A_828, %and3A_5 : vector<16xi32>
        %mul3A_830 = arith.constant 8.000000e+00 : f32
        %mul3A_831 = vector.broadcast %mul3A_830 : f32 to vector<16xf32>
        %mul3A_832 = arith.mulf %gather3A_826, %mul3A_831 : vector<16xf32>
        %scatter3A_833 = arith.constant 0 : i32
        %scatter3A_834 = arith.constant 0 : i32
        %scatter3A_835 = tpu.memref_slice %arg9[%and3A_469, %scatter3A_833, %scatter3A_834] : memref<2x64x128xf32, #tpu.memory_space<vmem>> -> memref<1x64x128xf32, #tpu.memory_space<vmem>>
        %scatter3A_836 = tpu.memref_squeeze %scatter3A_835 : memref<1x64x128xf32, #tpu.memory_space<vmem>> -> memref<64x128xf32, #tpu.memory_space<vmem>>
        tpu.vector_store_idx %scatter3A_836[%add3A_829, %add3A_558], %mul3A_832 : memref<64x128xf32, #tpu.memory_space<vmem>>[vector<16xi32>, vector<16xi32>], vector<16xf32>,
        %add3A_837 = arith.addi %add3A_820, %and3A_11 : vector<16xi32>
        %gather3A_838 = arith.constant 0 : i32
        %gather3A_839 = arith.constant 0 : i32
        %gather3A_840 = tpu.memref_slice %arg8[%and3A_469, %gather3A_838, %gather3A_839] : memref<2x128x128xf32, #tpu.memory_space<vmem>> -> memref<1x128x128xf32, #tpu.memory_space<vmem>>
        %gather3A_841 = tpu.memref_squeeze %gather3A_840 : memref<1x128x128xf32, #tpu.memory_space<vmem>> -> memref<128x128xf32, #tpu.memory_space<vmem>>
        %gather3A_842 = tpu.vector_load_idx %gather3A_841[%add3A_558, %add3A_837] : memref<128x128xf32, #tpu.memory_space<vmem>>[vector<16xi32>, vector<16xi32>], vector<16xf32>,
        %add3A_843 = arith.constant 16 : i32
        %add3A_844 = vector.broadcast %add3A_843 : i32 to vector<16xi32>
        %add3A_845 = arith.addi %add3A_844, %and3A_11 : vector<16xi32>
        %mul3A_846 = arith.constant 8.000000e+00 : f32
        %mul3A_847 = vector.broadcast %mul3A_846 : f32 to vector<16xf32>
        %mul3A_848 = arith.mulf %gather3A_842, %mul3A_847 : vector<16xf32>
        %scatter3A_849 = arith.constant 0 : i32
        %scatter3A_850 = arith.constant 0 : i32
        %scatter3A_851 = tpu.memref_slice %arg9[%and3A_469, %scatter3A_849, %scatter3A_850] : memref<2x64x128xf32, #tpu.memory_space<vmem>> -> memref<1x64x128xf32, #tpu.memory_space<vmem>>
        %scatter3A_852 = tpu.memref_squeeze %scatter3A_851 : memref<1x64x128xf32, #tpu.memory_space<vmem>> -> memref<64x128xf32, #tpu.memory_space<vmem>>
        tpu.vector_store_idx %scatter3A_852[%add3A_845, %add3A_558], %mul3A_848 : memref<64x128xf32, #tpu.memory_space<vmem>>[vector<16xi32>, vector<16xi32>], vector<16xf32>,
        %add3A_853 = arith.addi %add3A_820, %and3A_17 : vector<16xi32>
        %gather3A_854 = arith.constant 0 : i32
        %gather3A_855 = arith.constant 0 : i32
        %gather3A_856 = tpu.memref_slice %arg8[%and3A_469, %gather3A_854, %gather3A_855] : memref<2x128x128xf32, #tpu.memory_space<vmem>> -> memref<1x128x128xf32, #tpu.memory_space<vmem>>
        %gather3A_857 = tpu.memref_squeeze %gather3A_856 : memref<1x128x128xf32, #tpu.memory_space<vmem>> -> memref<128x128xf32, #tpu.memory_space<vmem>>
        %gather3A_858 = tpu.vector_load_idx %gather3A_857[%add3A_558, %add3A_853] : memref<128x128xf32, #tpu.memory_space<vmem>>[vector<16xi32>, vector<16xi32>], vector<16xf32>,
        %add3A_859 = arith.constant 16 : i32
        %add3A_860 = vector.broadcast %add3A_859 : i32 to vector<16xi32>
        %add3A_861 = arith.addi %add3A_860, %and3A_17 : vector<16xi32>
        %mul3A_862 = arith.constant 8.000000e+00 : f32
        %mul3A_863 = vector.broadcast %mul3A_862 : f32 to vector<16xf32>
        %mul3A_864 = arith.mulf %gather3A_858, %mul3A_863 : vector<16xf32>
        %scatter3A_865 = arith.constant 0 : i32
        %scatter3A_866 = arith.constant 0 : i32
        %scatter3A_867 = tpu.memref_slice %arg9[%and3A_469, %scatter3A_865, %scatter3A_866] : memref<2x64x128xf32, #tpu.memory_space<vmem>> -> memref<1x64x128xf32, #tpu.memory_space<vmem>>
        %scatter3A_868 = tpu.memref_squeeze %scatter3A_867 : memref<1x64x128xf32, #tpu.memory_space<vmem>> -> memref<64x128xf32, #tpu.memory_space<vmem>>
        tpu.vector_store_idx %scatter3A_868[%add3A_861, %add3A_558], %mul3A_864 : memref<64x128xf32, #tpu.memory_space<vmem>>[vector<16xi32>, vector<16xi32>], vector<16xf32>,
        %add3A_869 = arith.addi %add3A_820, %and3A_23 : vector<16xi32>
        %gather3A_870 = arith.constant 0 : i32
        %gather3A_871 = arith.constant 0 : i32
        %gather3A_872 = tpu.memref_slice %arg8[%and3A_469, %gather3A_870, %gather3A_871] : memref<2x128x128xf32, #tpu.memory_space<vmem>> -> memref<1x128x128xf32, #tpu.memory_space<vmem>>
        %gather3A_873 = tpu.memref_squeeze %gather3A_872 : memref<1x128x128xf32, #tpu.memory_space<vmem>> -> memref<128x128xf32, #tpu.memory_space<vmem>>
        %gather3A_874 = tpu.vector_load_idx %gather3A_873[%add3A_558, %add3A_869] : memref<128x128xf32, #tpu.memory_space<vmem>>[vector<16xi32>, vector<16xi32>], vector<16xf32>,
        %add3A_875 = arith.constant 16 : i32
        %add3A_876 = vector.broadcast %add3A_875 : i32 to vector<16xi32>
        %add3A_877 = arith.addi %add3A_876, %and3A_23 : vector<16xi32>
        %mul3A_878 = arith.constant 8.000000e+00 : f32
        %mul3A_879 = vector.broadcast %mul3A_878 : f32 to vector<16xf32>
        %mul3A_880 = arith.mulf %gather3A_874, %mul3A_879 : vector<16xf32>
        %scatter3A_881 = arith.constant 0 : i32
        %scatter3A_882 = arith.constant 0 : i32
        %scatter3A_883 = tpu.memref_slice %arg9[%and3A_469, %scatter3A_881, %scatter3A_882] : memref<2x64x128xf32, #tpu.memory_space<vmem>> -> memref<1x64x128xf32, #tpu.memory_space<vmem>>
        %scatter3A_884 = tpu.memref_squeeze %scatter3A_883 : memref<1x64x128xf32, #tpu.memory_space<vmem>> -> memref<64x128xf32, #tpu.memory_space<vmem>>
        tpu.vector_store_idx %scatter3A_884[%add3A_877, %add3A_558], %mul3A_880 : memref<64x128xf32, #tpu.memory_space<vmem>>[vector<16xi32>, vector<16xi32>], vector<16xf32>,
        %add3A_885 = arith.addi %add3A_820, %and3A_29 : vector<16xi32>
        %gather3A_886 = arith.constant 0 : i32
        %gather3A_887 = arith.constant 0 : i32
        %gather3A_888 = tpu.memref_slice %arg8[%and3A_469, %gather3A_886, %gather3A_887] : memref<2x128x128xf32, #tpu.memory_space<vmem>> -> memref<1x128x128xf32, #tpu.memory_space<vmem>>
        %gather3A_889 = tpu.memref_squeeze %gather3A_888 : memref<1x128x128xf32, #tpu.memory_space<vmem>> -> memref<128x128xf32, #tpu.memory_space<vmem>>
        %gather3A_890 = tpu.vector_load_idx %gather3A_889[%add3A_558, %add3A_885] : memref<128x128xf32, #tpu.memory_space<vmem>>[vector<16xi32>, vector<16xi32>], vector<16xf32>,
        %add3A_891 = arith.constant 16 : i32
        %add3A_892 = vector.broadcast %add3A_891 : i32 to vector<16xi32>
        %add3A_893 = arith.addi %add3A_892, %and3A_29 : vector<16xi32>
        %mul3A_894 = arith.constant 8.000000e+00 : f32
        %mul3A_895 = vector.broadcast %mul3A_894 : f32 to vector<16xf32>
        %mul3A_896 = arith.mulf %gather3A_890, %mul3A_895 : vector<16xf32>
        %scatter3A_897 = arith.constant 0 : i32
        %scatter3A_898 = arith.constant 0 : i32
        %scatter3A_899 = tpu.memref_slice %arg9[%and3A_469, %scatter3A_897, %scatter3A_898] : memref<2x64x128xf32, #tpu.memory_space<vmem>> -> memref<1x64x128xf32, #tpu.memory_space<vmem>>
        %scatter3A_900 = tpu.memref_squeeze %scatter3A_899 : memref<1x64x128xf32, #tpu.memory_space<vmem>> -> memref<64x128xf32, #tpu.memory_space<vmem>>
        tpu.vector_store_idx %scatter3A_900[%add3A_893, %add3A_558], %mul3A_896 : memref<64x128xf32, #tpu.memory_space<vmem>>[vector<16xi32>, vector<16xi32>], vector<16xf32>,
        %add3A_901 = arith.addi %add3A_820, %and3A_35 : vector<16xi32>
        %gather3A_902 = arith.constant 0 : i32
        %gather3A_903 = arith.constant 0 : i32
        %gather3A_904 = tpu.memref_slice %arg8[%and3A_469, %gather3A_902, %gather3A_903] : memref<2x128x128xf32, #tpu.memory_space<vmem>> -> memref<1x128x128xf32, #tpu.memory_space<vmem>>
        %gather3A_905 = tpu.memref_squeeze %gather3A_904 : memref<1x128x128xf32, #tpu.memory_space<vmem>> -> memref<128x128xf32, #tpu.memory_space<vmem>>
        %gather3A_906 = tpu.vector_load_idx %gather3A_905[%add3A_558, %add3A_901] : memref<128x128xf32, #tpu.memory_space<vmem>>[vector<16xi32>, vector<16xi32>], vector<16xf32>,
        %add3A_907 = arith.constant 16 : i32
        %add3A_908 = vector.broadcast %add3A_907 : i32 to vector<16xi32>
        %add3A_909 = arith.addi %add3A_908, %and3A_35 : vector<16xi32>
        %mul3A_910 = arith.constant 8.000000e+00 : f32
        %mul3A_911 = vector.broadcast %mul3A_910 : f32 to vector<16xf32>
        %mul3A_912 = arith.mulf %gather3A_906, %mul3A_911 : vector<16xf32>
        %scatter3A_913 = arith.constant 0 : i32
        %scatter3A_914 = arith.constant 0 : i32
        %scatter3A_915 = tpu.memref_slice %arg9[%and3A_469, %scatter3A_913, %scatter3A_914] : memref<2x64x128xf32, #tpu.memory_space<vmem>> -> memref<1x64x128xf32, #tpu.memory_space<vmem>>
        %scatter3A_916 = tpu.memref_squeeze %scatter3A_915 : memref<1x64x128xf32, #tpu.memory_space<vmem>> -> memref<64x128xf32, #tpu.memory_space<vmem>>
        tpu.vector_store_idx %scatter3A_916[%add3A_909, %add3A_558], %mul3A_912 : memref<64x128xf32, #tpu.memory_space<vmem>>[vector<16xi32>, vector<16xi32>], vector<16xf32>,
        %add3A_917 = arith.addi %add3A_820, %and3A_41 : vector<16xi32>
        %gather3A_918 = arith.constant 0 : i32
        %gather3A_919 = arith.constant 0 : i32
        %gather3A_920 = tpu.memref_slice %arg8[%and3A_469, %gather3A_918, %gather3A_919] : memref<2x128x128xf32, #tpu.memory_space<vmem>> -> memref<1x128x128xf32, #tpu.memory_space<vmem>>
        %gather3A_921 = tpu.memref_squeeze %gather3A_920 : memref<1x128x128xf32, #tpu.memory_space<vmem>> -> memref<128x128xf32, #tpu.memory_space<vmem>>
        %gather3A_922 = tpu.vector_load_idx %gather3A_921[%add3A_558, %add3A_917] : memref<128x128xf32, #tpu.memory_space<vmem>>[vector<16xi32>, vector<16xi32>], vector<16xf32>,
        %add3A_923 = arith.constant 16 : i32
        %add3A_924 = vector.broadcast %add3A_923 : i32 to vector<16xi32>
        %add3A_925 = arith.addi %add3A_924, %and3A_41 : vector<16xi32>
        %mul3A_926 = arith.constant 8.000000e+00 : f32
        %mul3A_927 = vector.broadcast %mul3A_926 : f32 to vector<16xf32>
        %mul3A_928 = arith.mulf %gather3A_922, %mul3A_927 : vector<16xf32>
        %scatter3A_929 = arith.constant 0 : i32
        %scatter3A_930 = arith.constant 0 : i32
        %scatter3A_931 = tpu.memref_slice %arg9[%and3A_469, %scatter3A_929, %scatter3A_930] : memref<2x64x128xf32, #tpu.memory_space<vmem>> -> memref<1x64x128xf32, #tpu.memory_space<vmem>>
        %scatter3A_932 = tpu.memref_squeeze %scatter3A_931 : memref<1x64x128xf32, #tpu.memory_space<vmem>> -> memref<64x128xf32, #tpu.memory_space<vmem>>
        tpu.vector_store_idx %scatter3A_932[%add3A_925, %add3A_558], %mul3A_928 : memref<64x128xf32, #tpu.memory_space<vmem>>[vector<16xi32>, vector<16xi32>], vector<16xf32>,
        %add3A_933 = arith.addi %add3A_820, %and3A_47 : vector<16xi32>
        %gather3A_934 = arith.constant 0 : i32
        %gather3A_935 = arith.constant 0 : i32
        %gather3A_936 = tpu.memref_slice %arg8[%and3A_469, %gather3A_934, %gather3A_935] : memref<2x128x128xf32, #tpu.memory_space<vmem>> -> memref<1x128x128xf32, #tpu.memory_space<vmem>>
        %gather3A_937 = tpu.memref_squeeze %gather3A_936 : memref<1x128x128xf32, #tpu.memory_space<vmem>> -> memref<128x128xf32, #tpu.memory_space<vmem>>
        %gather3A_938 = tpu.vector_load_idx %gather3A_937[%add3A_558, %add3A_933] : memref<128x128xf32, #tpu.memory_space<vmem>>[vector<16xi32>, vector<16xi32>], vector<16xf32>,
        %add3A_939 = arith.constant 16 : i32
        %add3A_940 = vector.broadcast %add3A_939 : i32 to vector<16xi32>
        %add3A_941 = arith.addi %add3A_940, %and3A_47 : vector<16xi32>
        %mul3A_942 = arith.constant 8.000000e+00 : f32
        %mul3A_943 = vector.broadcast %mul3A_942 : f32 to vector<16xf32>
        %mul3A_944 = arith.mulf %gather3A_938, %mul3A_943 : vector<16xf32>
        %scatter3A_945 = arith.constant 0 : i32
        %scatter3A_946 = arith.constant 0 : i32
        %scatter3A_947 = tpu.memref_slice %arg9[%and3A_469, %scatter3A_945, %scatter3A_946] : memref<2x64x128xf32, #tpu.memory_space<vmem>> -> memref<1x64x128xf32, #tpu.memory_space<vmem>>
        %scatter3A_948 = tpu.memref_squeeze %scatter3A_947 : memref<1x64x128xf32, #tpu.memory_space<vmem>> -> memref<64x128xf32, #tpu.memory_space<vmem>>
        tpu.vector_store_idx %scatter3A_948[%add3A_941, %add3A_558], %mul3A_944 : memref<64x128xf32, #tpu.memory_space<vmem>>[vector<16xi32>, vector<16xi32>], vector<16xf32>,
        %add3A_949 = arith.addi %add3A_820, %and3A_53 : vector<16xi32>
        %gather3A_950 = arith.constant 0 : i32
        %gather3A_951 = arith.constant 0 : i32
        %gather3A_952 = tpu.memref_slice %arg8[%and3A_469, %gather3A_950, %gather3A_951] : memref<2x128x128xf32, #tpu.memory_space<vmem>> -> memref<1x128x128xf32, #tpu.memory_space<vmem>>
        %gather3A_953 = tpu.memref_squeeze %gather3A_952 : memref<1x128x128xf32, #tpu.memory_space<vmem>> -> memref<128x128xf32, #tpu.memory_space<vmem>>
        %gather3A_954 = tpu.vector_load_idx %gather3A_953[%add3A_558, %add3A_949] : memref<128x128xf32, #tpu.memory_space<vmem>>[vector<16xi32>, vector<16xi32>], vector<16xf32>,
        %add3A_955 = arith.constant 16 : i32
        %add3A_956 = vector.broadcast %add3A_955 : i32 to vector<16xi32>
        %add3A_957 = arith.addi %add3A_956, %and3A_53 : vector<16xi32>
        %mul3A_958 = arith.constant 8.000000e+00 : f32
        %mul3A_959 = vector.broadcast %mul3A_958 : f32 to vector<16xf32>
        %mul3A_960 = arith.mulf %gather3A_954, %mul3A_959 : vector<16xf32>
        %scatter3A_961 = arith.constant 0 : i32
        %scatter3A_962 = arith.constant 0 : i32
        %scatter3A_963 = tpu.memref_slice %arg9[%and3A_469, %scatter3A_961, %scatter3A_962] : memref<2x64x128xf32, #tpu.memory_space<vmem>> -> memref<1x64x128xf32, #tpu.memory_space<vmem>>
        %scatter3A_964 = tpu.memref_squeeze %scatter3A_963 : memref<1x64x128xf32, #tpu.memory_space<vmem>> -> memref<64x128xf32, #tpu.memory_space<vmem>>
        tpu.vector_store_idx %scatter3A_964[%add3A_957, %add3A_558], %mul3A_960 : memref<64x128xf32, #tpu.memory_space<vmem>>[vector<16xi32>, vector<16xi32>], vector<16xf32>,
        %add3A_965 = arith.addi %add3A_820, %and3A_59 : vector<16xi32>
        %gather3A_966 = arith.constant 0 : i32
        %gather3A_967 = arith.constant 0 : i32
        %gather3A_968 = tpu.memref_slice %arg8[%and3A_469, %gather3A_966, %gather3A_967] : memref<2x128x128xf32, #tpu.memory_space<vmem>> -> memref<1x128x128xf32, #tpu.memory_space<vmem>>
        %gather3A_969 = tpu.memref_squeeze %gather3A_968 : memref<1x128x128xf32, #tpu.memory_space<vmem>> -> memref<128x128xf32, #tpu.memory_space<vmem>>
        %gather3A_970 = tpu.vector_load_idx %gather3A_969[%add3A_558, %add3A_965] : memref<128x128xf32, #tpu.memory_space<vmem>>[vector<16xi32>, vector<16xi32>], vector<16xf32>,
        %add3A_971 = arith.constant 16 : i32
        %add3A_972 = vector.broadcast %add3A_971 : i32 to vector<16xi32>
        %add3A_973 = arith.addi %add3A_972, %and3A_59 : vector<16xi32>
        %mul3A_974 = arith.constant 8.000000e+00 : f32
        %mul3A_975 = vector.broadcast %mul3A_974 : f32 to vector<16xf32>
        %mul3A_976 = arith.mulf %gather3A_970, %mul3A_975 : vector<16xf32>
        %scatter3A_977 = arith.constant 0 : i32
        %scatter3A_978 = arith.constant 0 : i32
        %scatter3A_979 = tpu.memref_slice %arg9[%and3A_469, %scatter3A_977, %scatter3A_978] : memref<2x64x128xf32, #tpu.memory_space<vmem>> -> memref<1x64x128xf32, #tpu.memory_space<vmem>>
        %scatter3A_980 = tpu.memref_squeeze %scatter3A_979 : memref<1x64x128xf32, #tpu.memory_space<vmem>> -> memref<64x128xf32, #tpu.memory_space<vmem>>
        tpu.vector_store_idx %scatter3A_980[%add3A_973, %add3A_558], %mul3A_976 : memref<64x128xf32, #tpu.memory_space<vmem>>[vector<16xi32>, vector<16xi32>], vector<16xf32>,
        %add3A_981 = arith.addi %add3A_820, %and3A_65 : vector<16xi32>
        %gather3A_982 = arith.constant 0 : i32
        %gather3A_983 = arith.constant 0 : i32
        %gather3A_984 = tpu.memref_slice %arg8[%and3A_469, %gather3A_982, %gather3A_983] : memref<2x128x128xf32, #tpu.memory_space<vmem>> -> memref<1x128x128xf32, #tpu.memory_space<vmem>>
        %gather3A_985 = tpu.memref_squeeze %gather3A_984 : memref<1x128x128xf32, #tpu.memory_space<vmem>> -> memref<128x128xf32, #tpu.memory_space<vmem>>
        %gather3A_986 = tpu.vector_load_idx %gather3A_985[%add3A_558, %add3A_981] : memref<128x128xf32, #tpu.memory_space<vmem>>[vector<16xi32>, vector<16xi32>], vector<16xf32>,
        %add3A_987 = arith.constant 16 : i32
        %add3A_988 = vector.broadcast %add3A_987 : i32 to vector<16xi32>
        %add3A_989 = arith.addi %add3A_988, %and3A_65 : vector<16xi32>
        %mul3A_990 = arith.constant 8.000000e+00 : f32
        %mul3A_991 = vector.broadcast %mul3A_990 : f32 to vector<16xf32>
        %mul3A_992 = arith.mulf %gather3A_986, %mul3A_991 : vector<16xf32>
        %scatter3A_993 = arith.constant 0 : i32
        %scatter3A_994 = arith.constant 0 : i32
        %scatter3A_995 = tpu.memref_slice %arg9[%and3A_469, %scatter3A_993, %scatter3A_994] : memref<2x64x128xf32, #tpu.memory_space<vmem>> -> memref<1x64x128xf32, #tpu.memory_space<vmem>>
        %scatter3A_996 = tpu.memref_squeeze %scatter3A_995 : memref<1x64x128xf32, #tpu.memory_space<vmem>> -> memref<64x128xf32, #tpu.memory_space<vmem>>
        tpu.vector_store_idx %scatter3A_996[%add3A_989, %add3A_558], %mul3A_992 : memref<64x128xf32, #tpu.memory_space<vmem>>[vector<16xi32>, vector<16xi32>], vector<16xf32>,
        %add3A_997 = arith.addi %add3A_820, %and3A_71 : vector<16xi32>
        %gather3A_998 = arith.constant 0 : i32
        %gather3A_999 = arith.constant 0 : i32
        %gather3A_1000 = tpu.memref_slice %arg8[%and3A_469, %gather3A_998, %gather3A_999] : memref<2x128x128xf32, #tpu.memory_space<vmem>> -> memref<1x128x128xf32, #tpu.memory_space<vmem>>
        %gather3A_1001 = tpu.memref_squeeze %gather3A_1000 : memref<1x128x128xf32, #tpu.memory_space<vmem>> -> memref<128x128xf32, #tpu.memory_space<vmem>>
        %gather3A_1002 = tpu.vector_load_idx %gather3A_1001[%add3A_558, %add3A_997] : memref<128x128xf32, #tpu.memory_space<vmem>>[vector<16xi32>, vector<16xi32>], vector<16xf32>,
        %add3A_1003 = arith.constant 16 : i32
        %add3A_1004 = vector.broadcast %add3A_1003 : i32 to vector<16xi32>
        %add3A_1005 = arith.addi %add3A_1004, %and3A_71 : vector<16xi32>
        %mul3A_1006 = arith.constant 8.000000e+00 : f32
        %mul3A_1007 = vector.broadcast %mul3A_1006 : f32 to vector<16xf32>
        %mul3A_1008 = arith.mulf %gather3A_1002, %mul3A_1007 : vector<16xf32>
        %scatter3A_1009 = arith.constant 0 : i32
        %scatter3A_1010 = arith.constant 0 : i32
        %scatter3A_1011 = tpu.memref_slice %arg9[%and3A_469, %scatter3A_1009, %scatter3A_1010] : memref<2x64x128xf32, #tpu.memory_space<vmem>> -> memref<1x64x128xf32, #tpu.memory_space<vmem>>
        %scatter3A_1012 = tpu.memref_squeeze %scatter3A_1011 : memref<1x64x128xf32, #tpu.memory_space<vmem>> -> memref<64x128xf32, #tpu.memory_space<vmem>>
        tpu.vector_store_idx %scatter3A_1012[%add3A_1005, %add3A_558], %mul3A_1008 : memref<64x128xf32, #tpu.memory_space<vmem>>[vector<16xi32>, vector<16xi32>], vector<16xf32>,
        %add3A_1013 = arith.addi %add3A_820, %and3A_77 : vector<16xi32>
        %gather3A_1014 = arith.constant 0 : i32
        %gather3A_1015 = arith.constant 0 : i32
        %gather3A_1016 = tpu.memref_slice %arg8[%and3A_469, %gather3A_1014, %gather3A_1015] : memref<2x128x128xf32, #tpu.memory_space<vmem>> -> memref<1x128x128xf32, #tpu.memory_space<vmem>>
        %gather3A_1017 = tpu.memref_squeeze %gather3A_1016 : memref<1x128x128xf32, #tpu.memory_space<vmem>> -> memref<128x128xf32, #tpu.memory_space<vmem>>
        %gather3A_1018 = tpu.vector_load_idx %gather3A_1017[%add3A_558, %add3A_1013] : memref<128x128xf32, #tpu.memory_space<vmem>>[vector<16xi32>, vector<16xi32>], vector<16xf32>,
        %add3A_1019 = arith.constant 16 : i32
        %add3A_1020 = vector.broadcast %add3A_1019 : i32 to vector<16xi32>
        %add3A_1021 = arith.addi %add3A_1020, %and3A_77 : vector<16xi32>
        %mul3A_1022 = arith.constant 8.000000e+00 : f32
        %mul3A_1023 = vector.broadcast %mul3A_1022 : f32 to vector<16xf32>
        %mul3A_1024 = arith.mulf %gather3A_1018, %mul3A_1023 : vector<16xf32>
        %scatter3A_1025 = arith.constant 0 : i32
        %scatter3A_1026 = arith.constant 0 : i32
        %scatter3A_1027 = tpu.memref_slice %arg9[%and3A_469, %scatter3A_1025, %scatter3A_1026] : memref<2x64x128xf32, #tpu.memory_space<vmem>> -> memref<1x64x128xf32, #tpu.memory_space<vmem>>
        %scatter3A_1028 = tpu.memref_squeeze %scatter3A_1027 : memref<1x64x128xf32, #tpu.memory_space<vmem>> -> memref<64x128xf32, #tpu.memory_space<vmem>>
        tpu.vector_store_idx %scatter3A_1028[%add3A_1021, %add3A_558], %mul3A_1024 : memref<64x128xf32, #tpu.memory_space<vmem>>[vector<16xi32>, vector<16xi32>], vector<16xf32>,
        %add3A_1029 = arith.addi %add3A_820, %and3A_83 : vector<16xi32>
        %gather3A_1030 = arith.constant 0 : i32
        %gather3A_1031 = arith.constant 0 : i32
        %gather3A_1032 = tpu.memref_slice %arg8[%and3A_469, %gather3A_1030, %gather3A_1031] : memref<2x128x128xf32, #tpu.memory_space<vmem>> -> memref<1x128x128xf32, #tpu.memory_space<vmem>>
        %gather3A_1033 = tpu.memref_squeeze %gather3A_1032 : memref<1x128x128xf32, #tpu.memory_space<vmem>> -> memref<128x128xf32, #tpu.memory_space<vmem>>
        %gather3A_1034 = tpu.vector_load_idx %gather3A_1033[%add3A_558, %add3A_1029] : memref<128x128xf32, #tpu.memory_space<vmem>>[vector<16xi32>, vector<16xi32>], vector<16xf32>,
        %add3A_1035 = arith.constant 16 : i32
        %add3A_1036 = vector.broadcast %add3A_1035 : i32 to vector<16xi32>
        %add3A_1037 = arith.addi %add3A_1036, %and3A_83 : vector<16xi32>
        %mul3A_1038 = arith.constant 8.000000e+00 : f32
        %mul3A_1039 = vector.broadcast %mul3A_1038 : f32 to vector<16xf32>
        %mul3A_1040 = arith.mulf %gather3A_1034, %mul3A_1039 : vector<16xf32>
        %scatter3A_1041 = arith.constant 0 : i32
        %scatter3A_1042 = arith.constant 0 : i32
        %scatter3A_1043 = tpu.memref_slice %arg9[%and3A_469, %scatter3A_1041, %scatter3A_1042] : memref<2x64x128xf32, #tpu.memory_space<vmem>> -> memref<1x64x128xf32, #tpu.memory_space<vmem>>
        %scatter3A_1044 = tpu.memref_squeeze %scatter3A_1043 : memref<1x64x128xf32, #tpu.memory_space<vmem>> -> memref<64x128xf32, #tpu.memory_space<vmem>>
        tpu.vector_store_idx %scatter3A_1044[%add3A_1037, %add3A_558], %mul3A_1040 : memref<64x128xf32, #tpu.memory_space<vmem>>[vector<16xi32>, vector<16xi32>], vector<16xf32>,
        %add3A_1045 = arith.addi %add3A_820, %and3A_89 : vector<16xi32>
        %gather3A_1046 = arith.constant 0 : i32
        %gather3A_1047 = arith.constant 0 : i32
        %gather3A_1048 = tpu.memref_slice %arg8[%and3A_469, %gather3A_1046, %gather3A_1047] : memref<2x128x128xf32, #tpu.memory_space<vmem>> -> memref<1x128x128xf32, #tpu.memory_space<vmem>>
        %gather3A_1049 = tpu.memref_squeeze %gather3A_1048 : memref<1x128x128xf32, #tpu.memory_space<vmem>> -> memref<128x128xf32, #tpu.memory_space<vmem>>
        %gather3A_1050 = tpu.vector_load_idx %gather3A_1049[%add3A_558, %add3A_1045] : memref<128x128xf32, #tpu.memory_space<vmem>>[vector<16xi32>, vector<16xi32>], vector<16xf32>,
        %add3A_1051 = arith.constant 16 : i32
        %add3A_1052 = vector.broadcast %add3A_1051 : i32 to vector<16xi32>
        %add3A_1053 = arith.addi %add3A_1052, %and3A_89 : vector<16xi32>
        %mul3A_1054 = arith.constant 8.000000e+00 : f32
        %mul3A_1055 = vector.broadcast %mul3A_1054 : f32 to vector<16xf32>
        %mul3A_1056 = arith.mulf %gather3A_1050, %mul3A_1055 : vector<16xf32>
        %scatter3A_1057 = arith.constant 0 : i32
        %scatter3A_1058 = arith.constant 0 : i32
        %scatter3A_1059 = tpu.memref_slice %arg9[%and3A_469, %scatter3A_1057, %scatter3A_1058] : memref<2x64x128xf32, #tpu.memory_space<vmem>> -> memref<1x64x128xf32, #tpu.memory_space<vmem>>
        %scatter3A_1060 = tpu.memref_squeeze %scatter3A_1059 : memref<1x64x128xf32, #tpu.memory_space<vmem>> -> memref<64x128xf32, #tpu.memory_space<vmem>>
        tpu.vector_store_idx %scatter3A_1060[%add3A_1053, %add3A_558], %mul3A_1056 : memref<64x128xf32, #tpu.memory_space<vmem>>[vector<16xi32>, vector<16xi32>], vector<16xf32>,
        %add3A_1061 = arith.addi %add3A_820, %and3A_95 : vector<16xi32>
        %gather3A_1062 = arith.constant 0 : i32
        %gather3A_1063 = arith.constant 0 : i32
        %gather3A_1064 = tpu.memref_slice %arg8[%and3A_469, %gather3A_1062, %gather3A_1063] : memref<2x128x128xf32, #tpu.memory_space<vmem>> -> memref<1x128x128xf32, #tpu.memory_space<vmem>>
        %gather3A_1065 = tpu.memref_squeeze %gather3A_1064 : memref<1x128x128xf32, #tpu.memory_space<vmem>> -> memref<128x128xf32, #tpu.memory_space<vmem>>
        %gather3A_1066 = tpu.vector_load_idx %gather3A_1065[%add3A_558, %add3A_1061] : memref<128x128xf32, #tpu.memory_space<vmem>>[vector<16xi32>, vector<16xi32>], vector<16xf32>,
        %add3A_1067 = arith.constant 16 : i32
        %add3A_1068 = vector.broadcast %add3A_1067 : i32 to vector<16xi32>
        %add3A_1069 = arith.addi %add3A_1068, %and3A_95 : vector<16xi32>
        %mul3A_1070 = arith.constant 8.000000e+00 : f32
        %mul3A_1071 = vector.broadcast %mul3A_1070 : f32 to vector<16xf32>
        %mul3A_1072 = arith.mulf %gather3A_1066, %mul3A_1071 : vector<16xf32>
        %scatter3A_1073 = arith.constant 0 : i32
        %scatter3A_1074 = arith.constant 0 : i32
        %scatter3A_1075 = tpu.memref_slice %arg9[%and3A_469, %scatter3A_1073, %scatter3A_1074] : memref<2x64x128xf32, #tpu.memory_space<vmem>> -> memref<1x64x128xf32, #tpu.memory_space<vmem>>
        %scatter3A_1076 = tpu.memref_squeeze %scatter3A_1075 : memref<1x64x128xf32, #tpu.memory_space<vmem>> -> memref<64x128xf32, #tpu.memory_space<vmem>>
        tpu.vector_store_idx %scatter3A_1076[%add3A_1069, %add3A_558], %mul3A_1072 : memref<64x128xf32, #tpu.memory_space<vmem>>[vector<16xi32>, vector<16xi32>], vector<16xf32>,
        %add3A_1077 = arith.constant 32 : i32
        %add3A_1078 = vector.broadcast %add3A_1077 : i32 to vector<16xi32>
        %add3A_1079 = arith.addi %get3A_560, %add3A_1078 : vector<16xi32>
        %add3A_1080 = arith.addi %add3A_1079, %and3A_5 : vector<16xi32>
        %gather3A_1081 = arith.constant 0 : i32
        %gather3A_1082 = arith.constant 0 : i32
        %gather3A_1083 = tpu.memref_slice %arg8[%and3A_469, %gather3A_1081, %gather3A_1082] : memref<2x128x128xf32, #tpu.memory_space<vmem>> -> memref<1x128x128xf32, #tpu.memory_space<vmem>>
        %gather3A_1084 = tpu.memref_squeeze %gather3A_1083 : memref<1x128x128xf32, #tpu.memory_space<vmem>> -> memref<128x128xf32, #tpu.memory_space<vmem>>
        %gather3A_1085 = tpu.vector_load_idx %gather3A_1084[%add3A_558, %add3A_1080] : memref<128x128xf32, #tpu.memory_space<vmem>>[vector<16xi32>, vector<16xi32>], vector<16xf32>,
        %add3A_1086 = arith.constant 32 : i32
        %add3A_1087 = vector.broadcast %add3A_1086 : i32 to vector<16xi32>
        %add3A_1088 = arith.addi %add3A_1087, %and3A_5 : vector<16xi32>
        %mul3A_1089 = arith.constant 8.000000e+00 : f32
        %mul3A_1090 = vector.broadcast %mul3A_1089 : f32 to vector<16xf32>
        %mul3A_1091 = arith.mulf %gather3A_1085, %mul3A_1090 : vector<16xf32>
        %scatter3A_1092 = arith.constant 0 : i32
        %scatter3A_1093 = arith.constant 0 : i32
        %scatter3A_1094 = tpu.memref_slice %arg9[%and3A_469, %scatter3A_1092, %scatter3A_1093] : memref<2x64x128xf32, #tpu.memory_space<vmem>> -> memref<1x64x128xf32, #tpu.memory_space<vmem>>
        %scatter3A_1095 = tpu.memref_squeeze %scatter3A_1094 : memref<1x64x128xf32, #tpu.memory_space<vmem>> -> memref<64x128xf32, #tpu.memory_space<vmem>>
        tpu.vector_store_idx %scatter3A_1095[%add3A_1088, %add3A_558], %mul3A_1091 : memref<64x128xf32, #tpu.memory_space<vmem>>[vector<16xi32>, vector<16xi32>], vector<16xf32>,
        %add3A_1096 = arith.addi %add3A_1079, %and3A_11 : vector<16xi32>
        %gather3A_1097 = arith.constant 0 : i32
        %gather3A_1098 = arith.constant 0 : i32
        %gather3A_1099 = tpu.memref_slice %arg8[%and3A_469, %gather3A_1097, %gather3A_1098] : memref<2x128x128xf32, #tpu.memory_space<vmem>> -> memref<1x128x128xf32, #tpu.memory_space<vmem>>
        %gather3A_1100 = tpu.memref_squeeze %gather3A_1099 : memref<1x128x128xf32, #tpu.memory_space<vmem>> -> memref<128x128xf32, #tpu.memory_space<vmem>>
        %gather3A_1101 = tpu.vector_load_idx %gather3A_1100[%add3A_558, %add3A_1096] : memref<128x128xf32, #tpu.memory_space<vmem>>[vector<16xi32>, vector<16xi32>], vector<16xf32>,
        %add3A_1102 = arith.constant 32 : i32
        %add3A_1103 = vector.broadcast %add3A_1102 : i32 to vector<16xi32>
        %add3A_1104 = arith.addi %add3A_1103, %and3A_11 : vector<16xi32>
        %mul3A_1105 = arith.constant 8.000000e+00 : f32
        %mul3A_1106 = vector.broadcast %mul3A_1105 : f32 to vector<16xf32>
        %mul3A_1107 = arith.mulf %gather3A_1101, %mul3A_1106 : vector<16xf32>
        %scatter3A_1108 = arith.constant 0 : i32
        %scatter3A_1109 = arith.constant 0 : i32
        %scatter3A_1110 = tpu.memref_slice %arg9[%and3A_469, %scatter3A_1108, %scatter3A_1109] : memref<2x64x128xf32, #tpu.memory_space<vmem>> -> memref<1x64x128xf32, #tpu.memory_space<vmem>>
        %scatter3A_1111 = tpu.memref_squeeze %scatter3A_1110 : memref<1x64x128xf32, #tpu.memory_space<vmem>> -> memref<64x128xf32, #tpu.memory_space<vmem>>
        tpu.vector_store_idx %scatter3A_1111[%add3A_1104, %add3A_558], %mul3A_1107 : memref<64x128xf32, #tpu.memory_space<vmem>>[vector<16xi32>, vector<16xi32>], vector<16xf32>,
        %add3A_1112 = arith.addi %add3A_1079, %and3A_17 : vector<16xi32>
        %gather3A_1113 = arith.constant 0 : i32
        %gather3A_1114 = arith.constant 0 : i32
        %gather3A_1115 = tpu.memref_slice %arg8[%and3A_469, %gather3A_1113, %gather3A_1114] : memref<2x128x128xf32, #tpu.memory_space<vmem>> -> memref<1x128x128xf32, #tpu.memory_space<vmem>>
        %gather3A_1116 = tpu.memref_squeeze %gather3A_1115 : memref<1x128x128xf32, #tpu.memory_space<vmem>> -> memref<128x128xf32, #tpu.memory_space<vmem>>
        %gather3A_1117 = tpu.vector_load_idx %gather3A_1116[%add3A_558, %add3A_1112] : memref<128x128xf32, #tpu.memory_space<vmem>>[vector<16xi32>, vector<16xi32>], vector<16xf32>,
        %add3A_1118 = arith.constant 32 : i32
        %add3A_1119 = vector.broadcast %add3A_1118 : i32 to vector<16xi32>
        %add3A_1120 = arith.addi %add3A_1119, %and3A_17 : vector<16xi32>
        %mul3A_1121 = arith.constant 8.000000e+00 : f32
        %mul3A_1122 = vector.broadcast %mul3A_1121 : f32 to vector<16xf32>
        %mul3A_1123 = arith.mulf %gather3A_1117, %mul3A_1122 : vector<16xf32>
        %scatter3A_1124 = arith.constant 0 : i32
        %scatter3A_1125 = arith.constant 0 : i32
        %scatter3A_1126 = tpu.memref_slice %arg9[%and3A_469, %scatter3A_1124, %scatter3A_1125] : memref<2x64x128xf32, #tpu.memory_space<vmem>> -> memref<1x64x128xf32, #tpu.memory_space<vmem>>
        %scatter3A_1127 = tpu.memref_squeeze %scatter3A_1126 : memref<1x64x128xf32, #tpu.memory_space<vmem>> -> memref<64x128xf32, #tpu.memory_space<vmem>>
        tpu.vector_store_idx %scatter3A_1127[%add3A_1120, %add3A_558], %mul3A_1123 : memref<64x128xf32, #tpu.memory_space<vmem>>[vector<16xi32>, vector<16xi32>], vector<16xf32>,
        %add3A_1128 = arith.addi %add3A_1079, %and3A_23 : vector<16xi32>
        %gather3A_1129 = arith.constant 0 : i32
        %gather3A_1130 = arith.constant 0 : i32
        %gather3A_1131 = tpu.memref_slice %arg8[%and3A_469, %gather3A_1129, %gather3A_1130] : memref<2x128x128xf32, #tpu.memory_space<vmem>> -> memref<1x128x128xf32, #tpu.memory_space<vmem>>
        %gather3A_1132 = tpu.memref_squeeze %gather3A_1131 : memref<1x128x128xf32, #tpu.memory_space<vmem>> -> memref<128x128xf32, #tpu.memory_space<vmem>>
        %gather3A_1133 = tpu.vector_load_idx %gather3A_1132[%add3A_558, %add3A_1128] : memref<128x128xf32, #tpu.memory_space<vmem>>[vector<16xi32>, vector<16xi32>], vector<16xf32>,
        %add3A_1134 = arith.constant 32 : i32
        %add3A_1135 = vector.broadcast %add3A_1134 : i32 to vector<16xi32>
        %add3A_1136 = arith.addi %add3A_1135, %and3A_23 : vector<16xi32>
        %mul3A_1137 = arith.constant 8.000000e+00 : f32
        %mul3A_1138 = vector.broadcast %mul3A_1137 : f32 to vector<16xf32>
        %mul3A_1139 = arith.mulf %gather3A_1133, %mul3A_1138 : vector<16xf32>
        %scatter3A_1140 = arith.constant 0 : i32
        %scatter3A_1141 = arith.constant 0 : i32
        %scatter3A_1142 = tpu.memref_slice %arg9[%and3A_469, %scatter3A_1140, %scatter3A_1141] : memref<2x64x128xf32, #tpu.memory_space<vmem>> -> memref<1x64x128xf32, #tpu.memory_space<vmem>>
        %scatter3A_1143 = tpu.memref_squeeze %scatter3A_1142 : memref<1x64x128xf32, #tpu.memory_space<vmem>> -> memref<64x128xf32, #tpu.memory_space<vmem>>
        tpu.vector_store_idx %scatter3A_1143[%add3A_1136, %add3A_558], %mul3A_1139 : memref<64x128xf32, #tpu.memory_space<vmem>>[vector<16xi32>, vector<16xi32>], vector<16xf32>,
        %add3A_1144 = arith.addi %add3A_1079, %and3A_29 : vector<16xi32>
        %gather3A_1145 = arith.constant 0 : i32
        %gather3A_1146 = arith.constant 0 : i32
        %gather3A_1147 = tpu.memref_slice %arg8[%and3A_469, %gather3A_1145, %gather3A_1146] : memref<2x128x128xf32, #tpu.memory_space<vmem>> -> memref<1x128x128xf32, #tpu.memory_space<vmem>>
        %gather3A_1148 = tpu.memref_squeeze %gather3A_1147 : memref<1x128x128xf32, #tpu.memory_space<vmem>> -> memref<128x128xf32, #tpu.memory_space<vmem>>
        %gather3A_1149 = tpu.vector_load_idx %gather3A_1148[%add3A_558, %add3A_1144] : memref<128x128xf32, #tpu.memory_space<vmem>>[vector<16xi32>, vector<16xi32>], vector<16xf32>,
        %add3A_1150 = arith.constant 32 : i32
        %add3A_1151 = vector.broadcast %add3A_1150 : i32 to vector<16xi32>
        %add3A_1152 = arith.addi %add3A_1151, %and3A_29 : vector<16xi32>
        %mul3A_1153 = arith.constant 8.000000e+00 : f32
        %mul3A_1154 = vector.broadcast %mul3A_1153 : f32 to vector<16xf32>
        %mul3A_1155 = arith.mulf %gather3A_1149, %mul3A_1154 : vector<16xf32>
        %scatter3A_1156 = arith.constant 0 : i32
        %scatter3A_1157 = arith.constant 0 : i32
        %scatter3A_1158 = tpu.memref_slice %arg9[%and3A_469, %scatter3A_1156, %scatter3A_1157] : memref<2x64x128xf32, #tpu.memory_space<vmem>> -> memref<1x64x128xf32, #tpu.memory_space<vmem>>
        %scatter3A_1159 = tpu.memref_squeeze %scatter3A_1158 : memref<1x64x128xf32, #tpu.memory_space<vmem>> -> memref<64x128xf32, #tpu.memory_space<vmem>>
        tpu.vector_store_idx %scatter3A_1159[%add3A_1152, %add3A_558], %mul3A_1155 : memref<64x128xf32, #tpu.memory_space<vmem>>[vector<16xi32>, vector<16xi32>], vector<16xf32>,
        %add3A_1160 = arith.addi %add3A_1079, %and3A_35 : vector<16xi32>
        %gather3A_1161 = arith.constant 0 : i32
        %gather3A_1162 = arith.constant 0 : i32
        %gather3A_1163 = tpu.memref_slice %arg8[%and3A_469, %gather3A_1161, %gather3A_1162] : memref<2x128x128xf32, #tpu.memory_space<vmem>> -> memref<1x128x128xf32, #tpu.memory_space<vmem>>
        %gather3A_1164 = tpu.memref_squeeze %gather3A_1163 : memref<1x128x128xf32, #tpu.memory_space<vmem>> -> memref<128x128xf32, #tpu.memory_space<vmem>>
        %gather3A_1165 = tpu.vector_load_idx %gather3A_1164[%add3A_558, %add3A_1160] : memref<128x128xf32, #tpu.memory_space<vmem>>[vector<16xi32>, vector<16xi32>], vector<16xf32>,
        %add3A_1166 = arith.constant 32 : i32
        %add3A_1167 = vector.broadcast %add3A_1166 : i32 to vector<16xi32>
        %add3A_1168 = arith.addi %add3A_1167, %and3A_35 : vector<16xi32>
        %mul3A_1169 = arith.constant 8.000000e+00 : f32
        %mul3A_1170 = vector.broadcast %mul3A_1169 : f32 to vector<16xf32>
        %mul3A_1171 = arith.mulf %gather3A_1165, %mul3A_1170 : vector<16xf32>
        %scatter3A_1172 = arith.constant 0 : i32
        %scatter3A_1173 = arith.constant 0 : i32
        %scatter3A_1174 = tpu.memref_slice %arg9[%and3A_469, %scatter3A_1172, %scatter3A_1173] : memref<2x64x128xf32, #tpu.memory_space<vmem>> -> memref<1x64x128xf32, #tpu.memory_space<vmem>>
        %scatter3A_1175 = tpu.memref_squeeze %scatter3A_1174 : memref<1x64x128xf32, #tpu.memory_space<vmem>> -> memref<64x128xf32, #tpu.memory_space<vmem>>
        tpu.vector_store_idx %scatter3A_1175[%add3A_1168, %add3A_558], %mul3A_1171 : memref<64x128xf32, #tpu.memory_space<vmem>>[vector<16xi32>, vector<16xi32>], vector<16xf32>,
        %add3A_1176 = arith.addi %add3A_1079, %and3A_41 : vector<16xi32>
        %gather3A_1177 = arith.constant 0 : i32
        %gather3A_1178 = arith.constant 0 : i32
        %gather3A_1179 = tpu.memref_slice %arg8[%and3A_469, %gather3A_1177, %gather3A_1178] : memref<2x128x128xf32, #tpu.memory_space<vmem>> -> memref<1x128x128xf32, #tpu.memory_space<vmem>>
        %gather3A_1180 = tpu.memref_squeeze %gather3A_1179 : memref<1x128x128xf32, #tpu.memory_space<vmem>> -> memref<128x128xf32, #tpu.memory_space<vmem>>
        %gather3A_1181 = tpu.vector_load_idx %gather3A_1180[%add3A_558, %add3A_1176] : memref<128x128xf32, #tpu.memory_space<vmem>>[vector<16xi32>, vector<16xi32>], vector<16xf32>,
        %add3A_1182 = arith.constant 32 : i32
        %add3A_1183 = vector.broadcast %add3A_1182 : i32 to vector<16xi32>
        %add3A_1184 = arith.addi %add3A_1183, %and3A_41 : vector<16xi32>
        %mul3A_1185 = arith.constant 8.000000e+00 : f32
        %mul3A_1186 = vector.broadcast %mul3A_1185 : f32 to vector<16xf32>
        %mul3A_1187 = arith.mulf %gather3A_1181, %mul3A_1186 : vector<16xf32>
        %scatter3A_1188 = arith.constant 0 : i32
        %scatter3A_1189 = arith.constant 0 : i32
        %scatter3A_1190 = tpu.memref_slice %arg9[%and3A_469, %scatter3A_1188, %scatter3A_1189] : memref<2x64x128xf32, #tpu.memory_space<vmem>> -> memref<1x64x128xf32, #tpu.memory_space<vmem>>
        %scatter3A_1191 = tpu.memref_squeeze %scatter3A_1190 : memref<1x64x128xf32, #tpu.memory_space<vmem>> -> memref<64x128xf32, #tpu.memory_space<vmem>>
        tpu.vector_store_idx %scatter3A_1191[%add3A_1184, %add3A_558], %mul3A_1187 : memref<64x128xf32, #tpu.memory_space<vmem>>[vector<16xi32>, vector<16xi32>], vector<16xf32>,
        %add3A_1192 = arith.addi %add3A_1079, %and3A_47 : vector<16xi32>
        %gather3A_1193 = arith.constant 0 : i32
        %gather3A_1194 = arith.constant 0 : i32
        %gather3A_1195 = tpu.memref_slice %arg8[%and3A_469, %gather3A_1193, %gather3A_1194] : memref<2x128x128xf32, #tpu.memory_space<vmem>> -> memref<1x128x128xf32, #tpu.memory_space<vmem>>
        %gather3A_1196 = tpu.memref_squeeze %gather3A_1195 : memref<1x128x128xf32, #tpu.memory_space<vmem>> -> memref<128x128xf32, #tpu.memory_space<vmem>>
        %gather3A_1197 = tpu.vector_load_idx %gather3A_1196[%add3A_558, %add3A_1192] : memref<128x128xf32, #tpu.memory_space<vmem>>[vector<16xi32>, vector<16xi32>], vector<16xf32>,
        %add3A_1198 = arith.constant 32 : i32
        %add3A_1199 = vector.broadcast %add3A_1198 : i32 to vector<16xi32>
        %add3A_1200 = arith.addi %add3A_1199, %and3A_47 : vector<16xi32>
        %mul3A_1201 = arith.constant 8.000000e+00 : f32
        %mul3A_1202 = vector.broadcast %mul3A_1201 : f32 to vector<16xf32>
        %mul3A_1203 = arith.mulf %gather3A_1197, %mul3A_1202 : vector<16xf32>
        %scatter3A_1204 = arith.constant 0 : i32
        %scatter3A_1205 = arith.constant 0 : i32
        %scatter3A_1206 = tpu.memref_slice %arg9[%and3A_469, %scatter3A_1204, %scatter3A_1205] : memref<2x64x128xf32, #tpu.memory_space<vmem>> -> memref<1x64x128xf32, #tpu.memory_space<vmem>>
        %scatter3A_1207 = tpu.memref_squeeze %scatter3A_1206 : memref<1x64x128xf32, #tpu.memory_space<vmem>> -> memref<64x128xf32, #tpu.memory_space<vmem>>
        tpu.vector_store_idx %scatter3A_1207[%add3A_1200, %add3A_558], %mul3A_1203 : memref<64x128xf32, #tpu.memory_space<vmem>>[vector<16xi32>, vector<16xi32>], vector<16xf32>,
        %add3A_1208 = arith.addi %add3A_1079, %and3A_53 : vector<16xi32>
        %gather3A_1209 = arith.constant 0 : i32
        %gather3A_1210 = arith.constant 0 : i32
        %gather3A_1211 = tpu.memref_slice %arg8[%and3A_469, %gather3A_1209, %gather3A_1210] : memref<2x128x128xf32, #tpu.memory_space<vmem>> -> memref<1x128x128xf32, #tpu.memory_space<vmem>>
        %gather3A_1212 = tpu.memref_squeeze %gather3A_1211 : memref<1x128x128xf32, #tpu.memory_space<vmem>> -> memref<128x128xf32, #tpu.memory_space<vmem>>
        %gather3A_1213 = tpu.vector_load_idx %gather3A_1212[%add3A_558, %add3A_1208] : memref<128x128xf32, #tpu.memory_space<vmem>>[vector<16xi32>, vector<16xi32>], vector<16xf32>,
        %add3A_1214 = arith.constant 32 : i32
        %add3A_1215 = vector.broadcast %add3A_1214 : i32 to vector<16xi32>
        %add3A_1216 = arith.addi %add3A_1215, %and3A_53 : vector<16xi32>
        %mul3A_1217 = arith.constant 8.000000e+00 : f32
        %mul3A_1218 = vector.broadcast %mul3A_1217 : f32 to vector<16xf32>
        %mul3A_1219 = arith.mulf %gather3A_1213, %mul3A_1218 : vector<16xf32>
        %scatter3A_1220 = arith.constant 0 : i32
        %scatter3A_1221 = arith.constant 0 : i32
        %scatter3A_1222 = tpu.memref_slice %arg9[%and3A_469, %scatter3A_1220, %scatter3A_1221] : memref<2x64x128xf32, #tpu.memory_space<vmem>> -> memref<1x64x128xf32, #tpu.memory_space<vmem>>
        %scatter3A_1223 = tpu.memref_squeeze %scatter3A_1222 : memref<1x64x128xf32, #tpu.memory_space<vmem>> -> memref<64x128xf32, #tpu.memory_space<vmem>>
        tpu.vector_store_idx %scatter3A_1223[%add3A_1216, %add3A_558], %mul3A_1219 : memref<64x128xf32, #tpu.memory_space<vmem>>[vector<16xi32>, vector<16xi32>], vector<16xf32>,
        %add3A_1224 = arith.addi %add3A_1079, %and3A_59 : vector<16xi32>
        %gather3A_1225 = arith.constant 0 : i32
        %gather3A_1226 = arith.constant 0 : i32
        %gather3A_1227 = tpu.memref_slice %arg8[%and3A_469, %gather3A_1225, %gather3A_1226] : memref<2x128x128xf32, #tpu.memory_space<vmem>> -> memref<1x128x128xf32, #tpu.memory_space<vmem>>
        %gather3A_1228 = tpu.memref_squeeze %gather3A_1227 : memref<1x128x128xf32, #tpu.memory_space<vmem>> -> memref<128x128xf32, #tpu.memory_space<vmem>>
        %gather3A_1229 = tpu.vector_load_idx %gather3A_1228[%add3A_558, %add3A_1224] : memref<128x128xf32, #tpu.memory_space<vmem>>[vector<16xi32>, vector<16xi32>], vector<16xf32>,
        %add3A_1230 = arith.constant 32 : i32
        %add3A_1231 = vector.broadcast %add3A_1230 : i32 to vector<16xi32>
        %add3A_1232 = arith.addi %add3A_1231, %and3A_59 : vector<16xi32>
        %mul3A_1233 = arith.constant 8.000000e+00 : f32
        %mul3A_1234 = vector.broadcast %mul3A_1233 : f32 to vector<16xf32>
        %mul3A_1235 = arith.mulf %gather3A_1229, %mul3A_1234 : vector<16xf32>
        %scatter3A_1236 = arith.constant 0 : i32
        %scatter3A_1237 = arith.constant 0 : i32
        %scatter3A_1238 = tpu.memref_slice %arg9[%and3A_469, %scatter3A_1236, %scatter3A_1237] : memref<2x64x128xf32, #tpu.memory_space<vmem>> -> memref<1x64x128xf32, #tpu.memory_space<vmem>>
        %scatter3A_1239 = tpu.memref_squeeze %scatter3A_1238 : memref<1x64x128xf32, #tpu.memory_space<vmem>> -> memref<64x128xf32, #tpu.memory_space<vmem>>
        tpu.vector_store_idx %scatter3A_1239[%add3A_1232, %add3A_558], %mul3A_1235 : memref<64x128xf32, #tpu.memory_space<vmem>>[vector<16xi32>, vector<16xi32>], vector<16xf32>,
        %add3A_1240 = arith.addi %add3A_1079, %and3A_65 : vector<16xi32>
        %gather3A_1241 = arith.constant 0 : i32
        %gather3A_1242 = arith.constant 0 : i32
        %gather3A_1243 = tpu.memref_slice %arg8[%and3A_469, %gather3A_1241, %gather3A_1242] : memref<2x128x128xf32, #tpu.memory_space<vmem>> -> memref<1x128x128xf32, #tpu.memory_space<vmem>>
        %gather3A_1244 = tpu.memref_squeeze %gather3A_1243 : memref<1x128x128xf32, #tpu.memory_space<vmem>> -> memref<128x128xf32, #tpu.memory_space<vmem>>
        %gather3A_1245 = tpu.vector_load_idx %gather3A_1244[%add3A_558, %add3A_1240] : memref<128x128xf32, #tpu.memory_space<vmem>>[vector<16xi32>, vector<16xi32>], vector<16xf32>,
        %add3A_1246 = arith.constant 32 : i32
        %add3A_1247 = vector.broadcast %add3A_1246 : i32 to vector<16xi32>
        %add3A_1248 = arith.addi %add3A_1247, %and3A_65 : vector<16xi32>
        %mul3A_1249 = arith.constant 8.000000e+00 : f32
        %mul3A_1250 = vector.broadcast %mul3A_1249 : f32 to vector<16xf32>
        %mul3A_1251 = arith.mulf %gather3A_1245, %mul3A_1250 : vector<16xf32>
        %scatter3A_1252 = arith.constant 0 : i32
        %scatter3A_1253 = arith.constant 0 : i32
        %scatter3A_1254 = tpu.memref_slice %arg9[%and3A_469, %scatter3A_1252, %scatter3A_1253] : memref<2x64x128xf32, #tpu.memory_space<vmem>> -> memref<1x64x128xf32, #tpu.memory_space<vmem>>
        %scatter3A_1255 = tpu.memref_squeeze %scatter3A_1254 : memref<1x64x128xf32, #tpu.memory_space<vmem>> -> memref<64x128xf32, #tpu.memory_space<vmem>>
        tpu.vector_store_idx %scatter3A_1255[%add3A_1248, %add3A_558], %mul3A_1251 : memref<64x128xf32, #tpu.memory_space<vmem>>[vector<16xi32>, vector<16xi32>], vector<16xf32>,
        %add3A_1256 = arith.addi %add3A_1079, %and3A_71 : vector<16xi32>
        %gather3A_1257 = arith.constant 0 : i32
        %gather3A_1258 = arith.constant 0 : i32
        %gather3A_1259 = tpu.memref_slice %arg8[%and3A_469, %gather3A_1257, %gather3A_1258] : memref<2x128x128xf32, #tpu.memory_space<vmem>> -> memref<1x128x128xf32, #tpu.memory_space<vmem>>
        %gather3A_1260 = tpu.memref_squeeze %gather3A_1259 : memref<1x128x128xf32, #tpu.memory_space<vmem>> -> memref<128x128xf32, #tpu.memory_space<vmem>>
        %gather3A_1261 = tpu.vector_load_idx %gather3A_1260[%add3A_558, %add3A_1256] : memref<128x128xf32, #tpu.memory_space<vmem>>[vector<16xi32>, vector<16xi32>], vector<16xf32>,
        %add3A_1262 = arith.constant 32 : i32
        %add3A_1263 = vector.broadcast %add3A_1262 : i32 to vector<16xi32>
        %add3A_1264 = arith.addi %add3A_1263, %and3A_71 : vector<16xi32>
        %mul3A_1265 = arith.constant 8.000000e+00 : f32
        %mul3A_1266 = vector.broadcast %mul3A_1265 : f32 to vector<16xf32>
        %mul3A_1267 = arith.mulf %gather3A_1261, %mul3A_1266 : vector<16xf32>
        %scatter3A_1268 = arith.constant 0 : i32
        %scatter3A_1269 = arith.constant 0 : i32
        %scatter3A_1270 = tpu.memref_slice %arg9[%and3A_469, %scatter3A_1268, %scatter3A_1269] : memref<2x64x128xf32, #tpu.memory_space<vmem>> -> memref<1x64x128xf32, #tpu.memory_space<vmem>>
        %scatter3A_1271 = tpu.memref_squeeze %scatter3A_1270 : memref<1x64x128xf32, #tpu.memory_space<vmem>> -> memref<64x128xf32, #tpu.memory_space<vmem>>
        tpu.vector_store_idx %scatter3A_1271[%add3A_1264, %add3A_558], %mul3A_1267 : memref<64x128xf32, #tpu.memory_space<vmem>>[vector<16xi32>, vector<16xi32>], vector<16xf32>,
        %add3A_1272 = arith.addi %add3A_1079, %and3A_77 : vector<16xi32>
        %gather3A_1273 = arith.constant 0 : i32
        %gather3A_1274 = arith.constant 0 : i32
        %gather3A_1275 = tpu.memref_slice %arg8[%and3A_469, %gather3A_1273, %gather3A_1274] : memref<2x128x128xf32, #tpu.memory_space<vmem>> -> memref<1x128x128xf32, #tpu.memory_space<vmem>>
        %gather3A_1276 = tpu.memref_squeeze %gather3A_1275 : memref<1x128x128xf32, #tpu.memory_space<vmem>> -> memref<128x128xf32, #tpu.memory_space<vmem>>
        %gather3A_1277 = tpu.vector_load_idx %gather3A_1276[%add3A_558, %add3A_1272] : memref<128x128xf32, #tpu.memory_space<vmem>>[vector<16xi32>, vector<16xi32>], vector<16xf32>,
        %add3A_1278 = arith.constant 32 : i32
        %add3A_1279 = vector.broadcast %add3A_1278 : i32 to vector<16xi32>
        %add3A_1280 = arith.addi %add3A_1279, %and3A_77 : vector<16xi32>
        %mul3A_1281 = arith.constant 8.000000e+00 : f32
        %mul3A_1282 = vector.broadcast %mul3A_1281 : f32 to vector<16xf32>
        %mul3A_1283 = arith.mulf %gather3A_1277, %mul3A_1282 : vector<16xf32>
        %scatter3A_1284 = arith.constant 0 : i32
        %scatter3A_1285 = arith.constant 0 : i32
        %scatter3A_1286 = tpu.memref_slice %arg9[%and3A_469, %scatter3A_1284, %scatter3A_1285] : memref<2x64x128xf32, #tpu.memory_space<vmem>> -> memref<1x64x128xf32, #tpu.memory_space<vmem>>
        %scatter3A_1287 = tpu.memref_squeeze %scatter3A_1286 : memref<1x64x128xf32, #tpu.memory_space<vmem>> -> memref<64x128xf32, #tpu.memory_space<vmem>>
        tpu.vector_store_idx %scatter3A_1287[%add3A_1280, %add3A_558], %mul3A_1283 : memref<64x128xf32, #tpu.memory_space<vmem>>[vector<16xi32>, vector<16xi32>], vector<16xf32>,
        %add3A_1288 = arith.addi %add3A_1079, %and3A_83 : vector<16xi32>
        %gather3A_1289 = arith.constant 0 : i32
        %gather3A_1290 = arith.constant 0 : i32
        %gather3A_1291 = tpu.memref_slice %arg8[%and3A_469, %gather3A_1289, %gather3A_1290] : memref<2x128x128xf32, #tpu.memory_space<vmem>> -> memref<1x128x128xf32, #tpu.memory_space<vmem>>
        %gather3A_1292 = tpu.memref_squeeze %gather3A_1291 : memref<1x128x128xf32, #tpu.memory_space<vmem>> -> memref<128x128xf32, #tpu.memory_space<vmem>>
        %gather3A_1293 = tpu.vector_load_idx %gather3A_1292[%add3A_558, %add3A_1288] : memref<128x128xf32, #tpu.memory_space<vmem>>[vector<16xi32>, vector<16xi32>], vector<16xf32>,
        %add3A_1294 = arith.constant 32 : i32
        %add3A_1295 = vector.broadcast %add3A_1294 : i32 to vector<16xi32>
        %add3A_1296 = arith.addi %add3A_1295, %and3A_83 : vector<16xi32>
        %mul3A_1297 = arith.constant 8.000000e+00 : f32
        %mul3A_1298 = vector.broadcast %mul3A_1297 : f32 to vector<16xf32>
        %mul3A_1299 = arith.mulf %gather3A_1293, %mul3A_1298 : vector<16xf32>
        %scatter3A_1300 = arith.constant 0 : i32
        %scatter3A_1301 = arith.constant 0 : i32
        %scatter3A_1302 = tpu.memref_slice %arg9[%and3A_469, %scatter3A_1300, %scatter3A_1301] : memref<2x64x128xf32, #tpu.memory_space<vmem>> -> memref<1x64x128xf32, #tpu.memory_space<vmem>>
        %scatter3A_1303 = tpu.memref_squeeze %scatter3A_1302 : memref<1x64x128xf32, #tpu.memory_space<vmem>> -> memref<64x128xf32, #tpu.memory_space<vmem>>
        tpu.vector_store_idx %scatter3A_1303[%add3A_1296, %add3A_558], %mul3A_1299 : memref<64x128xf32, #tpu.memory_space<vmem>>[vector<16xi32>, vector<16xi32>], vector<16xf32>,
        %add3A_1304 = arith.addi %add3A_1079, %and3A_89 : vector<16xi32>
        %gather3A_1305 = arith.constant 0 : i32
        %gather3A_1306 = arith.constant 0 : i32
        %gather3A_1307 = tpu.memref_slice %arg8[%and3A_469, %gather3A_1305, %gather3A_1306] : memref<2x128x128xf32, #tpu.memory_space<vmem>> -> memref<1x128x128xf32, #tpu.memory_space<vmem>>
        %gather3A_1308 = tpu.memref_squeeze %gather3A_1307 : memref<1x128x128xf32, #tpu.memory_space<vmem>> -> memref<128x128xf32, #tpu.memory_space<vmem>>
        %gather3A_1309 = tpu.vector_load_idx %gather3A_1308[%add3A_558, %add3A_1304] : memref<128x128xf32, #tpu.memory_space<vmem>>[vector<16xi32>, vector<16xi32>], vector<16xf32>,
        %add3A_1310 = arith.constant 32 : i32
        %add3A_1311 = vector.broadcast %add3A_1310 : i32 to vector<16xi32>
        %add3A_1312 = arith.addi %add3A_1311, %and3A_89 : vector<16xi32>
        %mul3A_1313 = arith.constant 8.000000e+00 : f32
        %mul3A_1314 = vector.broadcast %mul3A_1313 : f32 to vector<16xf32>
        %mul3A_1315 = arith.mulf %gather3A_1309, %mul3A_1314 : vector<16xf32>
        %scatter3A_1316 = arith.constant 0 : i32
        %scatter3A_1317 = arith.constant 0 : i32
        %scatter3A_1318 = tpu.memref_slice %arg9[%and3A_469, %scatter3A_1316, %scatter3A_1317] : memref<2x64x128xf32, #tpu.memory_space<vmem>> -> memref<1x64x128xf32, #tpu.memory_space<vmem>>
        %scatter3A_1319 = tpu.memref_squeeze %scatter3A_1318 : memref<1x64x128xf32, #tpu.memory_space<vmem>> -> memref<64x128xf32, #tpu.memory_space<vmem>>
        tpu.vector_store_idx %scatter3A_1319[%add3A_1312, %add3A_558], %mul3A_1315 : memref<64x128xf32, #tpu.memory_space<vmem>>[vector<16xi32>, vector<16xi32>], vector<16xf32>,
        %add3A_1320 = arith.addi %add3A_1079, %and3A_95 : vector<16xi32>
        %gather3A_1321 = arith.constant 0 : i32
        %gather3A_1322 = arith.constant 0 : i32
        %gather3A_1323 = tpu.memref_slice %arg8[%and3A_469, %gather3A_1321, %gather3A_1322] : memref<2x128x128xf32, #tpu.memory_space<vmem>> -> memref<1x128x128xf32, #tpu.memory_space<vmem>>
        %gather3A_1324 = tpu.memref_squeeze %gather3A_1323 : memref<1x128x128xf32, #tpu.memory_space<vmem>> -> memref<128x128xf32, #tpu.memory_space<vmem>>
        %gather3A_1325 = tpu.vector_load_idx %gather3A_1324[%add3A_558, %add3A_1320] : memref<128x128xf32, #tpu.memory_space<vmem>>[vector<16xi32>, vector<16xi32>], vector<16xf32>,
        %add3A_1326 = arith.constant 32 : i32
        %add3A_1327 = vector.broadcast %add3A_1326 : i32 to vector<16xi32>
        %add3A_1328 = arith.addi %add3A_1327, %and3A_95 : vector<16xi32>
        %mul3A_1329 = arith.constant 8.000000e+00 : f32
        %mul3A_1330 = vector.broadcast %mul3A_1329 : f32 to vector<16xf32>
        %mul3A_1331 = arith.mulf %gather3A_1325, %mul3A_1330 : vector<16xf32>
        %scatter3A_1332 = arith.constant 0 : i32
        %scatter3A_1333 = arith.constant 0 : i32
        %scatter3A_1334 = tpu.memref_slice %arg9[%and3A_469, %scatter3A_1332, %scatter3A_1333] : memref<2x64x128xf32, #tpu.memory_space<vmem>> -> memref<1x64x128xf32, #tpu.memory_space<vmem>>
        %scatter3A_1335 = tpu.memref_squeeze %scatter3A_1334 : memref<1x64x128xf32, #tpu.memory_space<vmem>> -> memref<64x128xf32, #tpu.memory_space<vmem>>
        tpu.vector_store_idx %scatter3A_1335[%add3A_1328, %add3A_558], %mul3A_1331 : memref<64x128xf32, #tpu.memory_space<vmem>>[vector<16xi32>, vector<16xi32>], vector<16xf32>,
        %add3A_1336 = arith.constant 48 : i32
        %add3A_1337 = vector.broadcast %add3A_1336 : i32 to vector<16xi32>
        %add3A_1338 = arith.addi %get3A_560, %add3A_1337 : vector<16xi32>
        %add3A_1339 = arith.addi %add3A_1338, %and3A_5 : vector<16xi32>
        %gather3A_1340 = arith.constant 0 : i32
        %gather3A_1341 = arith.constant 0 : i32
        %gather3A_1342 = tpu.memref_slice %arg8[%and3A_469, %gather3A_1340, %gather3A_1341] : memref<2x128x128xf32, #tpu.memory_space<vmem>> -> memref<1x128x128xf32, #tpu.memory_space<vmem>>
        %gather3A_1343 = tpu.memref_squeeze %gather3A_1342 : memref<1x128x128xf32, #tpu.memory_space<vmem>> -> memref<128x128xf32, #tpu.memory_space<vmem>>
        %gather3A_1344 = tpu.vector_load_idx %gather3A_1343[%add3A_558, %add3A_1339] : memref<128x128xf32, #tpu.memory_space<vmem>>[vector<16xi32>, vector<16xi32>], vector<16xf32>,
        %add3A_1345 = arith.constant 48 : i32
        %add3A_1346 = vector.broadcast %add3A_1345 : i32 to vector<16xi32>
        %add3A_1347 = arith.addi %add3A_1346, %and3A_5 : vector<16xi32>
        %mul3A_1348 = arith.constant 8.000000e+00 : f32
        %mul3A_1349 = vector.broadcast %mul3A_1348 : f32 to vector<16xf32>
        %mul3A_1350 = arith.mulf %gather3A_1344, %mul3A_1349 : vector<16xf32>
        %scatter3A_1351 = arith.constant 0 : i32
        %scatter3A_1352 = arith.constant 0 : i32
        %scatter3A_1353 = tpu.memref_slice %arg9[%and3A_469, %scatter3A_1351, %scatter3A_1352] : memref<2x64x128xf32, #tpu.memory_space<vmem>> -> memref<1x64x128xf32, #tpu.memory_space<vmem>>
        %scatter3A_1354 = tpu.memref_squeeze %scatter3A_1353 : memref<1x64x128xf32, #tpu.memory_space<vmem>> -> memref<64x128xf32, #tpu.memory_space<vmem>>
        tpu.vector_store_idx %scatter3A_1354[%add3A_1347, %add3A_558], %mul3A_1350 : memref<64x128xf32, #tpu.memory_space<vmem>>[vector<16xi32>, vector<16xi32>], vector<16xf32>,
        %add3A_1355 = arith.addi %add3A_1338, %and3A_11 : vector<16xi32>
        %gather3A_1356 = arith.constant 0 : i32
        %gather3A_1357 = arith.constant 0 : i32
        %gather3A_1358 = tpu.memref_slice %arg8[%and3A_469, %gather3A_1356, %gather3A_1357] : memref<2x128x128xf32, #tpu.memory_space<vmem>> -> memref<1x128x128xf32, #tpu.memory_space<vmem>>
        %gather3A_1359 = tpu.memref_squeeze %gather3A_1358 : memref<1x128x128xf32, #tpu.memory_space<vmem>> -> memref<128x128xf32, #tpu.memory_space<vmem>>
        %gather3A_1360 = tpu.vector_load_idx %gather3A_1359[%add3A_558, %add3A_1355] : memref<128x128xf32, #tpu.memory_space<vmem>>[vector<16xi32>, vector<16xi32>], vector<16xf32>,
        %add3A_1361 = arith.constant 48 : i32
        %add3A_1362 = vector.broadcast %add3A_1361 : i32 to vector<16xi32>
        %add3A_1363 = arith.addi %add3A_1362, %and3A_11 : vector<16xi32>
        %mul3A_1364 = arith.constant 8.000000e+00 : f32
        %mul3A_1365 = vector.broadcast %mul3A_1364 : f32 to vector<16xf32>
        %mul3A_1366 = arith.mulf %gather3A_1360, %mul3A_1365 : vector<16xf32>
        %scatter3A_1367 = arith.constant 0 : i32
        %scatter3A_1368 = arith.constant 0 : i32
        %scatter3A_1369 = tpu.memref_slice %arg9[%and3A_469, %scatter3A_1367, %scatter3A_1368] : memref<2x64x128xf32, #tpu.memory_space<vmem>> -> memref<1x64x128xf32, #tpu.memory_space<vmem>>
        %scatter3A_1370 = tpu.memref_squeeze %scatter3A_1369 : memref<1x64x128xf32, #tpu.memory_space<vmem>> -> memref<64x128xf32, #tpu.memory_space<vmem>>
        tpu.vector_store_idx %scatter3A_1370[%add3A_1363, %add3A_558], %mul3A_1366 : memref<64x128xf32, #tpu.memory_space<vmem>>[vector<16xi32>, vector<16xi32>], vector<16xf32>,
        %add3A_1371 = arith.addi %add3A_1338, %and3A_17 : vector<16xi32>
        %gather3A_1372 = arith.constant 0 : i32
        %gather3A_1373 = arith.constant 0 : i32
        %gather3A_1374 = tpu.memref_slice %arg8[%and3A_469, %gather3A_1372, %gather3A_1373] : memref<2x128x128xf32, #tpu.memory_space<vmem>> -> memref<1x128x128xf32, #tpu.memory_space<vmem>>
        %gather3A_1375 = tpu.memref_squeeze %gather3A_1374 : memref<1x128x128xf32, #tpu.memory_space<vmem>> -> memref<128x128xf32, #tpu.memory_space<vmem>>
        %gather3A_1376 = tpu.vector_load_idx %gather3A_1375[%add3A_558, %add3A_1371] : memref<128x128xf32, #tpu.memory_space<vmem>>[vector<16xi32>, vector<16xi32>], vector<16xf32>,
        %add3A_1377 = arith.constant 48 : i32
        %add3A_1378 = vector.broadcast %add3A_1377 : i32 to vector<16xi32>
        %add3A_1379 = arith.addi %add3A_1378, %and3A_17 : vector<16xi32>
        %mul3A_1380 = arith.constant 8.000000e+00 : f32
        %mul3A_1381 = vector.broadcast %mul3A_1380 : f32 to vector<16xf32>
        %mul3A_1382 = arith.mulf %gather3A_1376, %mul3A_1381 : vector<16xf32>
        %scatter3A_1383 = arith.constant 0 : i32
        %scatter3A_1384 = arith.constant 0 : i32
        %scatter3A_1385 = tpu.memref_slice %arg9[%and3A_469, %scatter3A_1383, %scatter3A_1384] : memref<2x64x128xf32, #tpu.memory_space<vmem>> -> memref<1x64x128xf32, #tpu.memory_space<vmem>>
        %scatter3A_1386 = tpu.memref_squeeze %scatter3A_1385 : memref<1x64x128xf32, #tpu.memory_space<vmem>> -> memref<64x128xf32, #tpu.memory_space<vmem>>
        tpu.vector_store_idx %scatter3A_1386[%add3A_1379, %add3A_558], %mul3A_1382 : memref<64x128xf32, #tpu.memory_space<vmem>>[vector<16xi32>, vector<16xi32>], vector<16xf32>,
        %add3A_1387 = arith.addi %add3A_1338, %and3A_23 : vector<16xi32>
        %gather3A_1388 = arith.constant 0 : i32
        %gather3A_1389 = arith.constant 0 : i32
        %gather3A_1390 = tpu.memref_slice %arg8[%and3A_469, %gather3A_1388, %gather3A_1389] : memref<2x128x128xf32, #tpu.memory_space<vmem>> -> memref<1x128x128xf32, #tpu.memory_space<vmem>>
        %gather3A_1391 = tpu.memref_squeeze %gather3A_1390 : memref<1x128x128xf32, #tpu.memory_space<vmem>> -> memref<128x128xf32, #tpu.memory_space<vmem>>
        %gather3A_1392 = tpu.vector_load_idx %gather3A_1391[%add3A_558, %add3A_1387] : memref<128x128xf32, #tpu.memory_space<vmem>>[vector<16xi32>, vector<16xi32>], vector<16xf32>,
        %add3A_1393 = arith.constant 48 : i32
        %add3A_1394 = vector.broadcast %add3A_1393 : i32 to vector<16xi32>
        %add3A_1395 = arith.addi %add3A_1394, %and3A_23 : vector<16xi32>
        %mul3A_1396 = arith.constant 8.000000e+00 : f32
        %mul3A_1397 = vector.broadcast %mul3A_1396 : f32 to vector<16xf32>
        %mul3A_1398 = arith.mulf %gather3A_1392, %mul3A_1397 : vector<16xf32>
        %scatter3A_1399 = arith.constant 0 : i32
        %scatter3A_1400 = arith.constant 0 : i32
        %scatter3A_1401 = tpu.memref_slice %arg9[%and3A_469, %scatter3A_1399, %scatter3A_1400] : memref<2x64x128xf32, #tpu.memory_space<vmem>> -> memref<1x64x128xf32, #tpu.memory_space<vmem>>
        %scatter3A_1402 = tpu.memref_squeeze %scatter3A_1401 : memref<1x64x128xf32, #tpu.memory_space<vmem>> -> memref<64x128xf32, #tpu.memory_space<vmem>>
        tpu.vector_store_idx %scatter3A_1402[%add3A_1395, %add3A_558], %mul3A_1398 : memref<64x128xf32, #tpu.memory_space<vmem>>[vector<16xi32>, vector<16xi32>], vector<16xf32>,
        %add3A_1403 = arith.addi %add3A_1338, %and3A_29 : vector<16xi32>
        %gather3A_1404 = arith.constant 0 : i32
        %gather3A_1405 = arith.constant 0 : i32
        %gather3A_1406 = tpu.memref_slice %arg8[%and3A_469, %gather3A_1404, %gather3A_1405] : memref<2x128x128xf32, #tpu.memory_space<vmem>> -> memref<1x128x128xf32, #tpu.memory_space<vmem>>
        %gather3A_1407 = tpu.memref_squeeze %gather3A_1406 : memref<1x128x128xf32, #tpu.memory_space<vmem>> -> memref<128x128xf32, #tpu.memory_space<vmem>>
        %gather3A_1408 = tpu.vector_load_idx %gather3A_1407[%add3A_558, %add3A_1403] : memref<128x128xf32, #tpu.memory_space<vmem>>[vector<16xi32>, vector<16xi32>], vector<16xf32>,
        %add3A_1409 = arith.constant 48 : i32
        %add3A_1410 = vector.broadcast %add3A_1409 : i32 to vector<16xi32>
        %add3A_1411 = arith.addi %add3A_1410, %and3A_29 : vector<16xi32>
        %mul3A_1412 = arith.constant 8.000000e+00 : f32
        %mul3A_1413 = vector.broadcast %mul3A_1412 : f32 to vector<16xf32>
        %mul3A_1414 = arith.mulf %gather3A_1408, %mul3A_1413 : vector<16xf32>
        %scatter3A_1415 = arith.constant 0 : i32
        %scatter3A_1416 = arith.constant 0 : i32
        %scatter3A_1417 = tpu.memref_slice %arg9[%and3A_469, %scatter3A_1415, %scatter3A_1416] : memref<2x64x128xf32, #tpu.memory_space<vmem>> -> memref<1x64x128xf32, #tpu.memory_space<vmem>>
        %scatter3A_1418 = tpu.memref_squeeze %scatter3A_1417 : memref<1x64x128xf32, #tpu.memory_space<vmem>> -> memref<64x128xf32, #tpu.memory_space<vmem>>
        tpu.vector_store_idx %scatter3A_1418[%add3A_1411, %add3A_558], %mul3A_1414 : memref<64x128xf32, #tpu.memory_space<vmem>>[vector<16xi32>, vector<16xi32>], vector<16xf32>,
        %add3A_1419 = arith.addi %add3A_1338, %and3A_35 : vector<16xi32>
        %gather3A_1420 = arith.constant 0 : i32
        %gather3A_1421 = arith.constant 0 : i32
        %gather3A_1422 = tpu.memref_slice %arg8[%and3A_469, %gather3A_1420, %gather3A_1421] : memref<2x128x128xf32, #tpu.memory_space<vmem>> -> memref<1x128x128xf32, #tpu.memory_space<vmem>>
        %gather3A_1423 = tpu.memref_squeeze %gather3A_1422 : memref<1x128x128xf32, #tpu.memory_space<vmem>> -> memref<128x128xf32, #tpu.memory_space<vmem>>
        %gather3A_1424 = tpu.vector_load_idx %gather3A_1423[%add3A_558, %add3A_1419] : memref<128x128xf32, #tpu.memory_space<vmem>>[vector<16xi32>, vector<16xi32>], vector<16xf32>,
        %add3A_1425 = arith.constant 48 : i32
        %add3A_1426 = vector.broadcast %add3A_1425 : i32 to vector<16xi32>
        %add3A_1427 = arith.addi %add3A_1426, %and3A_35 : vector<16xi32>
        %mul3A_1428 = arith.constant 8.000000e+00 : f32
        %mul3A_1429 = vector.broadcast %mul3A_1428 : f32 to vector<16xf32>
        %mul3A_1430 = arith.mulf %gather3A_1424, %mul3A_1429 : vector<16xf32>
        %scatter3A_1431 = arith.constant 0 : i32
        %scatter3A_1432 = arith.constant 0 : i32
        %scatter3A_1433 = tpu.memref_slice %arg9[%and3A_469, %scatter3A_1431, %scatter3A_1432] : memref<2x64x128xf32, #tpu.memory_space<vmem>> -> memref<1x64x128xf32, #tpu.memory_space<vmem>>
        %scatter3A_1434 = tpu.memref_squeeze %scatter3A_1433 : memref<1x64x128xf32, #tpu.memory_space<vmem>> -> memref<64x128xf32, #tpu.memory_space<vmem>>
        tpu.vector_store_idx %scatter3A_1434[%add3A_1427, %add3A_558], %mul3A_1430 : memref<64x128xf32, #tpu.memory_space<vmem>>[vector<16xi32>, vector<16xi32>], vector<16xf32>,
        %add3A_1435 = arith.addi %add3A_1338, %and3A_41 : vector<16xi32>
        %gather3A_1436 = arith.constant 0 : i32
        %gather3A_1437 = arith.constant 0 : i32
        %gather3A_1438 = tpu.memref_slice %arg8[%and3A_469, %gather3A_1436, %gather3A_1437] : memref<2x128x128xf32, #tpu.memory_space<vmem>> -> memref<1x128x128xf32, #tpu.memory_space<vmem>>
        %gather3A_1439 = tpu.memref_squeeze %gather3A_1438 : memref<1x128x128xf32, #tpu.memory_space<vmem>> -> memref<128x128xf32, #tpu.memory_space<vmem>>
        %gather3A_1440 = tpu.vector_load_idx %gather3A_1439[%add3A_558, %add3A_1435] : memref<128x128xf32, #tpu.memory_space<vmem>>[vector<16xi32>, vector<16xi32>], vector<16xf32>,
        %add3A_1441 = arith.constant 48 : i32
        %add3A_1442 = vector.broadcast %add3A_1441 : i32 to vector<16xi32>
        %add3A_1443 = arith.addi %add3A_1442, %and3A_41 : vector<16xi32>
        %mul3A_1444 = arith.constant 8.000000e+00 : f32
        %mul3A_1445 = vector.broadcast %mul3A_1444 : f32 to vector<16xf32>
        %mul3A_1446 = arith.mulf %gather3A_1440, %mul3A_1445 : vector<16xf32>
        %scatter3A_1447 = arith.constant 0 : i32
        %scatter3A_1448 = arith.constant 0 : i32
        %scatter3A_1449 = tpu.memref_slice %arg9[%and3A_469, %scatter3A_1447, %scatter3A_1448] : memref<2x64x128xf32, #tpu.memory_space<vmem>> -> memref<1x64x128xf32, #tpu.memory_space<vmem>>
        %scatter3A_1450 = tpu.memref_squeeze %scatter3A_1449 : memref<1x64x128xf32, #tpu.memory_space<vmem>> -> memref<64x128xf32, #tpu.memory_space<vmem>>
        tpu.vector_store_idx %scatter3A_1450[%add3A_1443, %add3A_558], %mul3A_1446 : memref<64x128xf32, #tpu.memory_space<vmem>>[vector<16xi32>, vector<16xi32>], vector<16xf32>,
        %add3A_1451 = arith.addi %add3A_1338, %and3A_47 : vector<16xi32>
        %gather3A_1452 = arith.constant 0 : i32
        %gather3A_1453 = arith.constant 0 : i32
        %gather3A_1454 = tpu.memref_slice %arg8[%and3A_469, %gather3A_1452, %gather3A_1453] : memref<2x128x128xf32, #tpu.memory_space<vmem>> -> memref<1x128x128xf32, #tpu.memory_space<vmem>>
        %gather3A_1455 = tpu.memref_squeeze %gather3A_1454 : memref<1x128x128xf32, #tpu.memory_space<vmem>> -> memref<128x128xf32, #tpu.memory_space<vmem>>
        %gather3A_1456 = tpu.vector_load_idx %gather3A_1455[%add3A_558, %add3A_1451] : memref<128x128xf32, #tpu.memory_space<vmem>>[vector<16xi32>, vector<16xi32>], vector<16xf32>,
        %add3A_1457 = arith.constant 48 : i32
        %add3A_1458 = vector.broadcast %add3A_1457 : i32 to vector<16xi32>
        %add3A_1459 = arith.addi %add3A_1458, %and3A_47 : vector<16xi32>
        %mul3A_1460 = arith.constant 8.000000e+00 : f32
        %mul3A_1461 = vector.broadcast %mul3A_1460 : f32 to vector<16xf32>
        %mul3A_1462 = arith.mulf %gather3A_1456, %mul3A_1461 : vector<16xf32>
        %scatter3A_1463 = arith.constant 0 : i32
        %scatter3A_1464 = arith.constant 0 : i32
        %scatter3A_1465 = tpu.memref_slice %arg9[%and3A_469, %scatter3A_1463, %scatter3A_1464] : memref<2x64x128xf32, #tpu.memory_space<vmem>> -> memref<1x64x128xf32, #tpu.memory_space<vmem>>
        %scatter3A_1466 = tpu.memref_squeeze %scatter3A_1465 : memref<1x64x128xf32, #tpu.memory_space<vmem>> -> memref<64x128xf32, #tpu.memory_space<vmem>>
        tpu.vector_store_idx %scatter3A_1466[%add3A_1459, %add3A_558], %mul3A_1462 : memref<64x128xf32, #tpu.memory_space<vmem>>[vector<16xi32>, vector<16xi32>], vector<16xf32>,
        %add3A_1467 = arith.addi %add3A_1338, %and3A_53 : vector<16xi32>
        %gather3A_1468 = arith.constant 0 : i32
        %gather3A_1469 = arith.constant 0 : i32
        %gather3A_1470 = tpu.memref_slice %arg8[%and3A_469, %gather3A_1468, %gather3A_1469] : memref<2x128x128xf32, #tpu.memory_space<vmem>> -> memref<1x128x128xf32, #tpu.memory_space<vmem>>
        %gather3A_1471 = tpu.memref_squeeze %gather3A_1470 : memref<1x128x128xf32, #tpu.memory_space<vmem>> -> memref<128x128xf32, #tpu.memory_space<vmem>>
        %gather3A_1472 = tpu.vector_load_idx %gather3A_1471[%add3A_558, %add3A_1467] : memref<128x128xf32, #tpu.memory_space<vmem>>[vector<16xi32>, vector<16xi32>], vector<16xf32>,
        %add3A_1473 = arith.constant 48 : i32
        %add3A_1474 = vector.broadcast %add3A_1473 : i32 to vector<16xi32>
        %add3A_1475 = arith.addi %add3A_1474, %and3A_53 : vector<16xi32>
        %mul3A_1476 = arith.constant 8.000000e+00 : f32
        %mul3A_1477 = vector.broadcast %mul3A_1476 : f32 to vector<16xf32>
        %mul3A_1478 = arith.mulf %gather3A_1472, %mul3A_1477 : vector<16xf32>
        %scatter3A_1479 = arith.constant 0 : i32
        %scatter3A_1480 = arith.constant 0 : i32
        %scatter3A_1481 = tpu.memref_slice %arg9[%and3A_469, %scatter3A_1479, %scatter3A_1480] : memref<2x64x128xf32, #tpu.memory_space<vmem>> -> memref<1x64x128xf32, #tpu.memory_space<vmem>>
        %scatter3A_1482 = tpu.memref_squeeze %scatter3A_1481 : memref<1x64x128xf32, #tpu.memory_space<vmem>> -> memref<64x128xf32, #tpu.memory_space<vmem>>
        tpu.vector_store_idx %scatter3A_1482[%add3A_1475, %add3A_558], %mul3A_1478 : memref<64x128xf32, #tpu.memory_space<vmem>>[vector<16xi32>, vector<16xi32>], vector<16xf32>,
        %add3A_1483 = arith.addi %add3A_1338, %and3A_59 : vector<16xi32>
        %gather3A_1484 = arith.constant 0 : i32
        %gather3A_1485 = arith.constant 0 : i32
        %gather3A_1486 = tpu.memref_slice %arg8[%and3A_469, %gather3A_1484, %gather3A_1485] : memref<2x128x128xf32, #tpu.memory_space<vmem>> -> memref<1x128x128xf32, #tpu.memory_space<vmem>>
        %gather3A_1487 = tpu.memref_squeeze %gather3A_1486 : memref<1x128x128xf32, #tpu.memory_space<vmem>> -> memref<128x128xf32, #tpu.memory_space<vmem>>
        %gather3A_1488 = tpu.vector_load_idx %gather3A_1487[%add3A_558, %add3A_1483] : memref<128x128xf32, #tpu.memory_space<vmem>>[vector<16xi32>, vector<16xi32>], vector<16xf32>,
        %add3A_1489 = arith.constant 48 : i32
        %add3A_1490 = vector.broadcast %add3A_1489 : i32 to vector<16xi32>
        %add3A_1491 = arith.addi %add3A_1490, %and3A_59 : vector<16xi32>
        %mul3A_1492 = arith.constant 8.000000e+00 : f32
        %mul3A_1493 = vector.broadcast %mul3A_1492 : f32 to vector<16xf32>
        %mul3A_1494 = arith.mulf %gather3A_1488, %mul3A_1493 : vector<16xf32>
        %scatter3A_1495 = arith.constant 0 : i32
        %scatter3A_1496 = arith.constant 0 : i32
        %scatter3A_1497 = tpu.memref_slice %arg9[%and3A_469, %scatter3A_1495, %scatter3A_1496] : memref<2x64x128xf32, #tpu.memory_space<vmem>> -> memref<1x64x128xf32, #tpu.memory_space<vmem>>
        %scatter3A_1498 = tpu.memref_squeeze %scatter3A_1497 : memref<1x64x128xf32, #tpu.memory_space<vmem>> -> memref<64x128xf32, #tpu.memory_space<vmem>>
        tpu.vector_store_idx %scatter3A_1498[%add3A_1491, %add3A_558], %mul3A_1494 : memref<64x128xf32, #tpu.memory_space<vmem>>[vector<16xi32>, vector<16xi32>], vector<16xf32>,
        %add3A_1499 = arith.addi %add3A_1338, %and3A_65 : vector<16xi32>
        %gather3A_1500 = arith.constant 0 : i32
        %gather3A_1501 = arith.constant 0 : i32
        %gather3A_1502 = tpu.memref_slice %arg8[%and3A_469, %gather3A_1500, %gather3A_1501] : memref<2x128x128xf32, #tpu.memory_space<vmem>> -> memref<1x128x128xf32, #tpu.memory_space<vmem>>
        %gather3A_1503 = tpu.memref_squeeze %gather3A_1502 : memref<1x128x128xf32, #tpu.memory_space<vmem>> -> memref<128x128xf32, #tpu.memory_space<vmem>>
        %gather3A_1504 = tpu.vector_load_idx %gather3A_1503[%add3A_558, %add3A_1499] : memref<128x128xf32, #tpu.memory_space<vmem>>[vector<16xi32>, vector<16xi32>], vector<16xf32>,
        %add3A_1505 = arith.constant 48 : i32
        %add3A_1506 = vector.broadcast %add3A_1505 : i32 to vector<16xi32>
        %add3A_1507 = arith.addi %add3A_1506, %and3A_65 : vector<16xi32>
        %mul3A_1508 = arith.constant 8.000000e+00 : f32
        %mul3A_1509 = vector.broadcast %mul3A_1508 : f32 to vector<16xf32>
        %mul3A_1510 = arith.mulf %gather3A_1504, %mul3A_1509 : vector<16xf32>
        %scatter3A_1511 = arith.constant 0 : i32
        %scatter3A_1512 = arith.constant 0 : i32
        %scatter3A_1513 = tpu.memref_slice %arg9[%and3A_469, %scatter3A_1511, %scatter3A_1512] : memref<2x64x128xf32, #tpu.memory_space<vmem>> -> memref<1x64x128xf32, #tpu.memory_space<vmem>>
        %scatter3A_1514 = tpu.memref_squeeze %scatter3A_1513 : memref<1x64x128xf32, #tpu.memory_space<vmem>> -> memref<64x128xf32, #tpu.memory_space<vmem>>
        tpu.vector_store_idx %scatter3A_1514[%add3A_1507, %add3A_558], %mul3A_1510 : memref<64x128xf32, #tpu.memory_space<vmem>>[vector<16xi32>, vector<16xi32>], vector<16xf32>,
        %add3A_1515 = arith.addi %add3A_1338, %and3A_71 : vector<16xi32>
        %gather3A_1516 = arith.constant 0 : i32
        %gather3A_1517 = arith.constant 0 : i32
        %gather3A_1518 = tpu.memref_slice %arg8[%and3A_469, %gather3A_1516, %gather3A_1517] : memref<2x128x128xf32, #tpu.memory_space<vmem>> -> memref<1x128x128xf32, #tpu.memory_space<vmem>>
        %gather3A_1519 = tpu.memref_squeeze %gather3A_1518 : memref<1x128x128xf32, #tpu.memory_space<vmem>> -> memref<128x128xf32, #tpu.memory_space<vmem>>
        %gather3A_1520 = tpu.vector_load_idx %gather3A_1519[%add3A_558, %add3A_1515] : memref<128x128xf32, #tpu.memory_space<vmem>>[vector<16xi32>, vector<16xi32>], vector<16xf32>,
        %add3A_1521 = arith.constant 48 : i32
        %add3A_1522 = vector.broadcast %add3A_1521 : i32 to vector<16xi32>
        %add3A_1523 = arith.addi %add3A_1522, %and3A_71 : vector<16xi32>
        %mul3A_1524 = arith.constant 8.000000e+00 : f32
        %mul3A_1525 = vector.broadcast %mul3A_1524 : f32 to vector<16xf32>
        %mul3A_1526 = arith.mulf %gather3A_1520, %mul3A_1525 : vector<16xf32>
        %scatter3A_1527 = arith.constant 0 : i32
        %scatter3A_1528 = arith.constant 0 : i32
        %scatter3A_1529 = tpu.memref_slice %arg9[%and3A_469, %scatter3A_1527, %scatter3A_1528] : memref<2x64x128xf32, #tpu.memory_space<vmem>> -> memref<1x64x128xf32, #tpu.memory_space<vmem>>
        %scatter3A_1530 = tpu.memref_squeeze %scatter3A_1529 : memref<1x64x128xf32, #tpu.memory_space<vmem>> -> memref<64x128xf32, #tpu.memory_space<vmem>>
        tpu.vector_store_idx %scatter3A_1530[%add3A_1523, %add3A_558], %mul3A_1526 : memref<64x128xf32, #tpu.memory_space<vmem>>[vector<16xi32>, vector<16xi32>], vector<16xf32>,
        %add3A_1531 = arith.addi %add3A_1338, %and3A_77 : vector<16xi32>
        %gather3A_1532 = arith.constant 0 : i32
        %gather3A_1533 = arith.constant 0 : i32
        %gather3A_1534 = tpu.memref_slice %arg8[%and3A_469, %gather3A_1532, %gather3A_1533] : memref<2x128x128xf32, #tpu.memory_space<vmem>> -> memref<1x128x128xf32, #tpu.memory_space<vmem>>
        %gather3A_1535 = tpu.memref_squeeze %gather3A_1534 : memref<1x128x128xf32, #tpu.memory_space<vmem>> -> memref<128x128xf32, #tpu.memory_space<vmem>>
        %gather3A_1536 = tpu.vector_load_idx %gather3A_1535[%add3A_558, %add3A_1531] : memref<128x128xf32, #tpu.memory_space<vmem>>[vector<16xi32>, vector<16xi32>], vector<16xf32>,
        %add3A_1537 = arith.constant 48 : i32
        %add3A_1538 = vector.broadcast %add3A_1537 : i32 to vector<16xi32>
        %add3A_1539 = arith.addi %add3A_1538, %and3A_77 : vector<16xi32>
        %mul3A_1540 = arith.constant 8.000000e+00 : f32
        %mul3A_1541 = vector.broadcast %mul3A_1540 : f32 to vector<16xf32>
        %mul3A_1542 = arith.mulf %gather3A_1536, %mul3A_1541 : vector<16xf32>
        %scatter3A_1543 = arith.constant 0 : i32
        %scatter3A_1544 = arith.constant 0 : i32
        %scatter3A_1545 = tpu.memref_slice %arg9[%and3A_469, %scatter3A_1543, %scatter3A_1544] : memref<2x64x128xf32, #tpu.memory_space<vmem>> -> memref<1x64x128xf32, #tpu.memory_space<vmem>>
        %scatter3A_1546 = tpu.memref_squeeze %scatter3A_1545 : memref<1x64x128xf32, #tpu.memory_space<vmem>> -> memref<64x128xf32, #tpu.memory_space<vmem>>
        tpu.vector_store_idx %scatter3A_1546[%add3A_1539, %add3A_558], %mul3A_1542 : memref<64x128xf32, #tpu.memory_space<vmem>>[vector<16xi32>, vector<16xi32>], vector<16xf32>,
        %add3A_1547 = arith.addi %add3A_1338, %and3A_83 : vector<16xi32>
        %gather3A_1548 = arith.constant 0 : i32
        %gather3A_1549 = arith.constant 0 : i32
        %gather3A_1550 = tpu.memref_slice %arg8[%and3A_469, %gather3A_1548, %gather3A_1549] : memref<2x128x128xf32, #tpu.memory_space<vmem>> -> memref<1x128x128xf32, #tpu.memory_space<vmem>>
        %gather3A_1551 = tpu.memref_squeeze %gather3A_1550 : memref<1x128x128xf32, #tpu.memory_space<vmem>> -> memref<128x128xf32, #tpu.memory_space<vmem>>
        %gather3A_1552 = tpu.vector_load_idx %gather3A_1551[%add3A_558, %add3A_1547] : memref<128x128xf32, #tpu.memory_space<vmem>>[vector<16xi32>, vector<16xi32>], vector<16xf32>,
        %add3A_1553 = arith.constant 48 : i32
        %add3A_1554 = vector.broadcast %add3A_1553 : i32 to vector<16xi32>
        %add3A_1555 = arith.addi %add3A_1554, %and3A_83 : vector<16xi32>
        %mul3A_1556 = arith.constant 8.000000e+00 : f32
        %mul3A_1557 = vector.broadcast %mul3A_1556 : f32 to vector<16xf32>
        %mul3A_1558 = arith.mulf %gather3A_1552, %mul3A_1557 : vector<16xf32>
        %scatter3A_1559 = arith.constant 0 : i32
        %scatter3A_1560 = arith.constant 0 : i32
        %scatter3A_1561 = tpu.memref_slice %arg9[%and3A_469, %scatter3A_1559, %scatter3A_1560] : memref<2x64x128xf32, #tpu.memory_space<vmem>> -> memref<1x64x128xf32, #tpu.memory_space<vmem>>
        %scatter3A_1562 = tpu.memref_squeeze %scatter3A_1561 : memref<1x64x128xf32, #tpu.memory_space<vmem>> -> memref<64x128xf32, #tpu.memory_space<vmem>>
        tpu.vector_store_idx %scatter3A_1562[%add3A_1555, %add3A_558], %mul3A_1558 : memref<64x128xf32, #tpu.memory_space<vmem>>[vector<16xi32>, vector<16xi32>], vector<16xf32>,
        %add3A_1563 = arith.addi %add3A_1338, %and3A_89 : vector<16xi32>
        %gather3A_1564 = arith.constant 0 : i32
        %gather3A_1565 = arith.constant 0 : i32
        %gather3A_1566 = tpu.memref_slice %arg8[%and3A_469, %gather3A_1564, %gather3A_1565] : memref<2x128x128xf32, #tpu.memory_space<vmem>> -> memref<1x128x128xf32, #tpu.memory_space<vmem>>
        %gather3A_1567 = tpu.memref_squeeze %gather3A_1566 : memref<1x128x128xf32, #tpu.memory_space<vmem>> -> memref<128x128xf32, #tpu.memory_space<vmem>>
        %gather3A_1568 = tpu.vector_load_idx %gather3A_1567[%add3A_558, %add3A_1563] : memref<128x128xf32, #tpu.memory_space<vmem>>[vector<16xi32>, vector<16xi32>], vector<16xf32>,
        %add3A_1569 = arith.constant 48 : i32
        %add3A_1570 = vector.broadcast %add3A_1569 : i32 to vector<16xi32>
        %add3A_1571 = arith.addi %add3A_1570, %and3A_89 : vector<16xi32>
        %mul3A_1572 = arith.constant 8.000000e+00 : f32
        %mul3A_1573 = vector.broadcast %mul3A_1572 : f32 to vector<16xf32>
        %mul3A_1574 = arith.mulf %gather3A_1568, %mul3A_1573 : vector<16xf32>
        %scatter3A_1575 = arith.constant 0 : i32
        %scatter3A_1576 = arith.constant 0 : i32
        %scatter3A_1577 = tpu.memref_slice %arg9[%and3A_469, %scatter3A_1575, %scatter3A_1576] : memref<2x64x128xf32, #tpu.memory_space<vmem>> -> memref<1x64x128xf32, #tpu.memory_space<vmem>>
        %scatter3A_1578 = tpu.memref_squeeze %scatter3A_1577 : memref<1x64x128xf32, #tpu.memory_space<vmem>> -> memref<64x128xf32, #tpu.memory_space<vmem>>
        tpu.vector_store_idx %scatter3A_1578[%add3A_1571, %add3A_558], %mul3A_1574 : memref<64x128xf32, #tpu.memory_space<vmem>>[vector<16xi32>, vector<16xi32>], vector<16xf32>,
        %add3A_1579 = arith.addi %add3A_1338, %and3A_95 : vector<16xi32>
        %gather3A_1580 = arith.constant 0 : i32
        %gather3A_1581 = arith.constant 0 : i32
        %gather3A_1582 = tpu.memref_slice %arg8[%and3A_469, %gather3A_1580, %gather3A_1581] : memref<2x128x128xf32, #tpu.memory_space<vmem>> -> memref<1x128x128xf32, #tpu.memory_space<vmem>>
        %gather3A_1583 = tpu.memref_squeeze %gather3A_1582 : memref<1x128x128xf32, #tpu.memory_space<vmem>> -> memref<128x128xf32, #tpu.memory_space<vmem>>
        %gather3A_1584 = tpu.vector_load_idx %gather3A_1583[%add3A_558, %add3A_1579] : memref<128x128xf32, #tpu.memory_space<vmem>>[vector<16xi32>, vector<16xi32>], vector<16xf32>,
        %add3A_1585 = arith.constant 48 : i32
        %add3A_1586 = vector.broadcast %add3A_1585 : i32 to vector<16xi32>
        %add3A_1587 = arith.addi %add3A_1586, %and3A_95 : vector<16xi32>
        %mul3A_1588 = arith.constant 8.000000e+00 : f32
        %mul3A_1589 = vector.broadcast %mul3A_1588 : f32 to vector<16xf32>
        %mul3A_1590 = arith.mulf %gather3A_1584, %mul3A_1589 : vector<16xf32>
        %scatter3A_1591 = arith.constant 0 : i32
        %scatter3A_1592 = arith.constant 0 : i32
        %scatter3A_1593 = tpu.memref_slice %arg9[%and3A_469, %scatter3A_1591, %scatter3A_1592] : memref<2x64x128xf32, #tpu.memory_space<vmem>> -> memref<1x64x128xf32, #tpu.memory_space<vmem>>
        %scatter3A_1594 = tpu.memref_squeeze %scatter3A_1593 : memref<1x64x128xf32, #tpu.memory_space<vmem>> -> memref<64x128xf32, #tpu.memory_space<vmem>>
        tpu.vector_store_idx %scatter3A_1594[%add3A_1587, %add3A_558], %mul3A_1590 : memref<64x128xf32, #tpu.memory_space<vmem>>[vector<16xi32>, vector<16xi32>], vector<16xf32>,
        %scan3A_1595 = arith.constant 0 : i32
        scf.yield %scan3A_1595 : i32
      }
      %scan3A_505 = arith.constant 8 : i32
      %add3A_506 = arith.addi %mul3A_97, %scan3A_466 : i32
      %jit3A_507 = arith.constant 128 : i32
      %div3A_508 = arith.divsi %add3A_506, %jit3A_507 : i32
      %sign3A_509 = arith.constant 0 : i32
      %sign3A_510 = arith.cmpi sgt, %add3A_506, %sign3A_509 : i32
      %sign3A_511 = arith.extui %sign3A_510 : i1 to i32
      %sign3A_512 = arith.constant 0 : i32
      %sign3A_513 = arith.cmpi slt, %add3A_506, %sign3A_512 : i32
      %sign3A_514 = arith.extui %sign3A_513 : i1 to i32
      %sign3A_515 = arith.subi %sign3A_511, %sign3A_514 : i32
      %sign3A_516 = arith.constant 0 : i32
      %sign3A_517 = arith.cmpi sgt, %jit3A_507, %sign3A_516 : i32
      %sign3A_518 = arith.extui %sign3A_517 : i1 to i32
      %sign3A_519 = arith.constant 0 : i32
      %sign3A_520 = arith.cmpi slt, %jit3A_507, %sign3A_519 : i32
      %sign3A_521 = arith.extui %sign3A_520 : i1 to i32
      %sign3A_522 = arith.subi %sign3A_518, %sign3A_521 : i32
      %ne3A_523 = arith.cmpi ne, %sign3A_515, %sign3A_522 : i32
      %rem3A_524 = arith.remsi %add3A_506, %jit3A_507 : i32
      %ne3A_525 = arith.constant 0 : i32
      %ne3A_526 = arith.cmpi ne, %rem3A_524, %ne3A_525 : i32
      %and3A_527 = arith.andi %ne3A_523, %ne3A_526 : i1
      %sub3A_528 = arith.constant 1 : i32
      %sub3A_529 = arith.subi %div3A_508, %sub3A_528 : i32
      %select_n3A_530 = arith.select %and3A_527, %sub3A_529, %div3A_508 : i32
      %mul3A_531 = arith.constant 128 : i32
      %mul3A_532 = arith.muli %select_n3A_530, %mul3A_531 : i32
      %sub3A_533 = arith.subi %add3A_506, %mul3A_532 : i32
      %and3A_534 = arith.constant 1 : i32
      %and3A_535 = arith.andi %scan3A_466, %and3A_534 : i32
      %mul3A_536 = arith.constant 128 : i32
      %mul3A_537 = arith.muli %sub3A_533, %mul3A_536 : i32
      %dma_start3A_538 = arith.constant 0 : i32
      %dma_start3A_539 = arith.constant 0 : i32
      %dma_start3A_540 = tpu.memref_slice %arg9[%and3A_535, %dma_start3A_538, %dma_start3A_539] : memref<2x64x128xf32, #tpu.memory_space<vmem>> -> memref<1x64x128xf32, #tpu.memory_space<vmem>>
      %dma_start3A_541 = tpu.memref_squeeze %dma_start3A_540 : memref<1x64x128xf32, #tpu.memory_space<vmem>> -> memref<64x128xf32, #tpu.memory_space<vmem>>
      %dma_start3A_542 = arith.constant 0 : i32
      %dma_start3A_543 = tpu.memref_slice %arg4[%select_n3A_530, %dma_start3A_542, %mul3A_537] : memref<50x64x16384xf32, #tpu.memory_space<hbm>> -> memref<1x64x128xf32, #tpu.memory_space<hbm>>
      %dma_start3A_544 = tpu.memref_squeeze %dma_start3A_543 : memref<1x64x128xf32, #tpu.memory_space<hbm>> -> memref<64x128xf32, #tpu.memory_space<hbm>>
      %dma_start3A_545 = arith.constant 0 : i32
      %dma_start3A_546 = tpu.memref_slice %arg4[%select_n3A_530, %dma_start3A_545, %mul3A_537] : memref<50x64x16384xf32, #tpu.memory_space<hbm>> -> memref<1x64x128xf32, #tpu.memory_space<hbm>>
      %dma_start3A_547 = tpu.memref_squeeze %dma_start3A_546 : memref<1x64x128xf32, #tpu.memory_space<hbm>> -> memref<64x128xf32, #tpu.memory_space<hbm>>
      %dma_start3A_548 = arith.constant 0 : i32
      %dma_start3A_549 = arith.constant 0 : i32
      %dma_start3A_550 = tpu.memref_slice %arg9[%and3A_535, %dma_start3A_548, %dma_start3A_549] : memref<2x64x128xf32, #tpu.memory_space<vmem>> -> memref<1x64x128xf32, #tpu.memory_space<vmem>>
      %dma_start3A_551 = tpu.memref_squeeze %dma_start3A_550 : memref<1x64x128xf32, #tpu.memory_space<vmem>> -> memref<64x128xf32, #tpu.memory_space<vmem>>
      tpu.enqueue_dma source(%dma_start3A_551 : memref<64x128xf32, #tpu.memory_space<vmem>>) target(%dma_start3A_547 : memref<64x128xf32, #tpu.memory_space<hbm>>) target_semaphore(%arg12 : memref<!tpu.dma_semaphore, #tpu.memory_space<semaphore_mem>>)
      %scan3A_552 = arith.constant 0 : i32
      scf.yield %scan3A_552 : i32
    }
    %scan3A_373 = arith.constant 200 : i32
    %add3A_374 = arith.constant 198 : i32
    %add3A_375 = arith.addi %mul3A_97, %add3A_374 : i32
    %jit3A_376 = arith.constant 128 : i32
    %div3A_377 = arith.divsi %add3A_375, %jit3A_376 : i32
    %sign3A_378 = arith.constant 0 : i32
    %sign3A_379 = arith.cmpi sgt, %add3A_375, %sign3A_378 : i32
    %sign3A_380 = arith.extui %sign3A_379 : i1 to i32
    %sign3A_381 = arith.constant 0 : i32
    %sign3A_382 = arith.cmpi slt, %add3A_375, %sign3A_381 : i32
    %sign3A_383 = arith.extui %sign3A_382 : i1 to i32
    %sign3A_384 = arith.subi %sign3A_380, %sign3A_383 : i32
    %sign3A_385 = arith.constant 0 : i32
    %sign3A_386 = arith.cmpi sgt, %jit3A_376, %sign3A_385 : i32
    %sign3A_387 = arith.extui %sign3A_386 : i1 to i32
    %sign3A_388 = arith.constant 0 : i32
    %sign3A_389 = arith.cmpi slt, %jit3A_376, %sign3A_388 : i32
    %sign3A_390 = arith.extui %sign3A_389 : i1 to i32
    %sign3A_391 = arith.subi %sign3A_387, %sign3A_390 : i32
    %ne3A_392 = arith.cmpi ne, %sign3A_384, %sign3A_391 : i32
    %rem3A_393 = arith.remsi %add3A_375, %jit3A_376 : i32
    %ne3A_394 = arith.constant 0 : i32
    %ne3A_395 = arith.cmpi ne, %rem3A_393, %ne3A_394 : i32
    %and3A_396 = arith.andi %ne3A_392, %ne3A_395 : i1
    %sub3A_397 = arith.constant 1 : i32
    %sub3A_398 = arith.subi %div3A_377, %sub3A_397 : i32
    %select_n3A_399 = arith.select %and3A_396, %sub3A_398, %div3A_377 : i32
    %mul3A_400 = arith.constant 128 : i32
    %mul3A_401 = arith.muli %select_n3A_399, %mul3A_400 : i32
    %sub3A_402 = arith.subi %add3A_375, %mul3A_401 : i32
    %mul3A_403 = arith.constant 128 : i32
    %mul3A_404 = arith.muli %sub3A_402, %mul3A_403 : i32
    %dma_wait3A_405 = arith.constant 0 : i32
    %dma_wait3A_406 = arith.constant 0 : i32
    %dma_wait3A_407 = arith.constant 0 : i32
    %dma_wait3A_408 = tpu.memref_slice %arg9[%dma_wait3A_405, %dma_wait3A_406, %dma_wait3A_407] : memref<2x64x128xf32, #tpu.memory_space<vmem>> -> memref<1x64x128xf32, #tpu.memory_space<vmem>>
    %dma_wait3A_409 = tpu.memref_squeeze %dma_wait3A_408 : memref<1x64x128xf32, #tpu.memory_space<vmem>> -> memref<64x128xf32, #tpu.memory_space<vmem>>
    %dma_wait3A_410 = arith.constant 0 : i32
    %dma_wait3A_411 = tpu.memref_slice %arg4[%select_n3A_399, %dma_wait3A_410, %mul3A_404] : memref<50x64x16384xf32, #tpu.memory_space<hbm>> -> memref<1x64x128xf32, #tpu.memory_space<hbm>>
    %dma_wait3A_412 = tpu.memref_squeeze %dma_wait3A_411 : memref<1x64x128xf32, #tpu.memory_space<hbm>> -> memref<64x128xf32, #tpu.memory_space<hbm>>
    %dma_wait3A_413 = arith.constant 0 : i32
    %dma_wait3A_414 = tpu.memref_slice %arg4[%select_n3A_399, %dma_wait3A_413, %mul3A_404] : memref<50x64x16384xf32, #tpu.memory_space<hbm>> -> memref<1x64x128xf32, #tpu.memory_space<hbm>>
    %dma_wait3A_415 = tpu.memref_squeeze %dma_wait3A_414 : memref<1x64x128xf32, #tpu.memory_space<hbm>> -> memref<64x128xf32, #tpu.memory_space<hbm>>
    %dma_wait3A_416 = arith.constant 0 : i32
    %dma_wait3A_417 = arith.constant 0 : i32
    %dma_wait3A_418 = tpu.memref_slice %arg9[%dma_wait3A_405, %dma_wait3A_416, %dma_wait3A_417] : memref<2x64x128xf32, #tpu.memory_space<vmem>> -> memref<1x64x128xf32, #tpu.memory_space<vmem>>
    %dma_wait3A_419 = tpu.memref_squeeze %dma_wait3A_418 : memref<1x64x128xf32, #tpu.memory_space<vmem>> -> memref<64x128xf32, #tpu.memory_space<vmem>>
    tpu.wait_dma2 semaphore(%arg12 : memref<!tpu.dma_semaphore, #tpu.memory_space<semaphore_mem>>) src(%dma_wait3A_419 : memref<64x128xf32, #tpu.memory_space<vmem>>) dst(%dma_wait3A_415 : memref<64x128xf32, #tpu.memory_space<hbm>>)
    %add3A_420 = arith.constant 199 : i32
    %add3A_421 = arith.addi %mul3A_97, %add3A_420 : i32
    %jit3A_422 = arith.constant 128 : i32
    %div3A_423 = arith.divsi %add3A_421, %jit3A_422 : i32
    %sign3A_424 = arith.constant 0 : i32
    %sign3A_425 = arith.cmpi sgt, %add3A_421, %sign3A_424 : i32
    %sign3A_426 = arith.extui %sign3A_425 : i1 to i32
    %sign3A_427 = arith.constant 0 : i32
    %sign3A_428 = arith.cmpi slt, %add3A_421, %sign3A_427 : i32
    %sign3A_429 = arith.extui %sign3A_428 : i1 to i32
    %sign3A_430 = arith.subi %sign3A_426, %sign3A_429 : i32
    %sign3A_431 = arith.constant 0 : i32
    %sign3A_432 = arith.cmpi sgt, %jit3A_422, %sign3A_431 : i32
    %sign3A_433 = arith.extui %sign3A_432 : i1 to i32
    %sign3A_434 = arith.constant 0 : i32
    %sign3A_435 = arith.cmpi slt, %jit3A_422, %sign3A_434 : i32
    %sign3A_436 = arith.extui %sign3A_435 : i1 to i32
    %sign3A_437 = arith.subi %sign3A_433, %sign3A_436 : i32
    %ne3A_438 = arith.cmpi ne, %sign3A_430, %sign3A_437 : i32
    %rem3A_439 = arith.remsi %add3A_421, %jit3A_422 : i32
    %ne3A_440 = arith.constant 0 : i32
    %ne3A_441 = arith.cmpi ne, %rem3A_439, %ne3A_440 : i32
    %and3A_442 = arith.andi %ne3A_438, %ne3A_441 : i1
    %sub3A_443 = arith.constant 1 : i32
    %sub3A_444 = arith.subi %div3A_423, %sub3A_443 : i32
    %select_n3A_445 = arith.select %and3A_442, %sub3A_444, %div3A_423 : i32
    %mul3A_446 = arith.constant 128 : i32
    %mul3A_447 = arith.muli %select_n3A_445, %mul3A_446 : i32
    %sub3A_448 = arith.subi %add3A_421, %mul3A_447 : i32
    %mul3A_449 = arith.constant 128 : i32
    %mul3A_450 = arith.muli %sub3A_448, %mul3A_449 : i32
    %dma_wait3A_451 = arith.constant 1 : i32
    %dma_wait3A_452 = arith.constant 0 : i32
    %dma_wait3A_453 = arith.constant 0 : i32
    %dma_wait3A_454 = tpu.memref_slice %arg9[%dma_wait3A_451, %dma_wait3A_452, %dma_wait3A_453] : memref<2x64x128xf32, #tpu.memory_space<vmem>> -> memref<1x64x128xf32, #tpu.memory_space<vmem>>
    %dma_wait3A_455 = tpu.memref_squeeze %dma_wait3A_454 : memref<1x64x128xf32, #tpu.memory_space<vmem>> -> memref<64x128xf32, #tpu.memory_space<vmem>>
    %dma_wait3A_456 = arith.constant 0 : i32
    %dma_wait3A_457 = tpu.memref_slice %arg4[%select_n3A_445, %dma_wait3A_456, %mul3A_450] : memref<50x64x16384xf32, #tpu.memory_space<hbm>> -> memref<1x64x128xf32, #tpu.memory_space<hbm>>
    %dma_wait3A_458 = tpu.memref_squeeze %dma_wait3A_457 : memref<1x64x128xf32, #tpu.memory_space<hbm>> -> memref<64x128xf32, #tpu.memory_space<hbm>>
    %dma_wait3A_459 = arith.constant 0 : i32
    %dma_wait3A_460 = tpu.memref_slice %arg4[%select_n3A_445, %dma_wait3A_459, %mul3A_450] : memref<50x64x16384xf32, #tpu.memory_space<hbm>> -> memref<1x64x128xf32, #tpu.memory_space<hbm>>
    %dma_wait3A_461 = tpu.memref_squeeze %dma_wait3A_460 : memref<1x64x128xf32, #tpu.memory_space<hbm>> -> memref<64x128xf32, #tpu.memory_space<hbm>>
    %dma_wait3A_462 = arith.constant 0 : i32
    %dma_wait3A_463 = arith.constant 0 : i32
    %dma_wait3A_464 = tpu.memref_slice %arg9[%dma_wait3A_451, %dma_wait3A_462, %dma_wait3A_463] : memref<2x64x128xf32, #tpu.memory_space<vmem>> -> memref<1x64x128xf32, #tpu.memory_space<vmem>>
    %dma_wait3A_465 = tpu.memref_squeeze %dma_wait3A_464 : memref<1x64x128xf32, #tpu.memory_space<vmem>> -> memref<64x128xf32, #tpu.memory_space<vmem>>
    tpu.wait_dma2 semaphore(%arg12 : memref<!tpu.dma_semaphore, #tpu.memory_space<semaphore_mem>>) src(%dma_wait3A_465 : memref<64x128xf32, #tpu.memory_space<vmem>>) dst(%dma_wait3A_461 : memref<64x128xf32, #tpu.memory_space<hbm>>)
    return
  }
}

</mosaic_0001>

<sc_bundles>
// kernel: kernel.3.cloned.1.call-start
scs
__scs_entry_jumppad:
0x0: {  	(pc) =	sbr.rel $0x88, $3  }
0x1: {  	(tag) =	ssettag $0x0;
	lr =	simm.s32 $0x1  }
0x2: {  	[smem:$0x3F9F] =	sst lr;
	_ =	strace $0xD0000000  }
0x3: {  	_ = 	snop  }
0x4: {  	_ = 	snop  }
0x5: {  	_ = 	snop  }
0x6: {  	_ = 	snop  }
0x7: {  	_ = 	snop  }
__scs_overlays_trampoline_lowered:
0x8: {  	[smem:$0x3FAE] =	sst s0  }
0x9: {  	[smem:$0x3FAF] =	sst s1  }
0xa: {  	[smem:$0x3FB0] =	sst s2  }
0xb: {  	[smem:$0x3FB1] =	sst s3  }
0xc: {  	[smem:$0x3FB2] =	sst s4  }
0xd: {  	[smem:$0x3FB3] =	sst s5  }
0xe: {  	[smem:$0x3FB4] =	sst s6  }
0xf: {  	[smem:$0x3FB5] =	sst s7  }
0x10: {  	[smem:$0x3FB6] =	sst s8  }
0x11: {  	[smem:$0x3FB7] =	sst s9;
	s0 =	simm.s32 @!p0 $0x0  }
0x12: {  	s1 =	sld [smem:$0x3F9D];
	s0 =	simm.s32 @p0 $0x1  }
0x13: {  	[smem:$0x3FB8] =	sst s0;
	s0 =	simm.s32 @!p1 $0x0  }
0x14: {  	s2 =	sld [smem:$0x3F9C];
	s0 =	simm.s32 @p1 $0x1  }
0x15: {  	[smem:$0x3FB9] =	sst s0;
	s0 =	simm.s32 @!p2 $0x0  }
0x16: {  	s3 =	sld [smem:$0x3FDB];
	s0 =	simm.s32 @p2 $0x1  }
0x17: {  	s4 =	simm.s32 $0x1BF5;
	[smem:$0x3FBB] =	sst s0  }
0x18: {  	s0 =	sld [smem:$0x3F9E];
	_ =	swait.ge [sflag:s4], $0x0  }
0x19: {  	s7 =	sld [smem:$0x3F9F]  }
0x1a: {  	s8 =	sadd.s32 $0xFFFFE003, lr  }
0x1b: {  	s9 =	sadd.s32 $0xFFFFFEF7, lr;
	s5 =	simm.s32 $0xFFFFFFFF;
	p2 =	slt.u32 s8, $0xFFFFF086  }
0x1c: {  	p1 =	slt.u32 s9, $0xF7A;
	s5 =	simm.s32 @!p2 $0x0  }
0x1d: {  	s5 =	simm.s32 @p1 $0x1;
	p0 =	seq.s32 s7, s2  }
0x1e: {  	s7 =	smul.u32 @!p0 $0xF7A, s2;
	p2 =	seq.s32 @!p0 s5, $0x0  }
0x1f: {  	s9 =	smul.u32 $0xF7A, s1;
	s8 =	simm.s32 @!p0 $0x1BF5;
	p2 =	por !p2, p0  }
0x20: {  	[sflag:s8] =	ssyncset.s32 @!p0 $0xFFFFF086;
	s6 =	sadd.s32 @!p0 s3, s7;
	s7 =	simm.s32 @!p0 $0x108  }
0x21: {  	s3 =	sadd.s32 s3, s9;
	s6 =	sadd.s32 @!p0 $0x88, s6;
	s7 =	simm.s32 @p2 $0x1082  }
0x22: {  	[simem:s7], [sflag:s8] =	dma.local @!p0 [hbm:s6], $0xF7A  }
0x23: {  	s9 =	sor.u32 $0xD0000000, s2;
	s6 =	simm.s32 $0x108;
	_ =	swait.ge @!p0 [sflag:s8], $0x0  }
0x24: {  	s3 =	sadd.s32 $0x88, s3;
	s6 =	simm.s32 @!p1 $0x1082;
	[sflag:s4] =	ssyncset.s32 $0xFFFFF086  }
0x25: {  	[simem:s6], [sflag:s4] =	dma.local [hbm:s3], $0xF7A  }
0x26: {  	[smem:$0x3F9F] =	sst s1;
	(tag) =	ssettag s2;
	_ =	strace s9  }
0x27: {  	s1 =	sld [smem:$0x3FAF]  }
0x28: {  	s2 =	sld [smem:$0x3FB0]  }
0x29: {  	s4 =	sld [smem:$0x3FB2]  }
0x2a: {  	p0 =	seq.s32 s5, $0x0;
	s5 =	sld [smem:$0x3FB3]  }
0x2b: {  	s6 =	sld [smem:$0x3FB4]  }
0x2c: {  	s7 =	sld [smem:$0x3FB5]  }
0x2d: {  	s3 =	simm.s32 $0x108;
	s8 =	sld [smem:$0x3FB6]  }
0x2e: {  	s3 =	simm.s32 @!p0 $0x1082;
	s9 =	sld [smem:$0x3FB7]  }
0x2f: {  	lr =	sadd.s32 s0, s3;
	s0 =	sld [smem:$0x3FAE]  }
0x30: {  	s3 =	sld [smem:$0x3FB1]  }
0x31: {  	[smem:$0x3FBA] =	sst s10  }
0x32: {  	s10 =	sld [smem:$0x3FB8];
	_ =	sdelay $0x3  }
0x33: {  	p0 =	seq.s32 s10, $0x1;
	s10 =	sld [smem:$0x3FBA];
	_ =	sdelay $0x3  }
0x34: {  	[smem:$0x3FBA] =	sst s10  }
0x35: {  	s10 =	sld [smem:$0x3FB9];
	_ =	sdelay $0x3  }
0x36: {  	p1 =	seq.s32 s10, $0x1;
	s10 =	sld [smem:$0x3FBA];
	_ =	sdelay $0x3  }
0x37: {  	[smem:$0x3FBA] =	sst s10  }
0x38: {  	s10 =	sld [smem:$0x3FBB]  }
0x39: {  	_ = 	snop;
	(pc) =	sbr.ind lr, $3  }
0x3a: {  	_ = 	snop  }
0x3b: {  	_ = 	snop  }
0x3c: {  	p2 =	seq.s32 s10, $0x1;
	s10 =	sld [smem:$0x3FBA]  }
0x3d: {  	_ =	shalt  }
0x3e: {  	_ =	shalt  }
0x3f: {  	_ =	shalt  }
0x40: {  	_ =	shalt  }
0x41: {  	_ =	shalt  }
0x42: {  	_ =	shalt  }
0x43: {  	_ =	shalt  }
0x44: {  	_ =	shalt  }
0x45: {  	_ =	shalt  }
0x46: {  	_ =	shalt  }
0x47: {  	_ =	shalt  }
0x48: {  	_ =	shalt  }
0x49: {  	_ =	shalt  }
0x4a: {  	_ =	shalt  }
0x4b: {  	_ =	shalt  }
0x4c: {  	_ =	shalt  }
0x4d: {  	_ =	shalt  }
0x4e: {  	_ =	shalt  }
0x4f: {  	_ =	shalt  }
0x50: {  	_ =	shalt  }
0x51: {  	_ =	shalt  }
0x52: {  	_ =	shalt  }
0x53: {  	_ =	shalt  }
0x54: {  	_ =	shalt  }
0x55: {  	_ =	shalt  }
0x56: {  	_ =	shalt  }
0x57: {  	_ =	shalt  }
0x58: {  	_ =	shalt  }
0x59: {  	_ =	shalt  }
0x5a: {  	_ =	shalt  }
0x5b: {  	_ =	shalt  }
0x5c: {  	_ =	shalt  }
0x5d: {  	_ =	shalt  }
0x5e: {  	_ =	shalt  }
0x5f: {  	_ =	shalt  }
0x60: {  	_ =	shalt  }
0x61: {  	_ =	shalt  }
0x62: {  	_ =	shalt  }
0x63: {  	_ =	shalt  }
0x64: {  	_ =	shalt  }
0x65: {  	_ =	shalt  }
0x66: {  	_ =	shalt  }
0x67: {  	_ =	shalt  }
0x68: {  	_ =	shalt  }
0x69: {  	_ =	shalt  }
0x6a: {  	_ =	shalt  }
0x6b: {  	_ =	shalt  }
0x6c: {  	_ =	shalt  }
0x6d: {  	_ =	shalt  }
0x6e: {  	_ =	shalt  }
0x6f: {  	_ =	shalt  }
0x70: {  	_ =	shalt  }
0x71: {  	_ =	shalt  }
0x72: {  	_ =	shalt  }
0x73: {  	_ =	shalt  }
0x74: {  	_ =	shalt  }
0x75: {  	_ =	shalt  }
0x76: {  	_ =	shalt  }
0x77: {  	_ =	shalt  }
0x78: {  	_ =	shalt  }
0x79: {  	_ =	shalt  }
0x7a: {  	_ =	shalt  }
0x7b: {  	_ =	shalt  }
0x7c: {  	_ =	shalt  }
0x7d: {  	_ =	shalt  }
0x7e: {  	_ =	shalt  }
0x7f: {  	_ =	shalt  }
0x80: {  	_ =	shalt  }
0x81: {  	_ =	shalt  }
0x82: {  	_ =	shalt  }
0x83: {  	_ =	shalt  }
0x84: {  	_ =	shalt  }
0x85: {  	_ =	shalt  }
0x86: {  	_ =	shalt  }
0x87: {  	_ =	shalt  }
.Lfunc_end0:
.L_simem_size_0:
called_computation_lowered:
.L_overlay_start_0:
0x88: {  	s2 =	sld [smem:$0x3FD9]  }
0x89: {  	s3 =	sld [smem:$0x3FFE];
	_ =	sdelay $0x1  }
0x8a: {  	s1 =	srdreg.scid  }
0x8b: {  	s0 =	sand.u32 $0x1, s1  }
0x8c: {  	s17 =	sshll.u32 s0, $0xA;
	s2 =	sadd.s32 s3, s2  }
0x8d: {  	s2 =	sadd.s32 s2, s17  }
0x8e: {  	[smem:$0x3FC6] =	sst s2  }
0x8f: {  	_ = 	snop  }
0x90: {  	s2 =	sld [smem:$0x3FC9]  }
0x91: {  	s18 =	sld [smem:$0x3FD0];
	(tm) =	ssettm $0x1  }
0x92: {  	s4 =	sld [smem:$0x3FFB];
	_ =	sdelay $0x3  }
0x93: {  	_ =	strace s4  }
0x94: {  	s4 =	sld [smem:$0x3FFC];
	_ =	sdelay $0x3  }
0x95: {  	_ =	strace s4  }
0x96: {  	s4 =	sld [smem:$0x3FFD];
	_ =	sdelay $0x3  }
0x97: {  	_ =	strace s4  }
0x98: {  	_ =	strace $0x8FFFFFFF  }
0x99: {  	s19 =	sld [smem:$0x3FDB];
	_ =	sdelay $0x1  }
0x9a: {  	s5 =	simm.s32 $_scs_section_size  }
0x9b: {  	s6 =	simm.s32 $_size__tile_overlayer_lowered;
	s7 =	simm.s32 $_tile_overlayer_lowered  }
0x9c: {  	s22 =	simm.s32 $0x1BFF;
	s21 =	sshll.u32 s7, $0x1;
	s4 =	sadd.s32 s5, s19  }
0x9d: {  	s8 =	simm.s32 $0x0;
	s20 =	sshll.u32 s6, $0x1;
	s6 =	sadd.s32 s21, s4  }
0x9e: {  	[timem:s8], [sflag:s22] =	dma.local [hbm:s6], s20  }
0x9f: {  	_ =	swait.ge [sflag:s22], s20  }
0xa0: {  	s5 =	ssub.s32 $0x0, s20;
	[sflag:s22] =	ssyncset.done $0x0  }
0xa1: {  	[sflag:s22] =	ssyncadd.s32 s5;
	_ =	sdelay $0x1  }
0xa2: {  	s23 =	simm.s32 $0x1B8B  }
0xa3: {  	_ =	swait.ge [sflag:s23], $0x1  }
0xa4: {  	[sflag:s23] =	ssyncset.done $0x0  }
0xa5: {  	s25 =	simm.s32 $0x1B8E;
	s24 =	sld [smem:$0x3FFE];
	[sflag:s23] =	ssyncadd.s32 $0xFFFFFFFF  }
0xa6: {  	s26 =	simm.s32 $execute0_lowered;
	[smem:$0x3FD2] =	sst s25  }
0xa7: {  	s6 =	sshll.u32 s26, $0x1;
	_ =	strace $0x80000046;
	[dreg:$0x1] =	wrdreg $0xFFFFFFFF  }
0xa8: {  	s28 =	simm.s32 $_size_execute0_lowered;
	s4 =	sadd.s32 s4, s6;
	[dreg:$0x0] =	wrdreg $0x0  }
0xa9: {  	s6 =	sshll.u32 s28, $0x1;
	[dreg:$0x2] =	wrdreg s4  }
0xaa: {  	[dreg:$0x3] =	wrdreg s6  }
0xab: {  	[dreg:$0x4] =	wrdreg $0xC0  }
0xac: {  	_ =	task [dreg:s8], $0x5FFFF  }
0xad: {  	[dreg:$0x1] =	wrdreg $0xFFFFFFFF  }
0xae: {  	[dreg:$0x0] =	wrdreg $0x60  }
0xaf: {  	[dreg:$0x2] =	wrdreg s2  }
0xb0: {  	[dreg:$0x3] =	wrdreg s24  }
0xb1: {  	[dreg:$0x4] =	wrdreg s18  }
0xb2: {  	[dreg:$0x5] =	wrdreg $0x9  }
0xb3: {  	_ =	task.clear_ibuf [dreg:s8], $0x6FFFF;
	_ =	strace $0x90000046  }
0xb4: {  	s29 =	simm.s32 $0x9;
	_ =	strace $0x80000048  }
0xb5: {  	_ =	swait.ge [sflag:s29], $0x1  }
0xb6: {  	[sflag:s29] =	ssyncadd.s32 $0xFFFFFFFF  }
0xb7: {  	_ =	strace $0x90000048  }
0xb8: {  	_ =	sfence  }
0xb9: {  	s30 =	sld [smem:$0x0];
	_ =	sdelay $0x2  }
0xba: {  	s31 =	sshll.u32 s1, $0xD;
	s1 =	sshrl.u32 s1, $0x2  }
0xbb: {  	s3 =	sand.u32 $0x4000, s31;
	s1 =	sadd.s32 s1, s30  }
0xbc: {  	s0 =	sor.u32 s3, s0;
	s1 =	sshll.u32 s1, $0x11  }
0xbd: {  	s0 =	sor.u32 s1, s0  }
0xbe: {  	s0 =	sadd.s32 $0x8F2B, s0  }
0xbf: {  	[sflag:s0] =	ssyncadd.remote.s32 $0x1  }
0xc0: {  	_ =	sfence.sel $0xFFFF  }
0xc1: {  	[dreg:$0x0] =	wrdreg $0xFFFFFFFF;
	(pc) =	sbr.abs _section_cstart, $3  }
0xc2: {  	[dreg:$0x1] =	wrdreg $0xFFFFFFFF  }
0xc3: {  	_ =	task.clear_ibuf [dreg:s8], $0x2FFFF;
	_ =	strace $0x9FFFFFFF  }
0xc4: {  	(tm) =	ssettm $0x7FFFFFFF  }
0xc5: {  	_ =	shalt  }
tec
execute0_lowered:
.L_overlay_start_1:
0x0: {  	(tag) =	ssettag $0x1  }
0x1: {  	v0 =	vimm.s32 $0xFEDCBA9  }
0x2: {  	v1 =	vimm.s32 $0x87654321;
	vm14 =	vcmask $0x300;
	v2 =	vimm.s32 $0xF  }
0x3: {  	vm13 =	vcmask $0x704;
	vm12 =	vcmask $0xB08;
	vm11 =	vcmask $0xF0C  }
0x4: {  	vm10 =	vcmask $0x1310;
	vm9 =	vcmask $0x1714;
	vm8 =	vcmask $0x1B18  }
0x5: {  	vm7 =	vcmask $0x1F1C;
	vm5 =	vcmask $0x2320;
	vm6 =	vcmask $0x2724  }
0x6: {  	vm4 =	vcmask $0x2B28;
	vm2 =	vcmask $0x2F2C;
	vm3 =	vcmask $0x3330  }
0x7: {  	vm1 =	vcmask $0x3734;
	vm0 =	vcmask $0x3B38;
	v4 =	vimm.s32 $0x98765432  }
0x8: {  	v5 =	vimm.s32 $0x10F;
	v14 =	vimm.s32 $0x6543210F;
	v15 =	vimm.s32 $0xEDCBA987  }
0x9: {  	v19 =	vimm.s32 $0x128F;
	v20 =	vimm.s32 $0x130F;
	v21 =	vimm.s32 $0x138F  }
0xa: {  	v22 =	vimm.s32 $0x140F;
	v23 =	vimm.s32 $0x148F;
	v24 =	vimm.s32 $0x150F  }
0xb: {  	v25 =	vimm.s32 $0x158F;
	v26 =	vimm.s32 $0x160F;
	v27 =	vimm.s32 $0x168F  }
0xc: {  	v28 =	vimm.s32 $0x170F;
	v29 =	vimm.s32 $0x180F;
	v30 =	vimm.s32 $0x188F  }
0xd: {  	v31 =	vimm.s32 $0x190F;
	v32 =	vimm.s32 $0x198F;
	v33 =	vimm.s32 $0x1A0F  }
0xe: {  	v34 =	vimm.s32 $0x1A8F;
	v37 =	vimm.s32 $0x1B0F;
	v47 =	vimm.s32 $0x1B8F  }
0xf: {  	v39 =	vimm.s32 $0x1C0F;
	v48 =	vimm.s32 $0x1C8F;
	v49 =	vimm.s32 $0x1D0F  }
0x10: {  	v42 =	vimm.s32 $0x1D8F;
	v50 =	vimm.s32 $0x1E0F;
	v51 =	vimm.s32 $0x1E8F  }
0x11: {  	v45 =	vimm.s32 $0x1F0F;
	v52 =	vimm.s32 $0x15141312;
	v0 =	vunpack.c.l.s4.s8 v0  }
0x12: {  	v1 =	vunpack.c.l.s4.s8 v1;
	v2 =	vsel vm14, $0x80, v2;
	v4 =	vunpack.c.l.s4.s8 v4  }
0x13: {  	v14 =	vunpack.c.l.s4.s8 v14;
	v15 =	vunpack.c.l.s4.s8 v15;
	v19 =	vsel vm14, $0x1300, v19  }
0x14: {  	v20 =	vsel vm14, $0x1380, v20;
	v21 =	vsel vm14, $0x1400, v21;
	v22 =	vsel vm14, $0x1480, v22  }
0x15: {  	v23 =	vsel vm14, $0x1500, v23;
	v24 =	vsel vm14, $0x1580, v24;
	v25 =	vsel vm14, $0x1600, v25  }
0x16: {  	v26 =	vsel vm14, $0x1680, v26;
	v27 =	vsel vm14, $0x1700, v27;
	v28 =	vsel vm14, $0x1780, v28  }
0x17: {  	v29 =	vsel vm14, $0x1880, v29;
	v30 =	vsel vm14, $0x1900, v30;
	v31 =	vsel vm14, $0x1980, v31  }
0x18: {  	v32 =	vsel vm14, $0x1A00, v32;
	v33 =	vsel vm14, $0x1A80, v33;
	v34 =	vsel vm14, $0x1B00, v34  }
0x19: {  	v38 =	vsel vm14, $0x1B80, v37;
	v40 =	vsel vm14, $0x1C00, v47;
	v39 =	vsel vm14, $0x1C80, v39  }
0x1a: {  	v41 =	vsel vm14, $0x1D00, v48;
	v43 =	vsel vm14, $0x1D80, v49;
	v42 =	vsel vm14, $0x1E00, v42  }
0x1b: {  	v44 =	vsel vm14, $0x1E80, v50;
	v46 =	vsel vm14, $0x1F00, v51;
	v45 =	vsel vm14, $0x1F80, v45  }
0x1c: {  	v37 =	vunpack.c.0.s8.s32 v52;
	v51 =	vimm.s32 $0x16151413;
	v2 =	vsel vm13, $0x101, v2  }
0x1d: {  	v19 =	vsel vm13, $0x1381, v19;
	v20 =	vsel vm13, $0x1401, v20;
	v21 =	vsel vm13, $0x1481, v21  }
0x1e: {  	v22 =	vsel vm13, $0x1501, v22;
	v23 =	vsel vm13, $0x1581, v23;
	v24 =	vsel vm13, $0x1601, v24  }
0x1f: {  	v25 =	vsel vm13, $0x1681, v25;
	v26 =	vsel vm13, $0x1701, v26;
	v27 =	vsel vm13, $0x1781, v27  }
0x20: {  	v28 =	vsel vm13, $0x1001, v28;
	v29 =	vsel vm13, $0x1901, v29;
	v30 =	vsel vm13, $0x1981, v30  }
0x21: {  	v31 =	vsel vm13, $0x1A01, v31;
	v32 =	vsel vm13, $0x1A81, v32;
	v33 =	vsel vm13, $0x1B01, v33  }
0x22: {  	v34 =	vsel vm13, $0x1B81, v34;
	v47 =	vsel vm13, $0x1C01, v38;
	v40 =	vsel vm13, $0x1C81, v40  }
0x23: {  	v39 =	vsel vm13, $0x1D01, v39;
	v41 =	vsel vm13, $0x1D81, v41;
	v43 =	vsel vm13, $0x1E01, v43  }
0x24: {  	v42 =	vsel vm13, $0x1E81, v42;
	v46 =	vsel vm13, $0x1F81, v46;
	v45 =	vsel vm13, $0x1801, v45  }
0x25: {  	v0 =	vunpack.c.0.s8.s32 v0;
	v1 =	vunpack.c.0.s8.s32 v1;
	v2 =	vsel vm12, $0x182, v2  }
0x26: {  	v7 =	vunpack.c.0.s8.s32 v4;
	v4 =	vimm.s32 $0x210FEDCB;
	v58 =	vsel vm12, $0x1782, v26  }
0x27: {  	v59 =	vsel vm12, $0x1002, v27;
	v60 =	vsel vm12, $0x1082, v28;
	v28 =	vsel vm12, $0x1982, v29  }
0x28: {  	v29 =	vsel vm12, $0x1A02, v30;
	v30 =	vsel vm12, $0x1A82, v31;
	v31 =	vsel vm12, $0x1B02, v32  }
0x29: {  	v61 =	vsel vm12, $0x1B82, v33;
	v62 =	vsel vm12, $0x1C02, v34;
	v63 =	vsel vm12, $0x1C82, v47  }
0x2a: {  	v52 =	vsel vm12, $0x1D02, v40;
	v39 =	vsel vm12, $0x1D82, v39;
	v41 =	vsel vm12, $0x1E02, v41  }
0x2b: {  	v43 =	vsel vm12, $0x1E82, v43;
	v42 =	vsel vm12, $0x1F02, v42;
	v46 =	vsel vm12, $0x1802, v46  }
0x2c: {  	v45 =	vsel vm12, $0x1882, v45;
	v2 =	vsel vm11, $0x203, v2;
	v4 =	vunpack.c.l.s4.s8 v4  }
0x2d: {  	v26 =	vsel vm11, $0x1083, v59;
	v27 =	vsel vm11, $0x1103, v60;
	v28 =	vsel vm11, $0x1A03, v28  }
0x2e: {  	v29 =	vsel vm11, $0x1A83, v29;
	v30 =	vsel vm11, $0x1B03, v30;
	v31 =	vsel vm11, $0x1B83, v31  }
0x2f: {  	v32 =	vsel vm11, $0x1C03, v61;
	v33 =	vsel vm11, $0x1C83, v62;
	v34 =	vsel vm11, $0x1D03, v63  }
0x30: {  	v39 =	vsel vm11, $0x1E03, v39;
	v48 =	vsel vm11, $0x1E83, v41;
	v43 =	vsel vm11, $0x1F03, v43  }
0x31: {  	v42 =	vsel vm11, $0x1F83, v42;
	v46 =	vsel vm11, $0x1883, v46;
	v45 =	vsel vm11, $0x1903, v45  }
0x32: {  	v62 =	vunpack.c.0.s8.s32 v51;
	v3 =	vcombine.low v1, v0;
	v2 =	vsel vm10, $0x284, v2  }
0x33: {  	v0 =	vcombine.low v0, v1;
	v26 =	vsel vm10, $0x1104, v26;
	v27 =	vsel vm10, $0x1184, v27  }
0x34: {  	v28 =	vsel vm10, $0x1A84, v28;
	v29 =	vsel vm10, $0x1B04, v29;
	v30 =	vsel vm10, $0x1B84, v30  }
0x35: {  	v31 =	vsel vm10, $0x1C04, v31;
	v32 =	vsel vm10, $0x1C84, v32;
	v33 =	vsel vm10, $0x1D04, v33  }
0x36: {  	v34 =	vsel vm10, $0x1D84, v34;
	v39 =	vsel vm10, $0x1E84, v39;
	v43 =	vsel vm10, $0x1F84, v43  }
0x37: {  	v59 =	vsel vm10, $0x1804, v42;
	v46 =	vsel vm10, $0x1904, v46;
	v45 =	vsel vm10, $0x1984, v45  }
0x38: {  	v2 =	vsel vm9, $0x305, v2;
	v26 =	vsel vm9, $0x1185, v26;
	v27 =	vsel vm9, $0x1205, v27  }
0x39: {  	v28 =	vsel vm9, $0x1B05, v28;
	v29 =	vsel vm9, $0x1B85, v29;
	v30 =	vsel vm9, $0x1C05, v30  }
0x3a: {  	v31 =	vsel vm9, $0x1C85, v31;
	v32 =	vsel vm9, $0x1D05, v32;
	v33 =	vsel vm9, $0x1D85, v33  }
0x3b: {  	v34 =	vsel vm9, $0x1E05, v34;
	v39 =	vsel vm9, $0x1F05, v39;
	v50 =	vsel vm9, $0x1805, v43  }
0x3c: {  	v40 =	vsel vm9, $0x1885, v59;
	v46 =	vsel vm9, $0x1985, v46;
	v45 =	vsel vm9, $0x1A05, v45  }
0x3d: {  	v35 =	vand.u32 $0xF, v3;
	v2 =	vsel vm8, $0x386, v2;
	v3 =	vimm.s32 $0x8F  }
0x3e: {  	v0 =	vand.u32 $0xF, v0;
	v26 =	vsel vm8, $0x1206, v26;
	v27 =	vsel vm8, $0x1286, v27  }
0x3f: {  	v28 =	vsel vm8, $0x1B86, v28;
	v29 =	vsel vm8, $0x1C06, v29;
	v30 =	vsel vm8, $0x1C86, v30  }
0x40: {  	v31 =	vsel vm8, $0x1D06, v31;
	v32 =	vsel vm8, $0x1D86, v32;
	v33 =	vsel vm8, $0x1E06, v33  }
0x41: {  	v34 =	vsel vm8, $0x1E86, v34;
	v39 =	vsel vm8, $0x1F86, v39;
	v2 =	vsel vm7, $0x407, v2  }
0x42: {  	v50 =	vsel vm8, $0x1886, v50;
	v3 =	vsel vm14, $0x100, v3;
	v2 =	vsel vm5, $0x488, v2  }
0x43: {  	v46 =	vsel vm8, $0x1A06, v46;
	v3 =	vsel vm13, $0x181, v3;
	v2 =	vsel vm6, $0x509, v2  }
0x44: {  	v51 =	vsel vm8, $0x1A86, v45;
	v3 =	vsel vm12, $0x202, v3;
	v2 =	vsel vm4, $0x58A, v2  }
0x45: {  	v39 =	vsel vm7, $0x1807, v39;
	v3 =	vsel vm11, $0x283, v3;
	v2 =	vsel vm2, $0x60B, v2  }
0x46: {  	v59 =	vsel vm7, $0x1907, v50;
	v3 =	vsel vm10, $0x304, v3;
	v2 =	vsel vm3, $0x68C, v2  }
0x47: {  	v60 =	vsel vm7, $0x1A87, v46;
	v3 =	vsel vm9, $0x385, v3;
	v2 =	vsel vm1, $0x70D, v2  }
0x48: {  	v3 =	vsel vm8, $0x406, v3;
	v36 =	vsel vm0, $0x78E, v2;
	v2 =	vimm.s32 $0x10FEDCBA  }
0x49: {  	v51 =	vsel vm7, $0x1B07, v51;
	v3 =	vsel vm7, $0x487, v3;
	v2 =	vunpack.c.l.s4.s8 v2  }
0x4a: {  	v39 =	vsel vm5, $0x1888, v39;
	v50 =	vsel vm5, $0x1B08, v60;
	v3 =	vsel vm5, $0x508, v3  }
0x4b: {  	v6 =	vunpack.c.0.s8.s32 v2;
	v2 =	vsel vm6, $0x589, v3;
	v3 =	vsel vm14, $0x180, v5  }
0x4c: {  	v39 =	vsel vm6, $0x1909, v39;
	v5 =	vimm.s32 $0xA9876543;
	v3 =	vsel vm13, $0x201, v3  }
0x4d: {  	v2 =	vsel vm4, $0x60A, v2;
	v5 =	vunpack.c.l.s4.s8 v5;
	v3 =	vsel vm12, $0x282, v3  }
0x4e: {  	v8 =	vcombine.low v7, v6;
	v9 =	vsel vm2, $0x68B, v2;
	v2 =	vunpack.c.0.s8.s32 v4  }
0x4f: {  	v6 =	vcombine.low v6, v7;
	v7 =	vimm.s32 $0x50F;
	v3 =	vsel vm11, $0x303, v3  }
0x50: {  	v10 =	vsel vm10, $0x384, v3;
	v3 =	vunpack.c.0.s8.s32 v5;
	v5 =	vand.u32 $0xF, v8  }
0x51: {  	v6 =	vand.u32 $0xF, v6;
	v4 =	vsel vm9, $0x405, v10;
	[tilespmem:$0x1FA00] =	vst v5;
	v5 =	vsel vm3, $0x70C, v9  }
0x52: {  	v9 =	vimm.s32 $0xBA987654;
	[tilespmem:$0x1FB00] =	vst v6;
	v6 =	vimm.s32 $0x58F;
	v4 =	vsel vm8, $0x486, v4  }
0x53: {  	v5 =	vsel vm1, $0x78D, v5;
	v8 =	vcombine.low v3, v2;
	v9 =	vunpack.c.l.s4.s8 v9  }
0x54: {  	v6 =	vsel vm14, $0x600, v6;
	v2 =	vcombine.low v2, v3;
	v4 =	vsel vm7, $0x507, v4  }
0x55: {  	v5 =	vsel vm0, $0xE, v5;
	v6 =	vsel vm13, $0x681, v6;
	v4 =	vsel vm5, $0x588, v4  }
0x56: {  	[tilespmem:$0x1FA10] =	vst v5;
	v5 =	vimm.s32 $0x18F;
	v8 =	vand.u32 $0xF, v8;
	v6 =	vsel vm12, $0x702, v6  }
0x57: {  	v2 =	vand.u32 $0xF, v2;
	[tilespmem:$0x1FA20] =	vst v8;
	v4 =	vsel vm6, $0x609, v4;
	v5 =	vsel vm14, $0x200, v5  }
0x58: {  	v8 =	vimm.s32 $0x3210FEDC;
	v6 =	vsel vm11, $0x783, v6;
	[tilespmem:$0x1FB20] =	vst v2;
	v2 =	vimm.s32 $0x60F  }
0x59: {  	v4 =	vsel vm4, $0x68A, v4;
	v5 =	vsel vm13, $0x281, v5;
	v8 =	vunpack.c.l.s4.s8 v8  }
0x5a: {  	v3 =	vsel vm10, $0x4, v6;
	v2 =	vsel vm14, $0x680, v2;
	v5 =	vsel vm12, $0x302, v5  }
0x5b: {  	v6 =	vimm.s32 $0xB8F;
	v4 =	vsel vm2, $0x70B, v4;
	v5 =	vsel vm11, $0x383, v5  }
0x5c: {  	v10 =	vsel vm3, $0x78C, v4;
	v4 =	vunpack.c.0.s8.s32 v8;
	v8 =	vsel vm10, $0x404, v5  }
0x5d: {  	v5 =	vunpack.c.0.s8.s32 v9;
	v9 =	vimm.s32 $0x20F;
	v8 =	vsel vm9, $0x485, v8  }
0x5e: {  	v10 =	vsel vm1, $0xD, v10;
	v9 =	vsel vm14, $0x280, v9;
	v8 =	vsel vm8, $0x506, v8  }
0x5f: {  	v11 =	vcombine.low v5, v4;
	v9 =	vsel vm13, $0x301, v9;
	v8 =	vsel vm7, $0x587, v8  }
0x60: {  	v10 =	vsel vm0, $0x8E, v10;
	v9 =	vsel vm12, $0x382, v9;
	v8 =	vsel vm5, $0x608, v8  }
0x61: {  	[tilespmem:$0x1FA30] =	vst v10;
	v10 =	vand.u32 $0xF, v11;
	v9 =	vsel vm11, $0x403, v9;
	v11 =	vimm.s32 $0xCBA98765  }
0x62: {  	[tilespmem:$0x1FA40] =	vst v10;
	v8 =	vsel vm6, $0x689, v8;
	v10 =	vimm.s32 $0x43210FED;
	v9 =	vsel vm10, $0x484, v9  }
0x63: {  	v8 =	vsel vm4, $0x70A, v8;
	v10 =	vunpack.c.l.s4.s8 v10;
	v9 =	vsel vm9, $0x505, v9  }
0x64: {  	v11 =	vunpack.c.l.s4.s8 v11;
	v8 =	vsel vm2, $0x78B, v8;
	v9 =	vsel vm8, $0x586, v9  }
0x65: {  	v12 =	vsel vm3, $0xC, v8;
	v8 =	vunpack.c.0.s8.s32 v10;
	v10 =	vsel vm7, $0x607, v9  }
0x66: {  	v2 =	vsel vm13, $0x701, v2;
	v6 =	vsel vm14, $0xC00, v6;
	v10 =	vsel vm5, $0x688, v10  }
0x67: {  	v9 =	vunpack.c.0.s8.s32 v11;
	v11 =	vimm.s32 $0x28F;
	v10 =	vsel vm6, $0x709, v10  }
0x68: {  	v12 =	vsel vm1, $0x8D, v12;
	v11 =	vsel vm14, $0x300, v11;
	v10 =	vsel vm4, $0x78A, v10  }
0x69: {  	v13 =	vcombine.low v9, v8;
	v11 =	vsel vm13, $0x381, v11;
	v10 =	vsel vm2, $0xB, v10  }
0x6a: {  	v12 =	vsel vm0, $0x10E, v12;
	v11 =	vsel vm12, $0x402, v11;
	v10 =	vsel vm3, $0x8C, v10  }
0x6b: {  	[tilespmem:$0x1FA50] =	vst v12;
	v12 =	vand.u32 $0xF, v13;
	v11 =	vsel vm11, $0x483, v11;
	v10 =	vsel vm1, $0x10D, v10  }
0x6c: {  	[tilespmem:$0x1FA60] =	vst v12;
	v11 =	vsel vm10, $0x504, v11;
	v12 =	vimm.s32 $0x30F;
	v10 =	vsel vm0, $0x18E, v10  }
0x6d: {  	v13 =	vimm.s32 $0xDCBA9876;
	[tilespmem:$0x1FA70] =	vst v10;
	v10 =	vsel vm9, $0x585, v11;
	v11 =	vsel vm14, $0x380, v12  }
0x6e: {  	v2 =	vsel vm12, $0x782, v2;
	v13 =	vunpack.c.l.s4.s8 v13;
	v11 =	vsel vm13, $0x401, v11  }
0x6f: {  	v12 =	vimm.s32 $0x543210FE;
	v10 =	vsel vm8, $0x606, v10;
	v11 =	vsel vm12, $0x482, v11  }
0x70: {  	v12 =	vunpack.c.l.s4.s8 v12;
	v10 =	vsel vm7, $0x687, v10;
	v11 =	vsel vm11, $0x503, v11  }
0x71: {  	v13 =	vunpack.c.0.s8.s32 v13;
	v10 =	vsel vm5, $0x708, v10;
	v11 =	vsel vm10, $0x584, v11  }
0x72: {  	v12 =	vunpack.c.0.s8.s32 v12;
	v10 =	vsel vm6, $0x789, v10;
	v11 =	vsel vm9, $0x605, v11  }
0x73: {  	v6 =	vsel vm13, $0xC81, v6;
	v10 =	vsel vm4, $0xA, v10;
	v11 =	vsel vm8, $0x686, v11  }
0x74: {  	v16 =	vcombine.low v13, v12;
	v10 =	vsel vm2, $0x8B, v10;
	v11 =	vsel vm7, $0x707, v11  }
0x75: {  	v2 =	vsel vm11, $0x3, v2;
	v17 =	vsel vm3, $0x10C, v10;
	v11 =	vsel vm5, $0x788, v11  }
0x76: {  	v18 =	vsel vm6, $0x9, v11;
	v11 =	vunpack.c.0.s8.s32 v15;
	v15 =	vand.u32 $0xF, v16  }
0x77: {  	v10 =	vunpack.c.0.s8.s32 v14;
	v14 =	vsel vm4, $0x8A, v18;
	[tilespmem:$0x1FA80] =	vst v15;
	v15 =	vsel vm1, $0x18D, v17  }
0x78: {  	v17 =	vimm.s32 $0x38F;
	v18 =	vimm.s32 $0x120F;
	v14 =	vsel vm2, $0x10B, v14  }
0x79: {  	v16 =	vcombine.low v11, v10;
	v15 =	vsel vm0, $0x20E, v15;
	v14 =	vsel vm3, $0x18C, v14  }
0x7a: {  	v18 =	vsel vm14, $0x1280, v18;
	[tilespmem:$0x1FA90] =	vst v15;
	v15 =	vsel vm14, $0x400, v17;
	v14 =	vsel vm1, $0x20D, v14  }
0x7b: {  	v17 =	vimm.s32 $0xFEDCBA98;
	v18 =	vsel vm13, $0x1301, v18;
	v14 =	vsel vm0, $0x28E, v14  }
0x7c: {  	v16 =	vand.u32 $0xF, v16;
	v17 =	vunpack.c.l.s4.s8 v17;
	[tilespmem:$0x1FAB0] =	vst v14;
	v14 =	vsel vm13, $0x481, v15  }
0x7d: {  	[tilespmem:$0x1FAA0] =	vst v16;
	v16 =	vimm.s32 $0x40F;
	v15 =	vimm.s32 $0x76543210;
	v14 =	vsel vm12, $0x502, v14  }
0x7e: {  	v16 =	vsel vm14, $0x480, v16;
	v15 =	vunpack.c.l.s4.s8 v15;
	v14 =	vsel vm11, $0x583, v14  }
0x7f: {  	v17 =	vunpack.c.0.s8.s32 v17;
	v16 =	vsel vm13, $0x501, v16;
	v14 =	vsel vm10, $0x604, v14  }
0x80: {  	v16 =	vsel vm12, $0x582, v16;
	v15 =	vunpack.c.0.s8.s32 v15;
	v14 =	vsel vm9, $0x685, v14  }
0x81: {  	v17 =	vand.u32 $0xF, v17;
	v16 =	vsel vm11, $0x603, v16;
	v14 =	vsel vm8, $0x706, v14  }
0x82: {  	v16 =	vsel vm10, $0x684, v16;
	v15 =	vcombine.low v17, v15;
	v14 =	vsel vm7, $0x787, v14  }
0x83: {  	v16 =	vsel vm9, $0x705, v16;
	v17 =	vimm.s32 $0x118F;
	v14 =	vsel vm5, $0x8, v14  }
0x84: {  	v17 =	vsel vm14, $0x1200, v17;
	[tilespmem:$0x1FAC0] =	vst v15;
	v15 =	vsel vm8, $0x786, v16;
	v14 =	vsel vm6, $0x89, v14  }
0x85: {  	v16 =	vimm.s32 $0x48F;
	v15 =	vsel vm7, $0x7, v15;
	v14 =	vsel vm4, $0x10A, v14  }
0x86: {  	v16 =	vsel vm14, $0x500, v16;
	v15 =	vsel vm5, $0x88, v15;
	v14 =	vsel vm2, $0x18B, v14  }
0x87: {  	v16 =	vsel vm13, $0x581, v16;
	v15 =	vsel vm6, $0x109, v15;
	v14 =	vsel vm3, $0x20C, v14  }
0x88: {  	v16 =	vsel vm12, $0x602, v16;
	v15 =	vsel vm4, $0x18A, v15;
	v14 =	vsel vm1, $0x28D, v14  }
0x89: {  	v1 =	vsel vm2, $0x20B, v15;
	v15 =	vsel vm11, $0x683, v16;
	v14 =	vsel vm0, $0x30E, v14  }
0x8a: {  	v17 =	vsel vm13, $0x1281, v17;
	v1 =	vsel vm3, $0x28C, v1;
	[tilespmem:$0x1FAD0] =	vst v14;
	v14 =	vsel vm10, $0x704, v15  }
0x8b: {  	[tilespmem:$0x1FAE0] =	vst v0;
	v16 =	vimm.s32 $0x110F;
	v0 =	vsel vm1, $0x30D, v1;
	v1 =	vsel vm9, $0x785, v14  }
0x8c: {  	v16 =	vsel vm14, $0x1180, v16;
	v0 =	vsel vm0, $0x38E, v0;
	v1 =	vsel vm8, $0x6, v1  }
0x8d: {  	v15 =	vimm.s32 $0x108F;
	[tilespmem:$0x1FAF0] =	vst v0;
	v0 =	vsel vm7, $0x87, v1;
	v1 =	vsel vm14, $0x580, v7  }
0x8e: {  	v16 =	vsel vm13, $0x1201, v16;
	v0 =	vsel vm5, $0x108, v0;
	v1 =	vsel vm13, $0x601, v1  }
0x8f: {  	v14 =	vimm.s32 $0x100F;
	v0 =	vsel vm6, $0x189, v0;
	v1 =	vsel vm12, $0x682, v1  }
0x90: {  	v15 =	vsel vm14, $0x1100, v15;
	v0 =	vsel vm4, $0x20A, v0;
	v1 =	vsel vm11, $0x703, v1  }
0x91: {  	v14 =	vsel vm14, $0x1080, v14;
	v0 =	vsel vm2, $0x28B, v0;
	v1 =	vsel vm10, $0x784, v1  }
0x92: {  	v15 =	vsel vm13, $0x1181, v15;
	v0 =	vsel vm3, $0x30C, v0;
	v1 =	vsel vm9, $0x5, v1  }
0x93: {  	v7 =	vimm.s32 $0xC0F;
	v0 =	vsel vm1, $0x38D, v0;
	v1 =	vsel vm8, $0x86, v1  }
0x94: {  	v14 =	vsel vm13, $0x1101, v14;
	v1 =	vsel vm7, $0x107, v1;
	v0 =	vsel vm0, $0x40E, v0  }
0x95: {  	v7 =	vsel vm14, $0xC80, v7;
	[tilespmem:$0x1FB10] =	vst v0;
	v0 =	vsel vm5, $0x188, v1;
	v1 =	vsel vm9, $0x85, v3  }
0x96: {  	v7 =	vsel vm13, $0xD01, v7;
	v0 =	vsel vm6, $0x209, v0;
	v1 =	vsel vm8, $0x106, v1  }
0x97: {  	v3 =	vcombine.low v4, v5;
	v0 =	vsel vm4, $0x28A, v0;
	v1 =	vsel vm7, $0x187, v1  }
0x98: {  	v4 =	vimm.s32 $0xA8F;
	v0 =	vsel vm2, $0x30B, v0;
	v1 =	vsel vm5, $0x208, v1  }
0x99: {  	v5 =	vimm.s32 $0xB0F;
	v0 =	vsel vm3, $0x38C, v0;
	v1 =	vsel vm6, $0x289, v1  }
0x9a: {  	v4 =	vsel vm14, $0xB00, v4;
	v0 =	vsel vm1, $0x40D, v0;
	v1 =	vsel vm4, $0x30A, v1  }
0x9b: {  	v5 =	vsel vm14, $0xB80, v5;
	v1 =	vsel vm2, $0x38B, v1;
	v0 =	vsel vm0, $0x48E, v0  }
0x9c: {  	v4 =	vsel vm13, $0xB81, v4;
	v5 =	vsel vm13, $0xC01, v5;
	[tilespmem:$0x1FB30] =	vst v0;
	v0 =	vsel vm3, $0x40C, v1  }
0x9d: {  	v1 =	vsel vm10, $0x84, v2;
	v2 =	vand.u32 $0xF, v3;
	v3 =	vimm.s32 $0x68F  }
0x9e: {  	[tilespmem:$0x1FB40] =	vst v2;
	v0 =	vsel vm1, $0x48D, v0;
	v1 =	vsel vm9, $0x105, v1;
	v2 =	vcombine.low v8, v9  }
0x9f: {  	v8 =	vimm.s32 $0xC8F;
	v9 =	vimm.s32 $0xD0F;
	v1 =	vsel vm8, $0x186, v1  }
0xa0: {  	v0 =	vsel vm0, $0x50E, v0;
	v8 =	vsel vm14, $0xD00, v8;
	v9 =	vsel vm14, $0xD80, v9  }
0xa1: {  	[tilespmem:$0x1FB50] =	vst v0;
	v0 =	vsel vm7, $0x207, v1;
	v1 =	vsel vm14, $0x700, v3;
	v2 =	vand.u32 $0xF, v2  }
0xa2: {  	v3 =	vcombine.low v12, v13;
	v12 =	vimm.s32 $0xE8F;
	v13 =	vimm.s32 $0xF0F  }
0xa3: {  	v8 =	vsel vm13, $0xD81, v8;
	v9 =	vsel vm13, $0xE01, v9;
	v0 =	vsel vm5, $0x288, v0  }
0xa4: {  	[tilespmem:$0x1FB60] =	vst v2;
	v1 =	vsel vm13, $0x781, v1;
	v2 =	vimm.s32 $0x70F;
	v12 =	vsel vm14, $0xF00, v12  }
0xa5: {  	v13 =	vsel vm14, $0xF80, v13;
	v0 =	vsel vm6, $0x309, v0;
	v1 =	vsel vm12, $0x2, v1  }
0xa6: {  	v2 =	vsel vm14, $0x780, v2;
	v0 =	vsel vm4, $0x38A, v0;
	v1 =	vsel vm11, $0x83, v1  }
0xa7: {  	v2 =	vsel vm13, $0x1, v2;
	v0 =	vsel vm2, $0x40B, v0;
	v1 =	vsel vm10, $0x104, v1  }
0xa8: {  	v2 =	vsel vm12, $0x82, v2;
	v0 =	vsel vm3, $0x48C, v0;
	v1 =	vsel vm9, $0x185, v1  }
0xa9: {  	v2 =	vsel vm11, $0x103, v2;
	v0 =	vsel vm1, $0x50D, v0;
	v1 =	vsel vm8, $0x206, v1  }
0xaa: {  	v2 =	vsel vm10, $0x184, v2;
	v1 =	vsel vm7, $0x287, v1;
	v0 =	vsel vm0, $0x58E, v0  }
0xab: {  	v12 =	vsel vm13, $0xF81, v12;
	[tilespmem:$0x1FB70] =	vst v0;
	v0 =	vsel vm5, $0x308, v1;
	v1 =	vsel vm9, $0x205, v2  }
0xac: {  	v13 =	vsel vm13, $0x801, v13;
	v0 =	vsel vm6, $0x389, v0;
	v1 =	vsel vm8, $0x286, v1  }
0xad: {  	v2 =	vand.u32 $0xF, v3;
	v0 =	vsel vm4, $0x40A, v0;
	v1 =	vsel vm7, $0x307, v1  }
0xae: {  	[tilespmem:$0x1FB80] =	vst v2;
	v2 =	vimm.s32 $0x80F;
	v0 =	vsel vm2, $0x48B, v0;
	v1 =	vsel vm5, $0x388, v1  }
0xaf: {  	v2 =	vsel vm14, $0x880, v2;
	v0 =	vsel vm3, $0x50C, v0;
	v1 =	vsel vm6, $0x409, v1  }
0xb0: {  	v2 =	vsel vm13, $0x901, v2;
	v0 =	vsel vm1, $0x58D, v0;
	v1 =	vsel vm4, $0x48A, v1  }
0xb1: {  	v2 =	vsel vm12, $0x982, v2;
	v1 =	vsel vm2, $0x50B, v1;
	v0 =	vsel vm0, $0x60E, v0  }
0xb2: {  	v3 =	vcombine.low v10, v11;
	v2 =	vsel vm11, $0xA03, v2;
	[tilespmem:$0x1FB90] =	vst v0;
	v0 =	vsel vm3, $0x58C, v1  }
0xb3: {  	v10 =	vimm.s32 $0xD8F;
	v1 =	vsel vm10, $0xA84, v2;
	v0 =	vsel vm1, $0x60D, v0  }
0xb4: {  	v11 =	vimm.s32 $0xE0F;
	v1 =	vsel vm9, $0xB05, v1;
	v0 =	vsel vm0, $0x68E, v0  }
0xb5: {  	v10 =	vsel vm14, $0xE00, v10;
	v1 =	vsel vm8, $0xB86, v1;
	[tilespmem:$0x1FBB0] =	vst v0;
	v0 =	vimm.s32 $0x1C1B1A19  }
0xb6: {  	v1 =	vsel vm7, $0xC07, v1;
	v54 =	vunpack.c.0.s8.s32 v0;
	v0 =	vimm.s32 $0x101F1E1D  }
0xb7: {  	v11 =	vsel vm14, $0xE80, v11;
	v55 =	vunpack.c.0.s8.s32 v0;
	v0 =	vsel vm5, $0xC88, v1  }
0xb8: {  	v10 =	vsel vm13, $0xE81, v10;
	v1 =	vimm.s32 $0x88F;
	v0 =	vsel vm6, $0xD09, v0  }
0xb9: {  	v11 =	vsel vm13, $0xF01, v11;
	v1 =	vsel vm14, $0x900, v1;
	v0 =	vsel vm4, $0xD8A, v0  }
0xba: {  	v2 =	vand.u32 $0xF, v3;
	v1 =	vsel vm13, $0x981, v1;
	v0 =	vsel vm2, $0xE0B, v0  }
0xbb: {  	[tilespmem:$0x1FBA0] =	vst v2;
	v2 =	vimm.s32 $0x14131211;
	v1 =	vsel vm12, $0xA02, v1;
	v0 =	vsel vm3, $0xE8C, v0  }
0xbc: {  	v56 =	vunpack.c.0.s8.s32 v2;
	v1 =	vsel vm11, $0xA83, v1;
	v0 =	vsel vm1, $0xF0D, v0  }
0xbd: {  	v2 =	vimm.s32 $0x18171615;
	v1 =	vsel vm10, $0xB04, v1;
	v0 =	vsel vm0, $0xF8E, v0  }
0xbe: {  	v57 =	vunpack.c.0.s8.s32 v2;
	v2 =	vimm.s32 $0x90F;
	[tilespmem:$0x1FBC0] =	vst v0;
	v0 =	vsel vm9, $0xB85, v1  }
0xbf: {  	v1 =	vsel vm14, $0x980, v2;
	v2 =	vimm.s32 $0x1D1C1B1A;
	v0 =	vsel vm8, $0xC06, v0  }
0xc0: {  	v1 =	vsel vm13, $0xA01, v1;
	v2 =	vunpack.c.0.s8.s32 v2;
	v0 =	vsel vm7, $0xC87, v0  }
0xc1: {  	v3 =	vimm.s32 $0xA0F;
	v1 =	vsel vm12, $0xA82, v1;
	v0 =	vsel vm5, $0xD08, v0  }
0xc2: {  	[tilespmem:$0x1FBD0] =	vst v2;
	v2 =	vimm.s32 $0x11101F1E;
	v1 =	vsel vm11, $0xB03, v1;
	v0 =	vsel vm6, $0xD89, v0  }
0xc3: {  	v2 =	vunpack.c.0.s8.s32 v2;
	v1 =	vsel vm10, $0xB84, v1;
	v0 =	vsel vm4, $0xE0A, v0  }
0xc4: {  	v3 =	vsel vm14, $0xA80, v3;
	v1 =	vsel vm9, $0xC05, v1;
	v0 =	vsel vm2, $0xE8B, v0  }
0xc5: {  	[tilespmem:$0x1FBE0] =	vst v2;
	v2 =	vimm.s32 $0x98F;
	v1 =	vsel vm8, $0xC86, v1;
	v0 =	vsel vm3, $0xF0C, v0  }
0xc6: {  	v2 =	vsel vm14, $0xA00, v2;
	v1 =	vsel vm7, $0xD07, v1;
	v0 =	vsel vm1, $0xF8D, v0  }
0xc7: {  	v2 =	vsel vm13, $0xA81, v2;
	v1 =	vsel vm5, $0xD88, v1;
	v0 =	vsel vm0, $0x80E, v0  }
0xc8: {  	v3 =	vsel vm13, $0xB01, v3;
	[tilespmem:$0x1FBF0] =	vst v0;
	v0 =	vsel vm6, $0xE09, v1;
	v1 =	vsel vm12, $0xB02, v2  }
0xc9: {  	v2 =	vsel vm12, $0xB82, v3;
	v3 =	vsel vm12, $0xC02, v4;
	v4 =	vsel vm12, $0xC82, v5  }
0xca: {  	v5 =	vsel vm12, $0xD02, v6;
	v6 =	vsel vm12, $0xD82, v7;
	v7 =	vsel vm12, $0xE02, v8  }
0xcb: {  	v8 =	vsel vm12, $0xE82, v9;
	v9 =	vsel vm12, $0xF02, v10;
	v10 =	vsel vm12, $0xF82, v11  }
0xcc: {  	v11 =	vsel vm12, $0x802, v12;
	v12 =	vsel vm12, $0x882, v13;
	v13 =	vsel vm12, $0x1182, v14  }
0xcd: {  	v14 =	vsel vm12, $0x1202, v15;
	v15 =	vsel vm12, $0x1282, v16;
	v16 =	vsel vm12, $0x1302, v17  }
0xce: {  	v17 =	vsel vm12, $0x1382, v18;
	v18 =	vsel vm12, $0x1402, v19;
	v19 =	vsel vm12, $0x1482, v20  }
0xcf: {  	v20 =	vsel vm12, $0x1502, v21;
	v21 =	vsel vm12, $0x1582, v22;
	v22 =	vsel vm12, $0x1602, v23  }
0xd0: {  	v23 =	vsel vm12, $0x1682, v24;
	v24 =	vsel vm12, $0x1702, v25;
	v25 =	vsel vm11, $0x1003, v58  }
0xd1: {  	v0 =	vsel vm4, $0xE8A, v0;
	v1 =	vsel vm11, $0xB83, v1;
	v2 =	vsel vm11, $0xC03, v2  }
0xd2: {  	v3 =	vsel vm11, $0xC83, v3;
	v4 =	vsel vm11, $0xD03, v4;
	v5 =	vsel vm11, $0xD83, v5  }
0xd3: {  	v6 =	vsel vm11, $0xE03, v6;
	v7 =	vsel vm11, $0xE83, v7;
	v8 =	vsel vm11, $0xF03, v8  }
0xd4: {  	v9 =	vsel vm11, $0xF83, v9;
	v10 =	vsel vm11, $0x803, v10;
	v11 =	vsel vm11, $0x883, v11  }
0xd5: {  	v12 =	vsel vm11, $0x903, v12;
	v13 =	vsel vm11, $0x1203, v13;
	v14 =	vsel vm11, $0x1283, v14  }
0xd6: {  	v15 =	vsel vm11, $0x1303, v15;
	v16 =	vsel vm11, $0x1383, v16;
	v17 =	vsel vm11, $0x1403, v17  }
0xd7: {  	v18 =	vsel vm11, $0x1483, v18;
	v19 =	vsel vm11, $0x1503, v19;
	v20 =	vsel vm11, $0x1583, v20  }
0xd8: {  	v21 =	vsel vm11, $0x1603, v21;
	v22 =	vsel vm11, $0x1683, v22;
	v23 =	vsel vm11, $0x1703, v23  }
0xd9: {  	v24 =	vsel vm11, $0x1783, v24;
	v25 =	vsel vm10, $0x1084, v25;
	v0 =	vsel vm2, $0xF0B, v0  }
0xda: {  	v1 =	vsel vm10, $0xC04, v1;
	v2 =	vsel vm10, $0xC84, v2;
	v3 =	vsel vm10, $0xD04, v3  }
0xdb: {  	v4 =	vsel vm10, $0xD84, v4;
	v5 =	vsel vm10, $0xE04, v5;
	v6 =	vsel vm10, $0xE84, v6  }
0xdc: {  	v7 =	vsel vm10, $0xF04, v7;
	v8 =	vsel vm10, $0xF84, v8;
	v9 =	vsel vm10, $0x804, v9  }
0xdd: {  	v10 =	vsel vm10, $0x884, v10;
	v11 =	vsel vm10, $0x904, v11;
	v12 =	vsel vm10, $0x984, v12  }
0xde: {  	v13 =	vsel vm10, $0x1284, v13;
	v14 =	vsel vm10, $0x1304, v14;
	v15 =	vsel vm10, $0x1384, v15  }
0xdf: {  	v16 =	vsel vm10, $0x1404, v16;
	v17 =	vsel vm10, $0x1484, v17;
	v18 =	vsel vm10, $0x1504, v18  }
0xe0: {  	v19 =	vsel vm10, $0x1584, v19;
	v20 =	vsel vm10, $0x1604, v20;
	v21 =	vsel vm10, $0x1684, v21  }
0xe1: {  	v22 =	vsel vm10, $0x1704, v22;
	v23 =	vsel vm10, $0x1784, v23;
	v24 =	vsel vm10, $0x1004, v24  }
0xe2: {  	v25 =	vsel vm9, $0x1105, v25;
	v0 =	vsel vm3, $0xF8C, v0;
	v1 =	vsel vm9, $0xC85, v1  }
0xe3: {  	v2 =	vsel vm9, $0xD05, v2;
	v3 =	vsel vm9, $0xD85, v3;
	v4 =	vsel vm9, $0xE05, v4  }
0xe4: {  	v5 =	vsel vm9, $0xE85, v5;
	v6 =	vsel vm9, $0xF05, v6;
	v7 =	vsel vm9, $0xF85, v7  }
0xe5: {  	v8 =	vsel vm9, $0x805, v8;
	v9 =	vsel vm9, $0x885, v9;
	v10 =	vsel vm9, $0x905, v10  }
0xe6: {  	v11 =	vsel vm9, $0x985, v11;
	v12 =	vsel vm9, $0xA05, v12;
	v13 =	vsel vm9, $0x1305, v13  }
0xe7: {  	v14 =	vsel vm9, $0x1385, v14;
	v15 =	vsel vm9, $0x1405, v15;
	v16 =	vsel vm9, $0x1485, v16  }
0xe8: {  	v17 =	vsel vm9, $0x1505, v17;
	v18 =	vsel vm9, $0x1585, v18;
	v19 =	vsel vm9, $0x1605, v19  }
0xe9: {  	v20 =	vsel vm9, $0x1685, v20;
	v21 =	vsel vm9, $0x1705, v21;
	v22 =	vsel vm9, $0x1785, v22  }
0xea: {  	v23 =	vsel vm9, $0x1005, v23;
	v24 =	vsel vm9, $0x1085, v24;
	v25 =	vsel vm8, $0x1186, v25  }
0xeb: {  	v0 =	vsel vm1, $0x80D, v0;
	v1 =	vsel vm8, $0xD06, v1;
	v2 =	vsel vm8, $0xD86, v2  }
0xec: {  	v3 =	vsel vm8, $0xE06, v3;
	v4 =	vsel vm8, $0xE86, v4;
	v5 =	vsel vm8, $0xF06, v5  }
0xed: {  	v6 =	vsel vm8, $0xF86, v6;
	v7 =	vsel vm8, $0x806, v7;
	v8 =	vsel vm8, $0x886, v8  }
0xee: {  	v9 =	vsel vm8, $0x906, v9;
	v10 =	vsel vm8, $0x986, v10;
	v11 =	vsel vm8, $0xA06, v11  }
0xef: {  	v12 =	vsel vm8, $0xA86, v12;
	v13 =	vsel vm8, $0x1386, v13;
	v14 =	vsel vm8, $0x1406, v14  }
0xf0: {  	v15 =	vsel vm8, $0x1486, v15;
	v16 =	vsel vm8, $0x1506, v16;
	v17 =	vsel vm8, $0x1586, v17  }
0xf1: {  	v18 =	vsel vm8, $0x1606, v18;
	v19 =	vsel vm8, $0x1686, v19;
	v20 =	vsel vm8, $0x1706, v20  }
0xf2: {  	v21 =	vsel vm8, $0x1786, v21;
	v22 =	vsel vm8, $0x1006, v22;
	v23 =	vsel vm8, $0x1086, v23  }
0xf3: {  	v24 =	vsel vm8, $0x1106, v24;
	v41 =	vsel vm0, $0x88E, v0;
	v0 =	vsel vm7, $0xD87, v1  }
0xf4: {  	v1 =	vsel vm7, $0xE07, v2;
	v2 =	vsel vm7, $0xE87, v3;
	v3 =	vsel vm7, $0xF07, v4  }
0xf5: {  	v4 =	vsel vm7, $0xF87, v5;
	v5 =	vsel vm7, $0x807, v6;
	v6 =	vsel vm7, $0x887, v7  }
0xf6: {  	v7 =	vsel vm7, $0x907, v8;
	v8 =	vsel vm7, $0x987, v9;
	v9 =	vsel vm7, $0xA07, v10  }
0xf7: {  	v10 =	vsel vm7, $0xA87, v11;
	v11 =	vsel vm7, $0xB07, v12;
	v12 =	vsel vm7, $0x1407, v13  }
0xf8: {  	v13 =	vsel vm7, $0x1487, v14;
	v14 =	vsel vm7, $0x1507, v15;
	v15 =	vsel vm7, $0x1587, v16  }
0xf9: {  	v16 =	vsel vm7, $0x1607, v17;
	v17 =	vsel vm7, $0x1687, v18;
	v18 =	vsel vm7, $0x1707, v19  }
0xfa: {  	v19 =	vsel vm7, $0x1787, v20;
	v20 =	vsel vm7, $0x1007, v21;
	v21 =	vsel vm7, $0x1087, v22  }
0xfb: {  	v22 =	vsel vm7, $0x1107, v23;
	v23 =	vsel vm7, $0x1187, v24;
	v24 =	vsel vm7, $0x1207, v25  }
0xfc: {  	v25 =	vsel vm7, $0x1287, v26;
	v26 =	vsel vm7, $0x1307, v27;
	v27 =	vsel vm7, $0x1C07, v28  }
0xfd: {  	v28 =	vsel vm7, $0x1C87, v29;
	v29 =	vsel vm7, $0x1D07, v30;
	v30 =	vsel vm7, $0x1D87, v31  }
0xfe: {  	v31 =	vsel vm7, $0x1E07, v32;
	v32 =	vsel vm7, $0x1E87, v33;
	v33 =	vsel vm7, $0x1F07, v34  }
0xff: {  	v0 =	vsel vm5, $0xE08, v0;
	v1 =	vsel vm5, $0xE88, v1;
	v2 =	vsel vm5, $0xF08, v2  }
0x100: {  	v3 =	vsel vm5, $0xF88, v3;
	v4 =	vsel vm5, $0x808, v4;
	v5 =	vsel vm5, $0x888, v5  }
0x101: {  	v6 =	vsel vm5, $0x908, v6;
	v7 =	vsel vm5, $0x988, v7;
	v8 =	vsel vm5, $0xA08, v8  }
0x102: {  	v9 =	vsel vm5, $0xA88, v9;
	v10 =	vsel vm5, $0xB08, v10;
	v11 =	vsel vm5, $0xB88, v11  }
0x103: {  	v12 =	vsel vm5, $0x1488, v12;
	v13 =	vsel vm5, $0x1508, v13;
	v14 =	vsel vm5, $0x1588, v14  }
0x104: {  	v15 =	vsel vm5, $0x1608, v15;
	v16 =	vsel vm5, $0x1688, v16;
	v17 =	vsel vm5, $0x1708, v17  }
0x105: {  	v18 =	vsel vm5, $0x1788, v18;
	v19 =	vsel vm5, $0x1008, v19;
	v20 =	vsel vm5, $0x1088, v20  }
0x106: {  	v21 =	vsel vm5, $0x1108, v21;
	v22 =	vsel vm5, $0x1188, v22;
	v23 =	vsel vm5, $0x1208, v23  }
0x107: {  	v24 =	vsel vm5, $0x1288, v24;
	v25 =	vsel vm5, $0x1308, v25;
	v26 =	vsel vm5, $0x1388, v26  }
0x108: {  	v27 =	vsel vm5, $0x1C88, v27;
	v28 =	vsel vm5, $0x1D08, v28;
	v29 =	vsel vm5, $0x1D88, v29  }
0x109: {  	v30 =	vsel vm5, $0x1E08, v30;
	v31 =	vsel vm5, $0x1E88, v31;
	v32 =	vsel vm5, $0x1F08, v32  }
0x10a: {  	v33 =	vsel vm5, $0x1F88, v33;
	v0 =	vsel vm6, $0xE89, v0;
	v1 =	vsel vm6, $0xF09, v1  }
0x10b: {  	v2 =	vsel vm6, $0xF89, v2;
	v3 =	vsel vm6, $0x809, v3;
	v4 =	vsel vm6, $0x889, v4  }
0x10c: {  	v5 =	vsel vm6, $0x909, v5;
	v6 =	vsel vm6, $0x989, v6;
	v7 =	vsel vm6, $0xA09, v7  }
0x10d: {  	v8 =	vsel vm6, $0xA89, v8;
	v9 =	vsel vm6, $0xB09, v9;
	v10 =	vsel vm6, $0xB89, v10  }
0x10e: {  	v11 =	vsel vm6, $0xC09, v11;
	v12 =	vsel vm6, $0x1509, v12;
	v13 =	vsel vm6, $0x1589, v13  }
0x10f: {  	v14 =	vsel vm6, $0x1609, v14;
	v15 =	vsel vm6, $0x1689, v15;
	v16 =	vsel vm6, $0x1709, v16  }
0x110: {  	v17 =	vsel vm6, $0x1789, v17;
	v18 =	vsel vm6, $0x1009, v18;
	v19 =	vsel vm6, $0x1089, v19  }
0x111: {  	v20 =	vsel vm6, $0x1109, v20;
	v21 =	vsel vm6, $0x1189, v21;
	v22 =	vsel vm6, $0x1209, v22  }
0x112: {  	v23 =	vsel vm6, $0x1289, v23;
	v24 =	vsel vm6, $0x1309, v24;
	v25 =	vsel vm6, $0x1389, v25  }
0x113: {  	v26 =	vsel vm6, $0x1409, v26;
	v27 =	vsel vm6, $0x1D09, v27;
	v28 =	vsel vm6, $0x1D89, v28  }
0x114: {  	v29 =	vsel vm6, $0x1E09, v29;
	v30 =	vsel vm6, $0x1E89, v30;
	v31 =	vsel vm6, $0x1F09, v31  }
0x115: {  	v32 =	vsel vm6, $0x1F89, v32;
	v33 =	vsel vm6, $0x1809, v33;
	v0 =	vsel vm4, $0xF0A, v0  }
0x116: {  	v1 =	vsel vm4, $0xF8A, v1;
	v2 =	vsel vm4, $0x80A, v2;
	v0 =	vsel vm2, $0xF8B, v0  }
0x117: {  	v60 =	vsel vm4, $0x180A, v32;
	v33 =	vsel vm4, $0x188A, v33;
	v0 =	vsel vm3, $0x80C, v0  }
0x118: {  	v1 =	vsel vm2, $0x80B, v1;
	v2 =	vsel vm2, $0x88B, v2;
	v0 =	vsel vm1, $0x88D, v0  }
0x119: {  	v1 =	vsel vm3, $0x88C, v1;
	v2 =	vsel vm3, $0x90C, v2;
	v0 =	vsel vm0, $0x90E, v0  }
0x11a: {  	[tilespmem:$0x1FC00] =	vst v0;
	v0 =	vsel vm1, $0x90D, v1;
	v1 =	vsel vm1, $0x98D, v2;
	v2 =	vsel vm4, $0x98A, v5  }
0x11b: {  	v5 =	vsel vm4, $0x100A, v17;
	v17 =	vsel vm4, $0x1E8A, v29;
	v0 =	vsel vm0, $0x98E, v0  }
0x11c: {  	v2 =	vsel vm2, $0xA0B, v2;
	v5 =	vsel vm2, $0x108B, v5;
	v17 =	vsel vm2, $0x1F0B, v17  }
0x11d: {  	[tilespmem:$0x1FC10] =	vst v0;
	v0 =	vsel vm0, $0xA0E, v1;
	v1 =	vsel vm4, $0x90A, v4;
	v2 =	vsel vm3, $0xA8C, v2  }
0x11e: {  	v4 =	vsel vm4, $0x178A, v16;
	v16 =	vsel vm4, $0x1E0A, v28;
	v5 =	vsel vm3, $0x110C, v5  }
0x11f: {  	v17 =	vsel vm3, $0x1F8C, v17;
	[tilespmem:$0x1FC20] =	vst v0;
	v0 =	vsel vm4, $0x88A, v3;
	v1 =	vsel vm2, $0x98B, v1  }
0x120: {  	v3 =	vsel vm4, $0x170A, v15;
	v15 =	vsel vm4, $0x1D8A, v27;
	v4 =	vsel vm2, $0x100B, v4  }
0x121: {  	v16 =	vsel vm2, $0x1E8B, v16;
	v5 =	vsel vm1, $0x118D, v5;
	v0 =	vsel vm2, $0x90B, v0  }
0x122: {  	v17 =	vsel vm1, $0x180D, v17;
	v1 =	vsel vm3, $0xA0C, v1;
	v0 =	vsel vm3, $0x98C, v0  }
0x123: {  	v3 =	vsel vm2, $0x178B, v3;
	v4 =	vsel vm3, $0x108C, v4;
	v0 =	vsel vm1, $0xA0D, v0  }
0x124: {  	v15 =	vsel vm2, $0x1E0B, v15;
	v16 =	vsel vm3, $0x1F0C, v16;
	v0 =	vsel vm0, $0xA8E, v0  }
0x125: {  	v3 =	vsel vm3, $0x100C, v3;
	v15 =	vsel vm3, $0x1E8C, v15;
	[tilespmem:$0x1FC30] =	vst v0;
	v0 =	vsel vm1, $0xA8D, v1  }
0x126: {  	v4 =	vsel vm1, $0x110D, v4;
	v1 =	vsel vm1, $0xB0D, v2;
	v0 =	vsel vm0, $0xB0E, v0  }
0x127: {  	v3 =	vsel vm1, $0x108D, v3;
	v2 =	vsel vm4, $0xB0A, v8;
	[tilespmem:$0x1FC40] =	vst v0;
	v0 =	vsel vm0, $0xB8E, v1  }
0x128: {  	v8 =	vsel vm4, $0x118A, v20;
	v2 =	vsel vm2, $0xB8B, v2;
	[tilespmem:$0x1FC50] =	vst v0;
	v0 =	vsel vm4, $0xA0A, v6  }
0x129: {  	v8 =	vsel vm2, $0x120B, v8;
	v1 =	vsel vm4, $0xA8A, v7;
	v0 =	vsel vm2, $0xA8B, v0  }
0x12a: {  	v2 =	vsel vm3, $0xC0C, v2;
	v7 =	vsel vm4, $0x110A, v19;
	v0 =	vsel vm3, $0xB0C, v0  }
0x12b: {  	v19 =	vsel vm4, $0x1F8A, v31;
	v1 =	vsel vm2, $0xB0B, v1;
	v0 =	vsel vm1, $0xB8D, v0  }
0x12c: {  	v8 =	vsel vm3, $0x128C, v8;
	v1 =	vsel vm3, $0xB8C, v1;
	v0 =	vsel vm0, $0xC0E, v0  }
0x12d: {  	v31 =	vimm.s32 $0x24232221;
	v6 =	vsel vm4, $0x108A, v18;
	[tilespmem:$0x1FC60] =	vst v0;
	v0 =	vsel vm1, $0xC0D, v1  }
0x12e: {  	v18 =	vsel vm4, $0x1F0A, v30;
	v1 =	vsel vm1, $0xC8D, v2;
	v0 =	vsel vm0, $0xC8E, v0  }
0x12f: {  	v30 =	vimm.s32 $0x2C2B2A29;
	v7 =	vsel vm2, $0x118B, v7;
	[tilespmem:$0x1FC70] =	vst v0;
	v0 =	vsel vm0, $0xD0E, v1  }
0x130: {  	v8 =	vsel vm1, $0x130D, v8;
	v30 =	vunpack.c.0.s8.s32 v30;
	[tilespmem:$0x1FC80] =	vst v0;
	v0 =	vsel vm4, $0xB8A, v9  }
0x131: {  	v6 =	vsel vm2, $0x110B, v6;
	v7 =	vsel vm3, $0x120C, v7;
	v0 =	vsel vm2, $0xC0B, v0  }
0x132: {  	v6 =	vsel vm3, $0x118C, v6;
	v1 =	vsel vm4, $0xC0A, v10;
	v0 =	vsel vm3, $0xC8C, v0  }
0x133: {  	v2 =	vsel vm4, $0xC8A, v11;
	v1 =	vsel vm2, $0xC8B, v1;
	v0 =	vsel vm1, $0xD0D, v0  }
0x134: {  	[tilespmem:$0x1FCC0] =	vst v30;
	v2 =	vsel vm2, $0xD0B, v2;
	v1 =	vsel vm3, $0xD0C, v1;
	v0 =	vsel vm0, $0xD8E, v0  }
0x135: {  	v30 =	vimm.s32 $0x202F2E2D;
	v2 =	vsel vm3, $0xD8C, v2;
	[tilespmem:$0x1FC90] =	vst v0;
	v0 =	vsel vm1, $0xD8D, v1  }
0x136: {  	v30 =	vunpack.c.0.s8.s32 v30;
	v1 =	vsel vm1, $0xE0D, v2;
	v0 =	vsel vm0, $0xE0E, v0  }
0x137: {  	v7 =	vsel vm1, $0x128D, v7;
	[tilespmem:$0x1FCA0] =	vst v0;
	v0 =	vsel vm0, $0xE8E, v1;
	v1 =	vsel vm4, $0x160A, v13  }
0x138: {  	[tilespmem:$0x1FCD0] =	vst v30;
	v30 =	vunpack.c.0.s8.s32 v31;
	v2 =	vsel vm4, $0x168A, v14;
	v1 =	vsel vm2, $0x168B, v1  }
0x139: {  	v6 =	vsel vm1, $0x120D, v6;
	v2 =	vsel vm2, $0x170B, v2;
	v1 =	vsel vm3, $0x170C, v1  }
0x13a: {  	v11 =	vsel vm4, $0x130A, v23;
	[tilespmem:$0x1FCE0] =	vst v30;
	v2 =	vsel vm3, $0x178C, v2;
	v1 =	vsel vm1, $0x178D, v1  }
0x13b: {  	v11 =	vsel vm2, $0x138B, v11;
	[tilespmem:$0x1FCB0] =	vst v0;
	v2 =	vsel vm1, $0x100D, v2;
	v1 =	vsel vm0, $0x100E, v1  }
0x13c: {  	v10 =	vsel vm4, $0x128A, v22;
	v11 =	vsel vm3, $0x140C, v11;
	[tilespmem:$0x1FD00] =	vst v1;
	v1 =	vsel vm0, $0x108E, v2  }
0x13d: {  	v9 =	vsel vm4, $0x120A, v21;
	v10 =	vsel vm2, $0x130B, v10;
	[tilespmem:$0x1FD10] =	vst v1;
	v1 =	vsel vm0, $0x110E, v3  }
0x13e: {  	v11 =	vsel vm1, $0x148D, v11;
	v9 =	vsel vm2, $0x128B, v9;
	[tilespmem:$0x1FD20] =	vst v1;
	v1 =	vsel vm0, $0x118E, v4  }
0x13f: {  	v10 =	vsel vm3, $0x138C, v10;
	v9 =	vsel vm3, $0x130C, v9;
	[tilespmem:$0x1FD30] =	vst v1;
	v1 =	vsel vm0, $0x120E, v5  }
0x140: {  	v10 =	vsel vm1, $0x140D, v10;
	v14 =	vsel vm4, $0x148A, v26;
	[tilespmem:$0x1FD40] =	vst v1;
	v1 =	vsel vm0, $0x128E, v6  }
0x141: {  	v9 =	vsel vm1, $0x138D, v9;
	v14 =	vsel vm2, $0x150B, v14;
	[tilespmem:$0x1FD50] =	vst v1;
	v1 =	vsel vm0, $0x130E, v7  }
0x142: {  	v0 =	vsel vm4, $0x158A, v12;
	v12 =	vsel vm4, $0x138A, v24;
	[tilespmem:$0x1FD60] =	vst v1;
	v1 =	vsel vm0, $0x138E, v8  }
0x143: {  	v13 =	vsel vm4, $0x140A, v25;
	v12 =	vsel vm2, $0x140B, v12;
	[tilespmem:$0x1FD70] =	vst v1;
	v1 =	vsel vm0, $0x140E, v9  }
0x144: {  	v13 =	vsel vm2, $0x148B, v13;
	v12 =	vsel vm3, $0x148C, v12;
	[tilespmem:$0x1FD80] =	vst v1;
	v1 =	vsel vm0, $0x148E, v10  }
0x145: {  	v13 =	vsel vm3, $0x150C, v13;
	v12 =	vsel vm1, $0x150D, v12;
	[tilespmem:$0x1FD90] =	vst v1;
	v1 =	vsel vm0, $0x150E, v11  }
0x146: {  	v14 =	vsel vm3, $0x158C, v14;
	v13 =	vsel vm1, $0x158D, v13;
	[tilespmem:$0x1FDA0] =	vst v1;
	v1 =	vsel vm0, $0x158E, v12  }
0x147: {  	v16 =	vsel vm1, $0x1F8D, v16;
	v14 =	vsel vm1, $0x160D, v14;
	[tilespmem:$0x1FDB0] =	vst v1;
	v1 =	vsel vm0, $0x160E, v13  }
0x148: {  	v15 =	vsel vm1, $0x1F0D, v15;
	v20 =	vsel vm2, $0x188B, v60;
	[tilespmem:$0x1FDC0] =	vst v1;
	v1 =	vsel vm0, $0x168E, v14  }
0x149: {  	v20 =	vsel vm3, $0x190C, v20;
	v18 =	vsel vm2, $0x1F8B, v18;
	[tilespmem:$0x1FDD0] =	vst v1;
	v1 =	vsel vm0, $0x1F8E, v15  }
0x14a: {  	v19 =	vsel vm2, $0x180B, v19;
	v18 =	vsel vm3, $0x180C, v18;
	[tilespmem:$0x1FDE0] =	vst v1;
	v1 =	vsel vm0, $0x180E, v16  }
0x14b: {  	v19 =	vsel vm3, $0x188C, v19;
	v18 =	vsel vm1, $0x188D, v18;
	[tilespmem:$0x1FDF0] =	vst v1;
	v1 =	vsel vm0, $0x188E, v17  }
0x14c: {  	v19 =	vsel vm1, $0x190D, v19;
	v21 =	vsel vm2, $0x190B, v33;
	[tilespmem:$0x1FE00] =	vst v1;
	v1 =	vsel vm0, $0x190E, v18  }
0x14d: {  	v20 =	vsel vm1, $0x198D, v20;
	v21 =	vsel vm3, $0x198C, v21;
	[tilespmem:$0x1FE10] =	vst v1;
	v1 =	vsel vm0, $0x198E, v19  }
0x14e: {  	v31 =	vsel vm1, $0x1A0D, v21;
	v0 =	vsel vm2, $0x160B, v0;
	[tilespmem:$0x1FE20] =	vst v1;
	v1 =	vsel vm0, $0x1A0E, v20  }
0x14f: {  	v39 =	vsel vm4, $0x198A, v39;
	v0 =	vsel vm3, $0x168C, v0;
	[tilespmem:$0x1FE30] =	vst v1;
	v1 =	vsel vm0, $0x1A8E, v31  }
0x150: {  	v23 =	vsel vm2, $0x1A0B, v39;
	v30 =	vsel vm1, $0x170D, v0;
	[tilespmem:$0x1FE40] =	vst v1;
	v1 =	vimm.s32 $0x2D2C2B2A  }
0x151: {  	v60 =	vsel vm0, $0x178E, v30;
	v39 =	vunpack.c.0.s8.s32 v1;
	v1 =	vimm.s32 $0x25242322  }
0x152: {  	v51 =	vsel vm5, $0x1B88, v51;
	[tilespmem:$0x1FCF0] =	vst v60;
	v60 =	vunpack.c.0.s8.s32 v1;
	v1 =	vimm.s32 $0x29282726  }
0x153: {  	v51 =	vsel vm6, $0x1C09, v51;
	v2 =	vimm.s32 $0x21202F2E;
	v1 =	vunpack.c.0.s8.s32 v1  }
0x154: {  	v29 =	vsel vm4, $0x1C8A, v51;
	v51 =	vunpack.c.0.s8.s32 v2;
	v2 =	vimm.s32 $0x2E2D2C2B  }
0x155: {  	[tilespmem:$0x1FE50] =	vst v1;
	v1 =	vunpack.c.0.s8.s32 v2;
	_ =	sdelay $0x1  }
0x156: {  	[tilespmem:$0x1FE60] =	vst v1;
	v1 =	vimm.s32 $0x2221202F  }
0x157: {  	v1 =	vunpack.c.0.s8.s32 v1;
	_ =	sdelay $0x1  }
0x158: {  	[tilespmem:$0x1FE70] =	vst v1;
	v1 =	vimm.s32 $0x26252423  }
0x159: {  	v1 =	vunpack.c.0.s8.s32 v1  }
0x15a: {  	v2 =	vimm.s32 $0x2A292827  }
0x15b: {  	[tilespmem:$0x1FE80] =	vst v1;
	v1 =	vunpack.c.0.s8.s32 v2;
	_ =	sdelay $0x1  }
0x15c: {  	[tilespmem:$0x1FE90] =	vst v1;
	v1 =	vimm.s32 $0x2F2E2D2C  }
0x15d: {  	v1 =	vunpack.c.0.s8.s32 v1;
	_ =	sdelay $0x1  }
0x15e: {  	[tilespmem:$0x1FEA0] =	vst v1;
	v1 =	vimm.s32 $0x23222120  }
0x15f: {  	v1 =	vunpack.c.0.s8.s32 v1  }
0x160: {  	v2 =	vimm.s32 $0x27262524  }
0x161: {  	v53 =	vimm.s32 $0x19181716;
	[tilespmem:$0x1FEB0] =	vst v1;
	v1 =	vunpack.c.0.s8.s32 v2  }
0x162: {  	v44 =	vsel vm13, $0x1F01, v44;
	v38 =	vunpack.c.0.s8.s32 v53;
	v53 =	vimm.s32 $0x1E1D1C1B  }
0x163: {  	v44 =	vsel vm12, $0x1F82, v44;
	v49 =	vunpack.c.0.s8.s32 v53;
	[tilespmem:$0x1FEC0] =	vst v1;
	v1 =	vimm.s32 $0x2B2A2928  }
0x164: {  	v53 =	vimm.s32 $0x1F1E1D1C;
	v47 =	vsel vm11, $0x1D83, v52;
	v1 =	vunpack.c.0.s8.s32 v1  }
0x165: {  	v44 =	vsel vm11, $0x1803, v44;
	v52 =	vimm.s32 $0x1A191817;
	v47 =	vsel vm10, $0x1E04, v47  }
0x166: {  	v48 =	vsel vm10, $0x1F04, v48;
	v44 =	vsel vm10, $0x1884, v44;
	[tilespmem:$0x1FED0] =	vst v1;
	v1 =	vimm.s32 $0x3C3B3A39  }
0x167: {  	v63 =	vunpack.c.0.s8.s32 v52;
	v42 =	vunpack.c.0.s8.s32 v53;
	v1 =	vunpack.c.0.s8.s32 v1  }
0x168: {  	v47 =	vsel vm9, $0x1E85, v47;
	v48 =	vsel vm9, $0x1F85, v48;
	v2 =	vimm.s32 $0x303F3E3D  }
0x169: {  	v44 =	vsel vm9, $0x1905, v44;
	v43 =	vimm.s32 $0x13121110;
	[tilespmem:$0x1FEE0] =	vst v1;
	v1 =	vunpack.c.0.s8.s32 v2  }
0x16a: {  	v47 =	vsel vm8, $0x1F06, v47;
	v48 =	vsel vm8, $0x1806, v48;
	v44 =	vsel vm8, $0x1986, v44  }
0x16b: {  	v40 =	vsel vm8, $0x1906, v40;
	v44 =	vsel vm7, $0x1A07, v44;
	[tilespmem:$0x1FEF0] =	vst v1;
	v1 =	vimm.s32 $0x34333231  }
0x16c: {  	v43 =	vunpack.c.0.s8.s32 v43;
	v44 =	vsel vm5, $0x1A88, v44;
	v1 =	vunpack.c.0.s8.s32 v1  }
0x16d: {  	v40 =	vsel vm7, $0x1987, v40;
	v44 =	vsel vm6, $0x1B09, v44;
	v58 =	vimm.s32 $0x1211101F  }
0x16e: {  	v50 =	vsel vm6, $0x1B89, v50;
	v61 =	vunpack.c.0.s8.s32 v58;
	[tilespmem:$0x1FF00] =	vst v1;
	v1 =	vimm.s32 $0x38373635  }
0x16f: {  	v58 =	vsel vm7, $0x1887, v48;
	v48 =	vsel vm5, $0x1988, v59;
	v1 =	vunpack.c.0.s8.s32 v1  }
0x170: {  	v53 =	vsel vm6, $0x1A09, v48;
	v48 =	vsel vm5, $0x1A08, v40;
	v2 =	vimm.s32 $0x3D3C3B3A  }
0x171: {  	v59 =	vimm.s32 $0x1B1A1918;
	v40 =	vsel vm6, $0x1A89, v48;
	[tilespmem:$0x1FF10] =	vst v1;
	v1 =	vunpack.c.0.s8.s32 v2  }
0x172: {  	v48 =	vunpack.c.0.s8.s32 v59;
	v34 =	vsel vm7, $0x1F87, v47;
	v47 =	vsel vm5, $0x1908, v58  }
0x173: {  	v58 =	vimm.s32 $0x17161514;
	v34 =	vsel vm5, $0x1808, v34;
	[tilespmem:$0x1FF20] =	vst v1;
	v1 =	vimm.s32 $0x31303F3E  }
0x174: {  	v52 =	vsel vm6, $0x1989, v47;
	v45 =	vunpack.c.0.s8.s32 v58;
	v1 =	vunpack.c.0.s8.s32 v1  }
0x175: {  	v47 =	vsel vm4, $0x1A8A, v53;
	v53 =	vsel vm4, $0x1B8A, v44;
	v34 =	vsel vm6, $0x1889, v34  }
0x176: {  	v46 =	vsel vm4, $0x1A0A, v52;
	v52 =	vsel vm4, $0x1B0A, v40;
	[tilespmem:$0x1FF30] =	vst v1;
	v1 =	vimm.s32 $0x35343332  }
0x177: {  	s1 =	srdreg.scid;
	s0 =	stileid.u32;
	v34 =	vsel vm4, $0x190A, v34;
	v29 =	vsel vm2, $0x1D0B, v29;
	v1 =	vunpack.c.0.s8.s32 v1  }
0x178: {  	s6 =	sand.u32 $0x1, s1;
	s24 =	sshll.u32 s0, $0x1;
	v28 =	vsel vm4, $0x1C0A, v50;
	v29 =	vsel vm3, $0x1D8C, v29;
	v2 =	vimm.s32 $0x39383736  }
0x179: {  	s2 =	rddreg [dreg:$0x0];
	s7 =	sor.u32 s6, s24;
	v27 =	vsel vm2, $0x1C0B, v53;
	v28 =	vsel vm2, $0x1C8B, v28;
	[tilespmem:$0x1FF40] =	vst v1;
	v1 =	vunpack.c.0.s8.s32 v2  }
0x17a: {  	s8 =	rddreg [dreg:$0x1];
	s1 =	smul.u32 $0xC8, s7;
	v27 =	vsel vm3, $0x1C8C, v27;
	v28 =	vsel vm3, $0x1D0C, v28;
	v3 =	vimm.s32 $0x3E3D3C3B  }
0x17b: {  	s4 =	rddreg [dreg:$0x2];
	s5 =	simm.s32 $0x0;
	v40 =	vsel vm1, $0x1D0D, v27;
	v23 =	vsel vm3, $0x1A8C, v23;
	[tilespmem:$0x1FF50] =	vst v1;
	v1 =	vunpack.c.0.s8.s32 v3  }
0x17c: {  	[smem:$0x7FF] =	sst s5;
	s3 =	sand.u32 $0x380, s1;
	v22 =	vsel vm2, $0x198B, v34;
	v59 =	vsel vm1, $0x1B0D, v23;
	v4 =	vimm.s32 $0x3231303F  }
0x17d: {  	p1 =	sne.s32 s3, $0x0;
	s3 =	rddreg [dreg:$0x3];
	v22 =	vsel vm3, $0x1A0C, v22;
	v53 =	vsel vm0, $0x1B8E, v59;
	_ =	strace $0x80000047;
	[tilespmem:$0x1FF60] =	vst v1;
	v1 =	vunpack.c.0.s8.s32 v4  }
0x17e: {  	v58 =	vsel vm1, $0x1A8D, v22;
	v26 =	vsel vm2, $0x1B8B, v52;
	v5 =	vimm.s32 $0x36353433  }
0x17f: {  	v52 =	vsel vm0, $0x1B0E, v58;
	v26 =	vsel vm3, $0x1C0C, v26;
	[tilespmem:$0x1FF70] =	vst v1;
	v1 =	vunpack.c.0.s8.s32 v5  }
0x180: {  	s10 =	simm.s32 $0x1;
	s14 =	simm.s32 $0x800;
	s15 =	simm.s32 $0xA00;
	v25 =	vsel vm2, $0x1B0B, v47;
	v26 =	vsel vm1, $0x1C8D, v26;
	v6 =	vimm.s32 $0x3A393837  }
0x181: {  	s16 =	simm.s32 $0x400;
	s17 =	simm.s32 $0x2;
	s9 =	sshrl.u32 s1, $0x7;
	v47 =	vsel vm1, $0x1E0D, v29;
	v24 =	vsel vm2, $0x1A8B, v46;
	[tilespmem:$0x1FF80] =	vst v1;
	v1 =	vunpack.c.0.s8.s32 v6  }
0x182: {  	s18 =	simm.s32 $0x20000;
	s19 =	simm.s32 $0x3;
	p0 =	seq.s32 s9, $0x0;
	v25 =	vsel vm3, $0x1B8C, v25;
	v46 =	vsel vm1, $0x1D8D, v28;
	v7 =	vimm.s32 $0x3F3E3D3C  }
0x183: {  	s25 =	ssub.s32 $0x2, s6;
	s6 =	sadd.s32 $0xF42800, s8;
	p0 =	por !p0, !p1;
	v59 =	vsel vm0, $0x1E8E, v47;
	v24 =	vsel vm3, $0x1B0C, v24;
	[tilespmem:$0x1FF90] =	vst v1;
	v1 =	vunpack.c.0.s8.s32 v7  }
0x184: {  	s20 =	simm.s32 $0x0;
	s7 =	smul.u32 $0x32000, s7;
	p0 =	por !p0, !p0;
	v25 =	vsel vm1, $0x1C0D, v25;
	v58 =	vsel vm0, $0x1E0E, v46;
	v8 =	vimm.s32 $0x33323130  }
0x185: {  	s28 =	sshrl.u32 s25, $0x1;
	s11 =	sshrl.u32 s1, $0xA;
	s10 =	simm.s32 @!p0 $0x0;
	v24 =	vsel vm1, $0x1B8D, v24;
	v0 =	vimm.s32 $0x28272625;
	[tilespmem:$0x1FFA0] =	vst v1;
	v1 =	vunpack.c.0.s8.s32 v8  }
0x186: {  	s13 =	ssub.s32 s25, s28;
	s9 =	sshll.u32 s9, $0x11;
	s10 =	ssub.s32 s11, s10;
	v0 =	vunpack.c.0.s8.s32 v0;
	v9 =	vimm.s32 $0x37363534;
	v11 =	vimm.s32 $0x3B3A3938  }
0x187: {  	s31 =	sand.u32 $0x1F80, s1;
	s7 =	ssub.s32 s7, s9;
	s26 =	sshll.u32 s10, $0x11;
	v13 =	vmovc v54;
	v54 =	vsel vm0, $0x1C0E, v24;
	v2 =	vlaneseq.u32;
	[tilespmem:$0x1FFB0] =	vst v1;
	v1 =	vunpack.c.0.s8.s32 v9  }
0x188: {  	s11 =	sor.u32 $0x2, s1;
	s10 =	sshll.u32 s10, $0xA;
	s12 =	sadd.s32 s26, s7;
	v14 =	vmovc v55;
	v55 =	vsel vm0, $0x1C8E, v25;
	v15 =	vmovc v56;
	v56 =	vsel vm0, $0x1D0E, v26;
	v12 =	vmul.u32 $0x81, v2;
	[tilespmem:$0x1FFE0] =	vst v41  }
0x189: {  	s7 =	simm.s32 $0x1;
	s29 =	sshrl.u32 s12, $0x3;
	s30 =	sor.u32 $0x400, s12;
	v16 =	vmovc v57;
	v57 =	vsel vm0, $0x1D8E, v40;
	vm0 =	vcmask $0x1F10;
	[tilespmem:$0x1FFC0] =	vst v1;
	v1 =	vunpack.c.0.s8.s32 v11  }
0x18a: {  	s9 =	ssub.s32 s31, s10;
	s8 =	sadd.s32 s2, s29;
	s12 =	sshrl.u32 s30, $0x3;
	v3 =	vsel vm0, v14, v13;
	v10 =	vor.u32 $0x800, v12;
	[tilespmem:$0x1FFF0] =	vst v14;
	v4 =	vsel vm0, v16, v15  }
0x18b: {  	s10 =	sadd.s32 s2, s12;
	s12 =	smax.u32 s13, $0x1;
	s13 =	simm.s32 $0x80;
	v31 =	vcombine.low v4, v3;
	v5 =	vor.u32 $0x10, v2;
	[tilespmem:$0x1FFD0] =	vst v1;
	v1 =	vmul.u32 $0x80, v2  }
.LBB2_1:
0x18c: {  	[tilespmem:s5], [sflag:$0x1] =	stream.linear.gather [hbm4b:s8+s5], $0x400, $0x38;
	[tilespmem:$0xCA00] =	vst v63  }
0x18d: {  	_ =	swait.ge [sflag:s7], $0x400  }
0x18e: {  	[sflag:s7] =	ssyncset.done $0x0  }
0x18f: {  	[sflag:s7] =	ssyncadd.s32 $0xFFFFFC00  }
0x190: {  	v19 =	vld [tilespmem:s9+$0x0];
	_ =	sdelay $0x4  }
0x191: {  	v20 =	vshrl.u32 v19, $0x1;
	v19 =	vshll.u32 v19, $0x6  }
0x192: {  	[tilespmem:$0x800] =	vst v20;
	v19 =	vand.u32 $0x40, v19  }
0x193: {  	[tilespmem:$0x900] =	vst v19  }
0x194: {  	v19 =	vld [tilespmem:s9+$0x10];
	_ =	sdelay $0x4  }
0x195: {  	v33 =	vshrl.u32 v19, $0x1;
	v19 =	vshll.u32 v19, $0x6  }
0x196: {  	[tilespmem:$0x810] =	vst v33;
	v19 =	vand.u32 $0x40, v19  }
0x197: {  	[tilespmem:$0x910] =	vst v19  }
0x198: {  	v19 =	vld [tilespmem:s9+$0x20];
	_ =	sdelay $0x4  }
0x199: {  	v34 =	vshrl.u32 v19, $0x1;
	v19 =	vshll.u32 v19, $0x6  }
0x19a: {  	[tilespmem:$0x820] =	vst v34;
	v19 =	vand.u32 $0x40, v19  }
0x19b: {  	[tilespmem:$0x920] =	vst v19  }
0x19c: {  	v19 =	vld [tilespmem:s9+$0x30];
	_ =	sdelay $0x4  }
0x19d: {  	v40 =	vshrl.u32 v19, $0x1;
	v19 =	vshll.u32 v19, $0x6  }
0x19e: {  	[tilespmem:$0x830] =	vst v40;
	v19 =	vand.u32 $0x40, v19  }
0x19f: {  	[tilespmem:$0x930] =	vst v19  }
0x1a0: {  	v19 =	vld [tilespmem:s9+$0x40];
	_ =	sdelay $0x4  }
0x1a1: {  	v44 =	vshrl.u32 v19, $0x1;
	v19 =	vshll.u32 v19, $0x6  }
0x1a2: {  	[tilespmem:$0x840] =	vst v44;
	v19 =	vand.u32 $0x40, v19  }
0x1a3: {  	[tilespmem:$0x940] =	vst v19  }
0x1a4: {  	v19 =	vld [tilespmem:s9+$0x50];
	_ =	sdelay $0x4  }
0x1a5: {  	v46 =	vshrl.u32 v19, $0x1;
	v19 =	vshll.u32 v19, $0x6  }
0x1a6: {  	[tilespmem:$0x850] =	vst v46;
	v19 =	vand.u32 $0x40, v19  }
0x1a7: {  	[tilespmem:$0x950] =	vst v19  }
0x1a8: {  	v19 =	vld [tilespmem:s9+$0x60];
	_ =	sdelay $0x4  }
0x1a9: {  	v47 =	vshrl.u32 v19, $0x1;
	v19 =	vshll.u32 v19, $0x6  }
0x1aa: {  	[tilespmem:$0x860] =	vst v47;
	v19 =	vand.u32 $0x40, v19  }
0x1ab: {  	[tilespmem:$0x960] =	vst v19  }
0x1ac: {  	v19 =	vld [tilespmem:s9+$0x70];
	_ =	sdelay $0x4  }
0x1ad: {  	v50 =	vshrl.u32 v19, $0x1;
	v19 =	vshll.u32 v19, $0x6  }
0x1ae: {  	[tilespmem:$0x870] =	vst v50;
	v19 =	vand.u32 $0x40, v19  }
0x1af: {  	[tilespmem:$0x970] =	vst v19  }
0x1b0: {  	[tilespmem:s15], [sflag:$0x2] =	stream.indirect.gather [hbm4b:s6+s13], $0x80, s14, s13, $0xb8;
	[tilespmem:$0xCA00] =	vst v63  }
0x1b1: {  	p0 =	por $0x0, $0x0;
	s22 =	simm.s32 $0x0  }
0x1b2: {  	[tilespmem:s16], [sflag:$0x1] =	stream.linear.gather [hbm4b:s10+s5], $0x400, $0x38;
	[tilespmem:$0xCA00] =	vst v63  }
.LBB2_2:
0x1b3: {  	p1 =	seq.s32 s22, $0xC7  }
.Ltmp0:
0x1b4: {  	_ = 	snop;
	(pc) =	sbr.rel @p1 .LBB2_4-.Ltmp0, $2  }
0x1b5: {  	_ =	sdelay $0x2  }
0x1b6: {  	s21 =	sadd.s32 $0x1, s22  }
0x1b7: {  	s23 =	sadd.s32 s1, s21  }
0x1b8: {  	s24 =	sshrl.u32 s23, $0x7;
	s25 =	sand.u32 $0x380, s23  }
0x1b9: {  	p1 =	seq.s32 s24, $0x0;
	p2 =	sne.s32 s25, $0x0  }
0x1ba: {  	s26 =	sand.u32 $0x1, s21;
	p1 =	por !p1, !p2  }
0x1bb: {  	s29 =	sshrl.u32 s23, $0xA;
	s25 =	simm.s32 $0x1;
	p1 =	por !p1, !p1  }
0x1bc: {  	s24 =	ssub.s32 s26, s29;
	s25 =	simm.s32 @!p1 $0x0  }
0x1bd: {  	s24 =	sadd.s32 s25, s24  }
0x1be: {  	_ =	swait.ge [sflag:s7], $0x400;
	s24 =	sshll.u32 s24, $0xC  }
0x1bf: {  	[sflag:s7] =	ssyncset.done $0x0;
	s23 =	sand.u32 $0x3FFFFF80, s23;
	s24 =	sshra.s32 s24, $0x2  }
0x1c0: {  	[sflag:s7] =	ssyncadd.s32 $0xFFFFFC00;
	s23 =	sadd.s32 s23, s24  }
0x1c1: {  	v19 =	vld [tilespmem:s23+$0x0];
	_ =	sdelay $0x4  }
0x1c2: {  	s30 =	sshll.u32 s26, $0x7;
	v20 =	vshrl.u32 v19, $0x1;
	v19 =	vshll.u32 v19, $0x6  }
0x1c3: {  	[tilespmem:s30+$0x800] =	vst v20;
	v19 =	vand.u32 $0x40, v19  }
0x1c4: {  	[tilespmem:s30+$0x900] =	vst v19  }
0x1c5: {  	v19 =	vld [tilespmem:s23+$0x10];
	_ =	sdelay $0x4  }
0x1c6: {  	v33 =	vshrl.u32 v19, $0x1;
	v19 =	vshll.u32 v19, $0x6  }
0x1c7: {  	[tilespmem:s30+$0x810] =	vst v33;
	v19 =	vand.u32 $0x40, v19  }
0x1c8: {  	[tilespmem:s30+$0x910] =	vst v19  }
0x1c9: {  	v19 =	vld [tilespmem:s23+$0x20];
	_ =	sdelay $0x4  }
0x1ca: {  	v34 =	vshrl.u32 v19, $0x1;
	v19 =	vshll.u32 v19, $0x6  }
0x1cb: {  	[tilespmem:s30+$0x820] =	vst v34;
	v19 =	vand.u32 $0x40, v19  }
0x1cc: {  	[tilespmem:s30+$0x920] =	vst v19  }
0x1cd: {  	v19 =	vld [tilespmem:s23+$0x30];
	_ =	sdelay $0x4  }
0x1ce: {  	v40 =	vshrl.u32 v19, $0x1;
	v19 =	vshll.u32 v19, $0x6  }
0x1cf: {  	[tilespmem:s30+$0x830] =	vst v40;
	v19 =	vand.u32 $0x40, v19  }
0x1d0: {  	[tilespmem:s30+$0x930] =	vst v19  }
0x1d1: {  	v19 =	vld [tilespmem:s23+$0x40];
	_ =	sdelay $0x4  }
0x1d2: {  	v44 =	vshrl.u32 v19, $0x1;
	v19 =	vshll.u32 v19, $0x6  }
0x1d3: {  	[tilespmem:s30+$0x840] =	vst v44;
	v19 =	vand.u32 $0x40, v19  }
0x1d4: {  	[tilespmem:s30+$0x940] =	vst v19  }
0x1d5: {  	v19 =	vld [tilespmem:s23+$0x50];
	_ =	sdelay $0x4  }
0x1d6: {  	v46 =	vshrl.u32 v19, $0x1;
	v19 =	vshll.u32 v19, $0x6  }
0x1d7: {  	[tilespmem:s30+$0x850] =	vst v46;
	v19 =	vand.u32 $0x40, v19  }
0x1d8: {  	[tilespmem:s30+$0x950] =	vst v19  }
0x1d9: {  	v19 =	vld [tilespmem:s23+$0x60];
	_ =	sdelay $0x4  }
0x1da: {  	v47 =	vshrl.u32 v19, $0x1;
	v19 =	vshll.u32 v19, $0x6  }
0x1db: {  	[tilespmem:s30+$0x860] =	vst v47;
	v19 =	vand.u32 $0x40, v19  }
0x1dc: {  	[tilespmem:s30+$0x960] =	vst v19  }
0x1dd: {  	v19 =	vld [tilespmem:s23+$0x70];
	_ =	sdelay $0x4  }
0x1de: {  	v50 =	vshrl.u32 v19, $0x1;
	v19 =	vshll.u32 v19, $0x6  }
0x1df: {  	s31 =	sshll.u32 s26, $0xE;
	[tilespmem:s30+$0x870] =	vst v50;
	v19 =	vand.u32 $0x40, v19  }
0x1e0: {  	p1 =	sgt.u32 s22, $0xC5;
	s24 =	sor.u32 $0x800, s30;
	s23 =	sor.u32 $0xA00, s31;
	[tilespmem:s30+$0x970] =	vst v19  }
0x1e1: {  	[tilespmem:s23], [sflag:$0x2] =	stream.indirect.gather [hbm4b:s6+s13], $0x80, s24, s13, $0xb8;
	[tilespmem:$0xCA00] =	vst v63  }
0x1e2: {  	s23 =	sadd.s32 @!p1 s22, s11  }
0x1e3: {  	s24 =	sshrl.u32 @!p1 s23, $0x7;
	s25 =	sand.u32 @!p1 $0x380, s23  }
0x1e4: {  	p2 =	seq.s32 @!p1 s24, $0x0;
	p3 =	sne.s32 @!p1 s25, $0x0  }
0x1e5: {  	p2 =	por @!p1 !p2, !p3  }
0x1e6: {  	p2 =	por @!p1 !p2, !p2  }
0x1e7: {  	s25 =	simm.s32 @!p1 $0x1;
	p2 =	por !p2, p1  }
0x1e8: {  	s26 =	sshrl.u32 @!p1 s23, $0xA;
	s25 =	simm.s32 @p2 $0x0  }
0x1e9: {  	s23 =	sshll.u32 @!p1 s23, $0xA;
	s24 =	sshll.u32 @!p1 s24, $0x11;
	s25 =	ssub.s32 @!p1 s26, s25  }
0x1ea: {  	s23 =	ssub.s32 @!p1 s23, s24;
	s25 =	sshll.u32 @!p1 s25, $0x11  }
0x1eb: {  	s23 =	sadd.s32 @!p1 s25, s23  }
0x1ec: {  	s24 =	sshll.u32 @!p1 s22, $0xA;
	s23 =	sshrl.u32 @!p1 s23, $0x3  }
0x1ed: {  	s24 =	sand.u32 @!p1 $0x400, s24;
	s25 =	simm.s32 @!p1 $0x0;
	s23 =	sadd.s32 @!p1 s2, s23  }
0x1ee: {  	[tilespmem:s24], [sflag:$0x1] =	stream.linear.gather @!p1 [hbm4b:s23+s25], $0x400, $0x38;
	[tilespmem:$0xCA00] =	vst v63  }
.LBB2_4:
0x1ef: {  	_ =	swait.ge [sflag:s17], $0x4000;
	s23 =	simm.s32 $0x1;
	p1 =	slt.u32 s22, $0x2  }
0x1f0: {  	s30 =	sand.u32 $0x1, s22;
	s26 =	simm.s32 $0x0;
	[sflag:s17] =	ssyncset.done $0x0  }
0x1f1: {  	s23 =	simm.s32 @!p0 $0x0;
	s25 =	simm.s32 @!p1 $0x3;
	[sflag:s17] =	ssyncadd.s32 $0xFFFFC000  }
0x1f2: {  	s31 =	sshll.u32 s30, $0xE;
	s23 =	sshll.u32 s23, $0x7;
	_ =	swait.ge @!p1 [sflag:s25], $0x2000  }
0x1f3: {  	s24 =	sor.u32 $0x900, s23;
	s23 =	sshll.u32 s30, $0xD;
	[sflag:s25] =	ssyncset.done @!p1 $0x0  }
0x1f4: {  	s23 =	sor.u32 $0x8A00, s23;
	[sflag:s25] =	ssyncadd.s32 @!p1 $0xFFFFE000;
	s25 =	sor.u32 $0xA00, s31  }
.LBB2_5:
0x1f5: {  	v19 =	vld [tilespmem:s24+$0x0]  }
0x1f6: {  	v8 =	vld [tilespmem:$0x1FA00];
	_ =	sdelay $0x4  }
0x1f7: {  	v32 =	vadd.s32 v8, v19;
	v8 =	vld [tilespmem:$0x1FA20];
	_ =	sdelay $0x1  }
0x1f8: {  	v20 =	vmov s26  }
0x1f9: {  	v20 =	vshll.u32 v20, $0x7;
	v21 =	vadd.s32 v2, v19  }
0x1fa: {  	v34 =	vor.u32 s26, v36;
	v20 =	vor.u32 v1, v20;
	v22 =	vand.u32 $0xFFFFFF80, v21  }
0x1fb: {  	v40 =	vmovc v36;
	v21 =	vand.u32 $0x7F, v21;
	v22 =	vadd.s32 v20, v22;
	v36 =	vadd.s32 v8, v19;
	v8 =	vld [tilespmem:$0x1FA10]  }
0x1fc: {  	v21 =	vor.u32 v21, v22;
	_ =	sdelay $0x3  }
0x1fd: {  	v46 =	vor.u32 s26, v8;
	v8 =	vld [tilespmem:$0x1FA40]  }
0x1fe: {  	v50 =	vadd.s32 v35, v19;
	v21 =	vld.idx.msk [tilespmem:v21+s25+$0x0], $0xffff  }
0x1ff: {  	v23 =	vand.u32 $0xFFFFFF80, v50  }
0x200: {  	v24 =	vor.u32 s26, v12;
	v23 =	vadd.s32 v20, v23;
	v22 =	vand.u32 $0x7F, v50  }
0x201: {  	v22 =	vor.u32 v22, v23  }
0x202: {  	v47 =	vadd.s32 v8, v19;
	v8 =	vld [tilespmem:$0x1FA30]  }
0x203: {  	v21 =	vmul.f32 $8.000000000e+00, v21;
	_ =	sdelay $0x1  }
0x204: {  	[tilespmem:v24+s23+$0x0] =	vst.idx.msk $0xffff, v21  }
0x205: {  	v21 =	vld.idx.msk [tilespmem:v22+s25+$0x0], $0xffff  }
0x206: {  	v33 =	vand.u32 $0xFFFFFF80, v32;
	v22 =	vand.u32 $0x7F, v32;
	v32 =	vor.u32 s26, v8;
	v8 =	vld [tilespmem:$0x1FA60];
	_ =	sdelay $0x1  }
0x207: {  	v23 =	vadd.s32 v20, v33  }
0x208: {  	v22 =	vor.u32 v22, v23;
	_ =	sdelay $0x1  }
0x209: {  	v21 =	vmul.f32 $8.000000000e+00, v21;
	v33 =	vadd.s32 v8, v19;
	v8 =	vld [tilespmem:$0x1FA50];
	_ =	sdelay $0x1  }
0x20a: {  	[tilespmem:v34+s23+$0x0] =	vst.idx.msk $0xffff, v21  }
0x20b: {  	v21 =	vld.idx.msk [tilespmem:v22+s25+$0x0], $0xffff  }
0x20c: {  	v44 =	vand.u32 $0xFFFFFF80, v36  }
0x20d: {  	v23 =	vadd.s32 v20, v44;
	v22 =	vand.u32 $0x7F, v36;
	v36 =	vor.u32 s26, v8;
	v8 =	vld [tilespmem:$0x1FA80]  }
0x20e: {  	v22 =	vor.u32 v22, v23;
	_ =	sdelay $0x1  }
0x20f: {  	v21 =	vmul.f32 $8.000000000e+00, v21;
	_ =	sdelay $0x1  }
0x210: {  	[tilespmem:v46+s23+$0x0] =	vst.idx.msk $0xffff, v21;
	v44 =	vadd.s32 v8, v19;
	v8 =	vld [tilespmem:$0x1FA70]  }
0x211: {  	v21 =	vld.idx.msk [tilespmem:v22+s25+$0x0], $0xffff  }
0x212: {  	v50 =	vand.u32 $0xFFFFFF80, v47  }
0x213: {  	v23 =	vadd.s32 v20, v50;
	v22 =	vand.u32 $0x7F, v47  }
0x214: {  	v22 =	vor.u32 v22, v23  }
0x215: {  	v47 =	vor.u32 s26, v8;
	v8 =	vld [tilespmem:$0x1FAA0]  }
0x216: {  	v21 =	vmul.f32 $8.000000000e+00, v21;
	_ =	sdelay $0x1  }
0x217: {  	[tilespmem:v32+s23+$0x0] =	vst.idx.msk $0xffff, v21  }
0x218: {  	v21 =	vld.idx.msk [tilespmem:v22+s25+$0x0], $0xffff  }
0x219: {  	v50 =	vadd.s32 v8, v19;
	v8 =	vld [tilespmem:$0x1FA90]  }
0x21a: {  	v34 =	vand.u32 $0xFFFFFF80, v33  }
0x21b: {  	v23 =	vadd.s32 v20, v34;
	v22 =	vand.u32 $0x7F, v33  }
0x21c: {  	v22 =	vor.u32 v22, v23;
	_ =	sdelay $0x1  }
0x21d: {  	v21 =	vmul.f32 $8.000000000e+00, v21;
	v33 =	vor.u32 s26, v8;
	v8 =	vld [tilespmem:$0x1FAC0];
	_ =	sdelay $0x1  }
0x21e: {  	[tilespmem:v36+s23+$0x0] =	vst.idx.msk $0xffff, v21  }
0x21f: {  	v21 =	vld.idx.msk [tilespmem:v22+s25+$0x0], $0xffff  }
0x220: {  	v46 =	vand.u32 $0xFFFFFF80, v44  }
0x221: {  	v23 =	vadd.s32 v20, v46;
	v22 =	vand.u32 $0x7F, v44;
	v34 =	vadd.s32 v8, v19;
	v8 =	vld [tilespmem:$0x1FAB0]  }
0x222: {  	v22 =	vor.u32 v22, v23;
	_ =	sdelay $0x1  }
0x223: {  	v21 =	vmul.f32 $8.000000000e+00, v21;
	_ =	sdelay $0x1  }
0x224: {  	[tilespmem:v47+s23+$0x0] =	vst.idx.msk $0xffff, v21;
	v44 =	vor.u32 s26, v8;
	v8 =	vld [tilespmem:$0x1FAE0]  }
0x225: {  	v21 =	vld.idx.msk [tilespmem:v22+s25+$0x0], $0xffff  }
0x226: {  	v32 =	vand.u32 $0xFFFFFF80, v50  }
0x227: {  	v23 =	vadd.s32 v20, v32;
	v22 =	vand.u32 $0x7F, v50  }
0x228: {  	v22 =	vor.u32 v22, v23  }
0x229: {  	v46 =	vadd.s32 v8, v19;
	v8 =	vld [tilespmem:$0x1FAD0]  }
0x22a: {  	v21 =	vmul.f32 $8.000000000e+00, v21;
	_ =	sdelay $0x1  }
0x22b: {  	[tilespmem:v33+s23+$0x0] =	vst.idx.msk $0xffff, v21  }
0x22c: {  	v21 =	vld.idx.msk [tilespmem:v22+s25+$0x0], $0xffff  }
0x22d: {  	v50 =	vor.u32 s26, v8;
	v8 =	vld [tilespmem:$0x1FB00]  }
0x22e: {  	v36 =	vand.u32 $0xFFFFFF80, v34  }
0x22f: {  	v23 =	vadd.s32 v20, v36;
	v22 =	vand.u32 $0x7F, v34  }
0x230: {  	v22 =	vor.u32 v22, v23;
	_ =	sdelay $0x1  }
0x231: {  	v21 =	vmul.f32 $8.000000000e+00, v21;
	v32 =	vadd.s32 v8, v19;
	v8 =	vld [tilespmem:$0x1FAF0];
	_ =	sdelay $0x1  }
0x232: {  	[tilespmem:v44+s23+$0x0] =	vst.idx.msk $0xffff, v21  }
0x233: {  	v21 =	vld.idx.msk [tilespmem:v22+s25+$0x0], $0xffff  }
0x234: {  	v47 =	vand.u32 $0xFFFFFF80, v46  }
0x235: {  	v23 =	vadd.s32 v20, v47;
	v22 =	vand.u32 $0x7F, v46;
	v34 =	vor.u32 s26, v8;
	v8 =	vld [tilespmem:$0x1FB20]  }
0x236: {  	v22 =	vor.u32 v22, v23;
	_ =	sdelay $0x1  }
0x237: {  	v21 =	vmul.f32 $8.000000000e+00, v21;
	_ =	sdelay $0x1  }
0x238: {  	[tilespmem:v50+s23+$0x0] =	vst.idx.msk $0xffff, v21;
	v36 =	vadd.s32 v8, v19;
	v8 =	vld [tilespmem:$0x1FB10]  }
0x239: {  	v21 =	vld.idx.msk [tilespmem:v22+s25+$0x0], $0xffff  }
0x23a: {  	v33 =	vand.u32 $0xFFFFFF80, v32  }
0x23b: {  	v23 =	vadd.s32 v20, v33;
	v22 =	vand.u32 $0x7F, v32  }
0x23c: {  	v22 =	vor.u32 v22, v23  }
0x23d: {  	v46 =	vor.u32 s26, v8;
	v8 =	vld [tilespmem:$0x1FB40]  }
0x23e: {  	v21 =	vmul.f32 $8.000000000e+00, v21;
	_ =	sdelay $0x1  }
0x23f: {  	[tilespmem:v34+s23+$0x0] =	vst.idx.msk $0xffff, v21  }
0x240: {  	v21 =	vld.idx.msk [tilespmem:v22+s25+$0x0], $0xffff  }
0x241: {  	v47 =	vadd.s32 v8, v19;
	v8 =	vld [tilespmem:$0x1FB30]  }
0x242: {  	v44 =	vand.u32 $0xFFFFFF80, v36  }
0x243: {  	v23 =	vadd.s32 v20, v44;
	v22 =	vand.u32 $0x7F, v36  }
0x244: {  	v22 =	vor.u32 v22, v23;
	_ =	sdelay $0x1  }
0x245: {  	v21 =	vmul.f32 $8.000000000e+00, v21;
	v32 =	vor.u32 s26, v8;
	v8 =	vld [tilespmem:$0x1FB60];
	_ =	sdelay $0x1  }
0x246: {  	[tilespmem:v46+s23+$0x0] =	vst.idx.msk $0xffff, v21  }
0x247: {  	v21 =	vld.idx.msk [tilespmem:v22+s25+$0x0], $0xffff  }
0x248: {  	v50 =	vand.u32 $0xFFFFFF80, v47  }
0x249: {  	v22 =	vand.u32 $0x7F, v47;
	v23 =	vadd.s32 v20, v50;
	v33 =	vadd.s32 v8, v19;
	v8 =	vld [tilespmem:$0x1FB50]  }
0x24a: {  	v22 =	vor.u32 v22, v23;
	_ =	sdelay $0x1  }
0x24b: {  	v21 =	vmul.f32 $8.000000000e+00, v21;
	_ =	sdelay $0x1  }
0x24c: {  	[tilespmem:v32+s23+$0x0] =	vst.idx.msk $0xffff, v21;
	v36 =	vor.u32 s26, v8;
	v8 =	vld [tilespmem:$0x1FB80]  }
0x24d: {  	v21 =	vld.idx.msk [tilespmem:v22+s25+$0x0], $0xffff  }
0x24e: {  	v34 =	vand.u32 $0xFFFFFF80, v33  }
0x24f: {  	v22 =	vand.u32 $0x7F, v33;
	v23 =	vadd.s32 v20, v34  }
0x250: {  	v22 =	vor.u32 v22, v23  }
0x251: {  	v44 =	vadd.s32 v8, v19;
	v8 =	vld [tilespmem:$0x1FB70]  }
0x252: {  	v21 =	vmul.f32 $8.000000000e+00, v21;
	_ =	sdelay $0x1  }
0x253: {  	[tilespmem:v36+s23+$0x0] =	vst.idx.msk $0xffff, v21  }
0x254: {  	v21 =	vld.idx.msk [tilespmem:v22+s25+$0x0], $0xffff  }
0x255: {  	v47 =	vor.u32 s26, v8;
	v8 =	vld [tilespmem:$0x1FBA0]  }
0x256: {  	v46 =	vand.u32 $0xFFFFFF80, v44  }
0x257: {  	v22 =	vand.u32 $0x7F, v44;
	v23 =	vadd.s32 v20, v46  }
0x258: {  	v22 =	vor.u32 v22, v23;
	_ =	sdelay $0x1  }
0x259: {  	v21 =	vmul.f32 $8.000000000e+00, v21;
	v50 =	vadd.s32 v8, v19;
	v8 =	vld [tilespmem:$0x1FB90];
	_ =	sdelay $0x1  }
0x25a: {  	[tilespmem:v47+s23+$0x0] =	vst.idx.msk $0xffff, v21  }
0x25b: {  	v21 =	vld.idx.msk [tilespmem:v22+s25+$0x0], $0xffff  }
0x25c: {  	v32 =	vand.u32 $0xFFFFFF80, v50  }
0x25d: {  	v22 =	vand.u32 $0x7F, v50;
	v23 =	vadd.s32 v20, v32;
	v33 =	vor.u32 s26, v8  }
0x25e: {  	v22 =	vor.u32 v22, v23;
	_ =	sdelay $0x1  }
0x25f: {  	v8 =	vld [tilespmem:$0x1FBB0];
	v21 =	vmul.f32 $8.000000000e+00, v21;
	_ =	sdelay $0x1  }
0x260: {  	[tilespmem:v33+s23+$0x0] =	vst.idx.msk $0xffff, v21  }
0x261: {  	v34 =	vadd.s32 v5, v19;
	v21 =	vld.idx.msk [tilespmem:v22+s25+$0x0], $0xffff  }
0x262: {  	v36 =	vand.u32 $0xFFFFFF80, v34  }
0x263: {  	v23 =	vadd.s32 v20, v36;
	v44 =	vor.u32 s26, v8;
	v22 =	vand.u32 $0x7F, v34  }
0x264: {  	v22 =	vor.u32 v22, v23;
	_ =	sdelay $0x1  }
0x265: {  	v21 =	vmul.f32 $8.000000000e+00, v21  }
0x266: {  	v33 =	vld [tilespmem:$0x1FBE0]  }
0x267: {  	v34 =	vld [tilespmem:$0x1FBD0];
	[tilespmem:v44+s23+$0x0] =	vst.idx.msk $0xffff, v21  }
0x268: {  	v46 =	vadd.s32 v31, v19;
	v21 =	vld.idx.msk [tilespmem:v22+s25+$0x0], $0xffff  }
0x269: {  	v47 =	vand.u32 $0xFFFFFF80, v46  }
0x26a: {  	v50 =	vor.u32 s26, v10;
	v23 =	vadd.s32 v20, v47;
	v22 =	vand.u32 $0x7F, v46  }
0x26b: {  	v22 =	vor.u32 v22, v23;
	_ =	sdelay $0x1  }
0x26c: {  	v25 =	vsel vm0, v38, v37;
	v8 =	vld [tilespmem:$0x1FBC0];
	v23 =	vsel vm0, v33, v34;
	v21 =	vmul.f32 $8.000000000e+00, v21  }
0x26d: {  	v26 =	vcombine.low v25, v23  }
0x26e: {  	[tilespmem:v50+s23+$0x0] =	vst.idx.msk $0xffff, v21  }
0x26f: {  	v32 =	vadd.s32 v26, v19;
	v21 =	vld.idx.msk [tilespmem:v22+s25+$0x0], $0xffff  }
0x270: {  	v36 =	vand.u32 $0xFFFFFF80, v32  }
0x271: {  	v44 =	vor.u32 s26, v8;
	v24 =	vadd.s32 v20, v36;
	v22 =	vand.u32 $0x7F, v32  }
0x272: {  	v22 =	vor.u32 v22, v24;
	_ =	sdelay $0x1  }
0x273: {  	v27 =	vsel vm0, v63, v62;
	v8 =	vld [tilespmem:$0x1FBF0];
	v24 =	vsel vm0, v61, v49;
	v21 =	vmul.f32 $8.000000000e+00, v21  }
0x274: {  	v28 =	vcombine.low v27, v24  }
0x275: {  	[tilespmem:v44+s23+$0x0] =	vst.idx.msk $0xffff, v21  }
0x276: {  	v46 =	vadd.s32 v28, v19;
	v21 =	vld.idx.msk [tilespmem:v22+s25+$0x0], $0xffff  }
0x277: {  	v47 =	vand.u32 $0xFFFFFF80, v46  }
0x278: {  	v28 =	vor.u32 s26, v8;
	v26 =	vadd.s32 v20, v47;
	v22 =	vand.u32 $0x7F, v46  }
0x279: {  	v22 =	vor.u32 v22, v26;
	_ =	sdelay $0x1  }
0x27a: {  	v29 =	vsel vm0, v48, v45;
	v26 =	vsel vm0, v43, v42;
	v21 =	vmul.f32 $8.000000000e+00, v21  }
0x27b: {  	v30 =	vcombine.low v29, v26  }
0x27c: {  	[tilespmem:v28+s23+$0x0] =	vst.idx.msk $0xffff, v21  }
0x27d: {  	v50 =	vadd.s32 v30, v19;
	v21 =	vld.idx.msk [tilespmem:v22+s25+$0x0], $0xffff  }
0x27e: {  	v28 =	vand.u32 $0xFFFFFF80, v50  }
0x27f: {  	v30 =	vor.u32 s26, v41;
	v22 =	vand.u32 $0x7F, v50;
	v28 =	vadd.s32 v20, v28  }
0x280: {  	v22 =	vor.u32 v22, v28;
	_ =	sdelay $0x1  }
0x281: {  	v8 =	vld [tilespmem:$0x1FC00];
	v41 =	vmovc v13;
	v13 =	vsel vm0, v13, v16;
	v28 =	vsel vm0, v15, v14;
	v21 =	vmul.f32 $8.000000000e+00, v21  }
0x282: {  	v14 =	vcombine.low v13, v28  }
0x283: {  	[tilespmem:v30+s23+$0x0] =	vst.idx.msk $0xffff, v21  }
0x284: {  	v14 =	vadd.s32 v14, v19;
	v21 =	vld.idx.msk [tilespmem:v22+s25+$0x0], $0xffff  }
0x285: {  	v36 =	vand.u32 $0xFFFFFF80, v14  }
0x286: {  	v14 =	vand.u32 $0x7F, v14;
	v30 =	vor.u32 s26, v8;
	v22 =	vadd.s32 v20, v36  }
0x287: {  	v14 =	vor.u32 v14, v22;
	_ =	sdelay $0x1  }
0x288: {  	v8 =	vld [tilespmem:$0x1FC10];
	v22 =	vsel vm0, v37, v33;
	v33 =	vmovc v15;
	v15 =	vsel vm0, v34, v38;
	v21 =	vmul.f32 $8.000000000e+00, v21  }
0x289: {  	v34 =	vmov v16;
	v16 =	vcombine.low v15, v22  }
0x28a: {  	[tilespmem:v30+s23+$0x0] =	vst.idx.msk $0xffff, v21  }
0x28b: {  	v16 =	vadd.s32 v16, v19;
	v14 =	vld.idx.msk [tilespmem:v14+s25+$0x0], $0xffff  }
0x28c: {  	v44 =	vand.u32 $0xFFFFFF80, v16  }
0x28d: {  	v16 =	vand.u32 $0x7F, v16;
	v30 =	vor.u32 s26, v8;
	v21 =	vadd.s32 v20, v44  }
0x28e: {  	v16 =	vor.u32 v16, v21;
	_ =	sdelay $0x1  }
0x28f: {  	v17 =	vsel vm0, v49, v63;
	v46 =	vsel vm0, v62, v61;
	v8 =	vld [tilespmem:$0x1FC20];
	v14 =	vmul.f32 $8.000000000e+00, v14  }
0x290: {  	v18 =	vcombine.low v17, v46  }
0x291: {  	[tilespmem:v30+s23+$0x0] =	vst.idx.msk $0xffff, v14  }
0x292: {  	v14 =	vld.idx.msk [tilespmem:v16+s25+$0x0], $0xffff;
	v16 =	vadd.s32 v18, v19  }
0x293: {  	v18 =	vand.u32 $0xFFFFFF80, v16  }
0x294: {  	v30 =	vor.u32 s26, v8;
	v16 =	vand.u32 $0x7F, v16;
	v18 =	vadd.s32 v20, v18  }
0x295: {  	v16 =	vor.u32 v16, v18;
	_ =	sdelay $0x1  }
0x296: {  	v47 =	vsel vm0, v42, v48;
	v8 =	vld [tilespmem:$0x1FC30];
	v18 =	vsel vm0, v45, v43;
	v14 =	vmul.f32 $8.000000000e+00, v14  }
0x297: {  	v18 =	vcombine.low v47, v18  }
0x298: {  	[tilespmem:v30+s23+$0x0] =	vst.idx.msk $0xffff, v14  }
0x299: {  	v14 =	vld.idx.msk [tilespmem:v16+s25+$0x0], $0xffff;
	v16 =	vadd.s32 v18, v19  }
0x29a: {  	v18 =	vand.u32 $0xFFFFFF80, v16  }
0x29b: {  	v30 =	vor.u32 s26, v8;
	v16 =	vand.u32 $0x7F, v16;
	v18 =	vadd.s32 v20, v18  }
0x29c: {  	v16 =	vor.u32 v16, v18;
	_ =	sdelay $0x1  }
0x29d: {  	v8 =	vld [tilespmem:$0x1FC40];
	v14 =	vmul.f32 $8.000000000e+00, v14  }
0x29e: {  	v18 =	vcombine.low v3, v4  }
0x29f: {  	[tilespmem:v30+s23+$0x0] =	vst.idx.msk $0xffff, v14  }
0x2a0: {  	v14 =	vld.idx.msk [tilespmem:v16+s25+$0x0], $0xffff;
	v16 =	vadd.s32 v18, v19  }
0x2a1: {  	v18 =	vand.u32 $0xFFFFFF80, v16  }
0x2a2: {  	v30 =	vor.u32 s26, v8;
	v16 =	vand.u32 $0x7F, v16;
	v18 =	vadd.s32 v20, v18  }
0x2a3: {  	v16 =	vor.u32 v16, v18;
	_ =	sdelay $0x1  }
0x2a4: {  	v8 =	vld [tilespmem:$0x1FC50];
	v14 =	vmul.f32 $8.000000000e+00, v14  }
0x2a5: {  	v18 =	vcombine.low v23, v25  }
0x2a6: {  	[tilespmem:v30+s23+$0x0] =	vst.idx.msk $0xffff, v14  }
0x2a7: {  	v14 =	vld.idx.msk [tilespmem:v16+s25+$0x0], $0xffff;
	v16 =	vadd.s32 v18, v19  }
0x2a8: {  	v18 =	vand.u32 $0xFFFFFF80, v16  }
0x2a9: {  	v50 =	vor.u32 s26, v8;
	v16 =	vand.u32 $0x7F, v16;
	v18 =	vadd.s32 v20, v18  }
0x2aa: {  	v16 =	vor.u32 v16, v18;
	_ =	sdelay $0x1  }
0x2ab: {  	v8 =	vld [tilespmem:$0x1FC60];
	v14 =	vmul.f32 $8.000000000e+00, v14  }
0x2ac: {  	v18 =	vcombine.low v24, v27  }
0x2ad: {  	[tilespmem:v50+s23+$0x0] =	vst.idx.msk $0xffff, v14  }
0x2ae: {  	v14 =	vld.idx.msk [tilespmem:v16+s25+$0x0], $0xffff;
	v16 =	vadd.s32 v18, v19  }
0x2af: {  	v18 =	vand.u32 $0xFFFFFF80, v16  }
0x2b0: {  	v25 =	vor.u32 s26, v8;
	v16 =	vand.u32 $0x7F, v16;
	v18 =	vadd.s32 v20, v18  }
0x2b1: {  	v16 =	vor.u32 v16, v18;
	_ =	sdelay $0x1  }
0x2b2: {  	v8 =	vld [tilespmem:$0x1FC70];
	v14 =	vmul.f32 $8.000000000e+00, v14  }
0x2b3: {  	v18 =	vcombine.low v26, v29  }
0x2b4: {  	[tilespmem:v25+s23+$0x0] =	vst.idx.msk $0xffff, v14  }
0x2b5: {  	v14 =	vld.idx.msk [tilespmem:v16+s25+$0x0], $0xffff;
	v16 =	vadd.s32 v18, v19  }
0x2b6: {  	v18 =	vand.u32 $0xFFFFFF80, v16  }
0x2b7: {  	v27 =	vor.u32 s26, v8;
	v16 =	vand.u32 $0x7F, v16;
	v18 =	vadd.s32 v20, v18  }
0x2b8: {  	v16 =	vor.u32 v16, v18;
	_ =	sdelay $0x1  }
0x2b9: {  	v8 =	vld [tilespmem:$0x1FC80];
	v14 =	vmul.f32 $8.000000000e+00, v14  }
0x2ba: {  	v13 =	vcombine.low v28, v13  }
0x2bb: {  	[tilespmem:v27+s23+$0x0] =	vst.idx.msk $0xffff, v14  }
0x2bc: {  	v13 =	vadd.s32 v13, v19;
	v14 =	vld.idx.msk [tilespmem:v16+s25+$0x0], $0xffff  }
0x2bd: {  	v16 =	vand.u32 $0xFFFFFF80, v13  }
0x2be: {  	v18 =	vor.u32 s26, v8;
	v13 =	vand.u32 $0x7F, v13;
	v16 =	vadd.s32 v20, v16  }
0x2bf: {  	v13 =	vor.u32 v13, v16;
	_ =	sdelay $0x1  }
0x2c0: {  	v8 =	vld [tilespmem:$0x1FC90];
	v14 =	vmul.f32 $8.000000000e+00, v14  }
0x2c1: {  	v15 =	vcombine.low v22, v15  }
0x2c2: {  	[tilespmem:v18+s23+$0x0] =	vst.idx.msk $0xffff, v14  }
0x2c3: {  	v14 =	vadd.s32 v15, v19;
	v13 =	vld.idx.msk [tilespmem:v13+s25+$0x0], $0xffff  }
0x2c4: {  	v15 =	vand.u32 $0xFFFFFF80, v14  }
0x2c5: {  	v16 =	vor.u32 s26, v8;
	v14 =	vand.u32 $0x7F, v14;
	v15 =	vadd.s32 v20, v15  }
0x2c6: {  	v14 =	vor.u32 v14, v15;
	_ =	sdelay $0x1  }
0x2c7: {  	v8 =	vld [tilespmem:$0x1FCA0];
	v13 =	vmul.f32 $8.000000000e+00, v13;
	_ =	sdelay $0x1  }
0x2c8: {  	[tilespmem:v16+s23+$0x0] =	vst.idx.msk $0xffff, v13  }
0x2c9: {  	v13 =	vld.idx.msk [tilespmem:v14+s25+$0x0], $0xffff  }
0x2ca: {  	v15 =	vcombine.low v46, v17  }
0x2cb: {  	v16 =	vor.u32 s26, v8  }
0x2cc: {  	v14 =	vadd.s32 v15, v19  }
0x2cd: {  	v15 =	vand.u32 $0xFFFFFF80, v14  }
0x2ce: {  	v14 =	vand.u32 $0x7F, v14;
	v15 =	vadd.s32 v20, v15;
	v13 =	vmul.f32 $8.000000000e+00, v13  }
0x2cf: {  	v14 =	vor.u32 v14, v15  }
0x2d0: {  	[tilespmem:v16+s23+$0x0] =	vst.idx.msk $0xffff, v13;
	v13 =	vor.u32 $0x20, v2;
	v2 =	vld [tilespmem:$0x1FCB0];
	_ =	sdelay $0x1  }
0x2d1: {  	v27 =	vld [tilespmem:$0x1FCE0]  }
0x2d2: {  	v8 =	vld [tilespmem:$0x1FCD0]  }
0x2d3: {  	v14 =	vld.idx.msk [tilespmem:v14+s25+$0x0], $0xffff  }
0x2d4: {  	v13 =	vadd.s32 v13, v19;
	v16 =	vor.u32 s26, v2;
	v2 =	vld [tilespmem:$0x1FCC0]  }
0x2d5: {  	v15 =	vand.u32 $0xFFFFFF80, v13  }
0x2d6: {  	v13 =	vand.u32 $0x7F, v13;
	v15 =	vadd.s32 v20, v15  }
0x2d7: {  	v13 =	vor.u32 v13, v15;
	_ =	sdelay $0x1  }
0x2d8: {  	v17 =	vsel vm0, v0, v27;
	v14 =	vmul.f32 $8.000000000e+00, v14;
	v15 =	vsel vm0, v8, v2  }
0x2d9: {  	v36 =	vld [tilespmem:$0x1FCF0];
	v18 =	vcombine.low v17, v15  }
0x2da: {  	v29 =	vld [tilespmem:$0x1FE50];
	[tilespmem:v16+s23+$0x0] =	vst.idx.msk $0xffff, v14  }
0x2db: {  	v13 =	vld.idx.msk [tilespmem:v13+s25+$0x0], $0xffff;
	v14 =	vadd.s32 v18, v19  }
0x2dc: {  	v16 =	vor.u32 $0x1000, v12;
	v18 =	vand.u32 $0xFFFFFF80, v14  }
0x2dd: {  	v16 =	vor.u32 s26, v16;
	v14 =	vand.u32 $0x7F, v14;
	v18 =	vadd.s32 v20, v18  }
0x2de: {  	v14 =	vor.u32 v14, v18  }
0x2df: {  	v22 =	vor.u32 s26, v36  }
0x2e0: {  	v36 =	vld [tilespmem:$0x1FE60];
	v21 =	vsel vm0, v29, v60;
	v13 =	vmul.f32 $8.000000000e+00, v13;
	v18 =	vsel vm0, v51, v39  }
0x2e1: {  	v32 =	vmov v38;
	v38 =	vmov v35;
	v47 =	vld [tilespmem:$0x1FE90];
	v35 =	vcombine.low v21, v18  }
0x2e2: {  	v46 =	vld [tilespmem:$0x1FE80];
	[tilespmem:v16+s23+$0x0] =	vst.idx.msk $0xffff, v13  }
0x2e3: {  	v13 =	vld.idx.msk [tilespmem:v14+s25+$0x0], $0xffff;
	v14 =	vadd.s32 v35, v19  }
0x2e4: {  	v35 =	vld [tilespmem:$0x1FE70];
	v16 =	vand.u32 $0xFFFFFF80, v14  }
0x2e5: {  	v14 =	vand.u32 $0x7F, v14;
	v16 =	vadd.s32 v20, v16  }
0x2e6: {  	v14 =	vor.u32 v14, v16;
	_ =	sdelay $0x1  }
0x2e7: {  	v13 =	vmul.f32 $8.000000000e+00, v13  }
0x2e8: {  	v23 =	vsel vm0, v47, v46;
	v16 =	vsel vm0, v35, v36  }
0x2e9: {  	v44 =	vcombine.low v23, v16;
	[tilespmem:v22+s23+$0x0] =	vst.idx.msk $0xffff, v13  }
0x2ea: {  	v13 =	vld.idx.msk [tilespmem:v14+s25+$0x0], $0xffff  }
0x2eb: {  	v14 =	vadd.s32 v44, v19;
	v44 =	vld [tilespmem:$0x1FD00];
	_ =	sdelay $0x1  }
0x2ec: {  	v9 =	vld [tilespmem:$0x1FEC0]  }
0x2ed: {  	v11 =	vld [tilespmem:$0x1FED0];
	v50 =	vand.u32 $0xFFFFFF80, v14  }
0x2ee: {  	v22 =	vadd.s32 v20, v50;
	v50 =	vld [tilespmem:$0x1FEB0]  }
0x2ef: {  	v24 =	vor.u32 s26, v44;
	v44 =	vld [tilespmem:$0x1FEA0]  }
0x2f0: {  	v14 =	vand.u32 $0x7F, v14  }
0x2f1: {  	v14 =	vor.u32 v14, v22;
	_ =	sdelay $0x1  }
0x2f2: {  	v13 =	vmul.f32 $8.000000000e+00, v13  }
0x2f3: {  	v25 =	vsel vm0, v11, v9;
	v22 =	vsel vm0, v50, v44  }
0x2f4: {  	[tilespmem:v24+s23+$0x0] =	vst.idx.msk $0xffff, v13;
	v26 =	vcombine.low v25, v22  }
0x2f5: {  	v13 =	vld.idx.msk [tilespmem:v14+s25+$0x0], $0xffff  }
0x2f6: {  	v14 =	vadd.s32 v26, v19;
	v26 =	vld [tilespmem:$0x1FD10];
	_ =	sdelay $0x3  }
0x2f7: {  	v24 =	vand.u32 $0xFFFFFF80, v14  }
0x2f8: {  	v14 =	vand.u32 $0x7F, v14;
	v24 =	vadd.s32 v20, v24;
	v26 =	vor.u32 s26, v26  }
0x2f9: {  	v14 =	vor.u32 v14, v24;
	_ =	sdelay $0x1  }
0x2fa: {  	v13 =	vmul.f32 $8.000000000e+00, v13;
	v24 =	vsel vm0, v27, v8;
	v27 =	vsel vm0, v2, v0;
	v2 =	vld [tilespmem:$0x1FD20]  }
0x2fb: {  	v28 =	vcombine.low v27, v24  }
0x2fc: {  	[tilespmem:v26+s23+$0x0] =	vst.idx.msk $0xffff, v13  }
0x2fd: {  	v13 =	vld.idx.msk [tilespmem:v14+s25+$0x0], $0xffff;
	v14 =	vadd.s32 v28, v19  }
0x2fe: {  	v26 =	vand.u32 $0xFFFFFF80, v14  }
0x2ff: {  	v28 =	vor.u32 s26, v2;
	v14 =	vand.u32 $0x7F, v14;
	v26 =	vadd.s32 v20, v26  }
0x300: {  	v14 =	vor.u32 v14, v26;
	_ =	sdelay $0x1  }
0x301: {  	v29 =	vsel vm0, v39, v29;
	v2 =	vld [tilespmem:$0x1FD30];
	v26 =	vsel vm0, v60, v51;
	v13 =	vmul.f32 $8.000000000e+00, v13  }
0x302: {  	v30 =	vcombine.low v29, v26  }
0x303: {  	[tilespmem:v28+s23+$0x0] =	vst.idx.msk $0xffff, v13  }
0x304: {  	v13 =	vld.idx.msk [tilespmem:v14+s25+$0x0], $0xffff;
	v14 =	vadd.s32 v30, v19  }
0x305: {  	v28 =	vand.u32 $0xFFFFFF80, v14  }
0x306: {  	v30 =	vor.u32 s26, v2;
	v14 =	vand.u32 $0x7F, v14;
	v28 =	vadd.s32 v20, v28  }
0x307: {  	v14 =	vor.u32 v14, v28;
	_ =	sdelay $0x1  }
0x308: {  	v2 =	vld [tilespmem:$0x1FD40];
	v13 =	vmul.f32 $8.000000000e+00, v13;
	_ =	sdelay $0x1  }
0x309: {  	v28 =	vsel vm0, v46, v35;
	v35 =	vsel vm0, v36, v47;
	[tilespmem:v30+s23+$0x0] =	vst.idx.msk $0xffff, v13  }
0x30a: {  	v36 =	vcombine.low v35, v28;
	v13 =	vld.idx.msk [tilespmem:v14+s25+$0x0], $0xffff;
	_ =	sdelay $0x1  }
0x30b: {  	v46 =	vor.u32 s26, v2;
	v14 =	vadd.s32 v36, v19  }
0x30c: {  	v30 =	vand.u32 $0xFFFFFF80, v14  }
0x30d: {  	v14 =	vand.u32 $0x7F, v14;
	v30 =	vadd.s32 v20, v30  }
0x30e: {  	v14 =	vor.u32 v14, v30;
	v13 =	vmul.f32 $8.000000000e+00, v13;
	_ =	sdelay $0x1  }
0x30f: {  	v44 =	vsel vm0, v44, v11;
	v30 =	vsel vm0, v9, v50;
	[tilespmem:v46+s23+$0x0] =	vst.idx.msk $0xffff, v13;
	v46 =	vld [tilespmem:$0x1FD50]  }
0x310: {  	v30 =	vcombine.low v44, v30;
	_ =	sdelay $0x1  }
0x311: {  	v13 =	vld.idx.msk [tilespmem:v14+s25+$0x0], $0xffff;
	v14 =	vadd.s32 v30, v19  }
0x312: {  	v30 =	vand.u32 $0xFFFFFF80, v14  }
0x313: {  	v14 =	vand.u32 $0x7F, v14;
	v30 =	vadd.s32 v20, v30;
	v36 =	vor.u32 s26, v46  }
0x314: {  	v14 =	vor.u32 v14, v30;
	_ =	sdelay $0x1  }
0x315: {  	v15 =	vcombine.low v15, v17;
	v17 =	vld [tilespmem:$0x1FD60];
	v13 =	vmul.f32 $8.000000000e+00, v13;
	_ =	sdelay $0x1  }
0x316: {  	[tilespmem:v36+s23+$0x0] =	vst.idx.msk $0xffff, v13  }
0x317: {  	v13 =	vld.idx.msk [tilespmem:v14+s25+$0x0], $0xffff;
	_ =	sdelay $0x1  }
0x318: {  	v17 =	vor.u32 s26, v17;
	v14 =	vadd.s32 v15, v19  }
0x319: {  	v15 =	vand.u32 $0xFFFFFF80, v14  }
0x31a: {  	v14 =	vand.u32 $0x7F, v14;
	v15 =	vadd.s32 v20, v15  }
0x31b: {  	v14 =	vor.u32 v14, v15;
	v13 =	vmul.f32 $8.000000000e+00, v13;
	_ =	sdelay $0x1  }
0x31c: {  	[tilespmem:v17+s23+$0x0] =	vst.idx.msk $0xffff, v13;
	v17 =	vld [tilespmem:$0x1FD70]  }
0x31d: {  	v15 =	vcombine.low v18, v21;
	_ =	sdelay $0x1  }
0x31e: {  	v13 =	vld.idx.msk [tilespmem:v14+s25+$0x0], $0xffff;
	v14 =	vadd.s32 v15, v19  }
0x31f: {  	v15 =	vand.u32 $0xFFFFFF80, v14  }
0x320: {  	v14 =	vand.u32 $0x7F, v14;
	v15 =	vadd.s32 v20, v15;
	v17 =	vor.u32 s26, v17  }
0x321: {  	v14 =	vor.u32 v14, v15;
	_ =	sdelay $0x1  }
0x322: {  	v15 =	vcombine.low v16, v23;
	v16 =	vld [tilespmem:$0x1FD80];
	v13 =	vmul.f32 $8.000000000e+00, v13;
	_ =	sdelay $0x1  }
0x323: {  	[tilespmem:v17+s23+$0x0] =	vst.idx.msk $0xffff, v13  }
0x324: {  	v13 =	vld.idx.msk [tilespmem:v14+s25+$0x0], $0xffff;
	_ =	sdelay $0x1  }
0x325: {  	v16 =	vor.u32 s26, v16;
	v14 =	vadd.s32 v15, v19  }
0x326: {  	v15 =	vand.u32 $0xFFFFFF80, v14  }
0x327: {  	v14 =	vand.u32 $0x7F, v14;
	v15 =	vadd.s32 v20, v15  }
0x328: {  	v14 =	vor.u32 v14, v15;
	v13 =	vmul.f32 $8.000000000e+00, v13;
	_ =	sdelay $0x1  }
0x329: {  	[tilespmem:v16+s23+$0x0] =	vst.idx.msk $0xffff, v13;
	v16 =	vld [tilespmem:$0x1FD90];
	_ =	sdelay $0x2  }
0x32a: {  	v15 =	vcombine.low v22, v25;
	v13 =	vld.idx.msk [tilespmem:v14+s25+$0x0], $0xffff;
	_ =	sdelay $0x1  }
0x32b: {  	v14 =	vadd.s32 v15, v19;
	v16 =	vor.u32 s26, v16  }
0x32c: {  	v15 =	vand.u32 $0xFFFFFF80, v14  }
0x32d: {  	v14 =	vand.u32 $0x7F, v14;
	v15 =	vadd.s32 v20, v15  }
0x32e: {  	v14 =	vor.u32 v14, v15;
	v13 =	vmul.f32 $8.000000000e+00, v13;
	_ =	sdelay $0x1  }
0x32f: {  	[tilespmem:v16+s23+$0x0] =	vst.idx.msk $0xffff, v13;
	v16 =	vld [tilespmem:$0x1FDA0];
	_ =	sdelay $0x2  }
0x330: {  	v15 =	vcombine.low v24, v27;
	v13 =	vld.idx.msk [tilespmem:v14+s25+$0x0], $0xffff;
	_ =	sdelay $0x1  }
0x331: {  	v14 =	vadd.s32 v15, v19;
	v16 =	vor.u32 s26, v16  }
0x332: {  	v15 =	vand.u32 $0xFFFFFF80, v14  }
0x333: {  	v14 =	vand.u32 $0x7F, v14;
	v15 =	vadd.s32 v20, v15  }
0x334: {  	v14 =	vor.u32 v14, v15;
	v13 =	vmul.f32 $8.000000000e+00, v13;
	_ =	sdelay $0x1  }
0x335: {  	[tilespmem:v16+s23+$0x0] =	vst.idx.msk $0xffff, v13;
	v16 =	vld [tilespmem:$0x1FDB0];
	_ =	sdelay $0x2  }
0x336: {  	v15 =	vcombine.low v26, v29;
	v13 =	vld.idx.msk [tilespmem:v14+s25+$0x0], $0xffff;
	_ =	sdelay $0x1  }
0x337: {  	v14 =	vadd.s32 v15, v19;
	v16 =	vor.u32 s26, v16  }
0x338: {  	v15 =	vand.u32 $0xFFFFFF80, v14  }
0x339: {  	v14 =	vand.u32 $0x7F, v14;
	v15 =	vadd.s32 v20, v15  }
0x33a: {  	v14 =	vor.u32 v14, v15;
	v13 =	vmul.f32 $8.000000000e+00, v13;
	_ =	sdelay $0x1  }
0x33b: {  	[tilespmem:v16+s23+$0x0] =	vst.idx.msk $0xffff, v13;
	v16 =	vld [tilespmem:$0x1FDC0];
	_ =	sdelay $0x2  }
0x33c: {  	v15 =	vcombine.low v28, v35;
	v13 =	vld.idx.msk [tilespmem:v14+s25+$0x0], $0xffff;
	_ =	sdelay $0x1  }
0x33d: {  	v14 =	vadd.s32 v15, v19;
	v16 =	vor.u32 s26, v16  }
0x33e: {  	v15 =	vand.u32 $0xFFFFFF80, v14  }
0x33f: {  	v14 =	vand.u32 $0x7F, v14;
	v15 =	vadd.s32 v20, v15  }
0x340: {  	v11 =	vld [tilespmem:$0x1FEF0];
	v14 =	vor.u32 v14, v15;
	v13 =	vmul.f32 $8.000000000e+00, v13  }
0x341: {  	v9 =	vld [tilespmem:$0x1FEE0]  }
0x342: {  	[tilespmem:v16+s23+$0x0] =	vst.idx.msk $0xffff, v13;
	v16 =	vld [tilespmem:$0x1FDD0]  }
0x343: {  	v47 =	vlaneseq.u32;
	v27 =	vld [tilespmem:$0x1FF00]  }
0x344: {  	v28 =	vld [tilespmem:$0x1FF10];
	v13 =	vor.u32 $0x30, v47  }
0x345: {  	v14 =	vld.idx.msk [tilespmem:v14+s25+$0x0], $0xffff;
	v13 =	vadd.s32 v13, v19  }
0x346: {  	v15 =	vand.u32 $0xFFFFFF80, v13  }
0x347: {  	v13 =	vand.u32 $0x7F, v13;
	v15 =	vadd.s32 v20, v15;
	v16 =	vor.u32 s26, v16  }
0x348: {  	v13 =	vor.u32 v13, v15  }
0x349: {  	v30 =	vld [tilespmem:$0x1FF30]  }
0x34a: {  	v36 =	vld [tilespmem:$0x1FF50];
	v17 =	vsel vm0, v28, v27;
	v15 =	vsel vm0, v11, v9;
	v14 =	vmul.f32 $8.000000000e+00, v14  }
0x34b: {  	v29 =	vld [tilespmem:$0x1FF20];
	v18 =	vcombine.low v17, v15  }
0x34c: {  	v35 =	vld [tilespmem:$0x1FF40];
	[tilespmem:v16+s23+$0x0] =	vst.idx.msk $0xffff, v14  }
0x34d: {  	v14 =	vadd.s32 v18, v19;
	v13 =	vld.idx.msk [tilespmem:v13+s25+$0x0], $0xffff  }
0x34e: {  	v16 =	vor.u32 $0x1800, v12;
	v18 =	vand.u32 $0xFFFFFF80, v14  }
0x34f: {  	v16 =	vor.u32 s26, v16;
	v14 =	vand.u32 $0x7F, v14;
	v18 =	vadd.s32 v20, v18  }
0x350: {  	v6 =	vmov v3;
	v3 =	vmov v63;
	v14 =	vor.u32 v14, v18  }
0x351: {  	v63 =	vmovc v62;
	v62 =	vmovc v61;
	v61 =	vmov v49;
	v49 =	vld [tilespmem:$0x1FDE0];
	v2 =	vmov v60;
	v60 =	vmov v39  }
0x352: {  	v39 =	vmovc v48;
	v48 =	vmovc v37;
	v37 =	vld [tilespmem:$0x1FF60];
	v21 =	vsel vm0, v36, v35;
	v18 =	vsel vm0, v30, v29;
	v13 =	vmul.f32 $8.000000000e+00, v13  }
0x353: {  	v44 =	vld [tilespmem:$0x1FF70];
	v47 =	vcombine.low v21, v18  }
0x354: {  	v46 =	vld [tilespmem:$0x1FF80];
	[tilespmem:v16+s23+$0x0] =	vst.idx.msk $0xffff, v13  }
0x355: {  	v13 =	vld.idx.msk [tilespmem:v14+s25+$0x0], $0xffff;
	v14 =	vadd.s32 v47, v19  }
0x356: {  	v47 =	vld [tilespmem:$0x1FF90];
	v16 =	vand.u32 $0xFFFFFF80, v14  }
0x357: {  	v22 =	vor.u32 s26, v49;
	v14 =	vand.u32 $0x7F, v14;
	v16 =	vadd.s32 v20, v16  }
0x358: {  	v14 =	vor.u32 v14, v16;
	_ =	sdelay $0x1  }
0x359: {  	v13 =	vmul.f32 $8.000000000e+00, v13  }
0x35a: {  	v16 =	vsel vm0, v44, v37;
	v23 =	vsel vm0, v47, v46  }
0x35b: {  	v50 =	vcombine.low v23, v16;
	[tilespmem:v22+s23+$0x0] =	vst.idx.msk $0xffff, v13  }
0x35c: {  	v13 =	vld.idx.msk [tilespmem:v14+s25+$0x0], $0xffff  }
0x35d: {  	v14 =	vadd.s32 v50, v19;
	v50 =	vld [tilespmem:$0x1FDF0];
	_ =	sdelay $0x1  }
0x35e: {  	v7 =	vmov v4;
	v4 =	vmov v51;
	v51 =	vmov v0;
	v0 =	vld [tilespmem:$0x1FFD0]  }
0x35f: {  	v8 =	vmovc v5;
	v5 =	vmov v1;
	v1 =	vmov v12;
	v12 =	vld [tilespmem:$0x1FFC0];
	v49 =	vand.u32 $0xFFFFFF80, v14  }
0x360: {  	v22 =	vadd.s32 v20, v49;
	v49 =	vld [tilespmem:$0x1FFA0]  }
0x361: {  	v24 =	vor.u32 s26, v50;
	v50 =	vld [tilespmem:$0x1FFB0]  }
0x362: {  	v14 =	vand.u32 $0x7F, v14  }
0x363: {  	v14 =	vor.u32 v14, v22;
	_ =	sdelay $0x1  }
0x364: {  	v13 =	vmul.f32 $8.000000000e+00, v13  }
0x365: {  	v25 =	vsel vm0, v0, v12;
	v22 =	vsel vm0, v50, v49  }
0x366: {  	[tilespmem:v24+s23+$0x0] =	vst.idx.msk $0xffff, v13;
	v26 =	vcombine.low v25, v22  }
0x367: {  	v13 =	vld.idx.msk [tilespmem:v14+s25+$0x0], $0xffff  }
0x368: {  	v14 =	vadd.s32 v26, v19;
	v26 =	vld [tilespmem:$0x1FE00];
	_ =	sdelay $0x3  }
0x369: {  	v24 =	vand.u32 $0xFFFFFF80, v14  }
0x36a: {  	v14 =	vand.u32 $0x7F, v14;
	v24 =	vadd.s32 v20, v24;
	v26 =	vor.u32 s26, v26  }
0x36b: {  	v14 =	vor.u32 v14, v24;
	_ =	sdelay $0x1  }
0x36c: {  	v13 =	vmul.f32 $8.000000000e+00, v13  }
0x36d: {  	v24 =	vsel vm0, v27, v11;
	v27 =	vsel vm0, v9, v28  }
0x36e: {  	v28 =	vcombine.low v27, v24;
	[tilespmem:v26+s23+$0x0] =	vst.idx.msk $0xffff, v13  }
0x36f: {  	v13 =	vld.idx.msk [tilespmem:v14+s25+$0x0], $0xffff  }
0x370: {  	v14 =	vadd.s32 v28, v19;
	v28 =	vld [tilespmem:$0x1FE10];
	_ =	sdelay $0x3  }
0x371: {  	v26 =	vand.u32 $0xFFFFFF80, v14  }
0x372: {  	v14 =	vand.u32 $0x7F, v14;
	v26 =	vadd.s32 v20, v26;
	v28 =	vor.u32 s26, v28  }
0x373: {  	v14 =	vor.u32 v14, v26;
	_ =	sdelay $0x1  }
0x374: {  	v13 =	vmul.f32 $8.000000000e+00, v13  }
0x375: {  	v29 =	vsel vm0, v29, v36;
	v26 =	vsel vm0, v35, v30  }
0x376: {  	v30 =	vcombine.low v29, v26;
	[tilespmem:v28+s23+$0x0] =	vst.idx.msk $0xffff, v13  }
0x377: {  	v13 =	vld.idx.msk [tilespmem:v14+s25+$0x0], $0xffff  }
0x378: {  	v14 =	vadd.s32 v30, v19;
	v30 =	vld [tilespmem:$0x1FE20];
	_ =	sdelay $0x3  }
0x379: {  	v28 =	vand.u32 $0xFFFFFF80, v14  }
0x37a: {  	v14 =	vand.u32 $0x7F, v14;
	v28 =	vadd.s32 v20, v28;
	v30 =	vor.u32 s26, v30  }
0x37b: {  	v14 =	vor.u32 v14, v28;
	_ =	sdelay $0x1  }
0x37c: {  	v28 =	vsel vm0, v46, v44;
	v44 =	vsel vm0, v37, v47;
	v47 =	vld [tilespmem:$0x1FE30];
	v13 =	vmul.f32 $8.000000000e+00, v13  }
0x37d: {  	v46 =	vcombine.low v44, v28  }
0x37e: {  	[tilespmem:v30+s23+$0x0] =	vst.idx.msk $0xffff, v13  }
0x37f: {  	v13 =	vld.idx.msk [tilespmem:v14+s25+$0x0], $0xffff;
	v14 =	vadd.s32 v46, v19  }
0x380: {  	v30 =	vand.u32 $0xFFFFFF80, v14  }
0x381: {  	v36 =	vor.u32 s26, v47;
	v14 =	vand.u32 $0x7F, v14;
	v30 =	vadd.s32 v20, v30  }
0x382: {  	v14 =	vor.u32 v14, v30;
	_ =	sdelay $0x1  }
0x383: {  	v49 =	vsel vm0, v49, v0;
	v30 =	vsel vm0, v12, v50;
	v50 =	vld [tilespmem:$0x1FE40];
	v13 =	vmul.f32 $8.000000000e+00, v13  }
0x384: {  	v30 =	vcombine.low v49, v30  }
0x385: {  	[tilespmem:v36+s23+$0x0] =	vst.idx.msk $0xffff, v13  }
0x386: {  	v13 =	vld.idx.msk [tilespmem:v14+s25+$0x0], $0xffff;
	v14 =	vadd.s32 v30, v19  }
0x387: {  	v30 =	vand.u32 $0xFFFFFF80, v14  }
0x388: {  	v36 =	vor.u32 s26, v50;
	v14 =	vand.u32 $0x7F, v14;
	v30 =	vadd.s32 v20, v30  }
0x389: {  	v14 =	vor.u32 v14, v30;
	_ =	sdelay $0x1  }
0x38a: {  	v13 =	vmul.f32 $8.000000000e+00, v13  }
0x38b: {  	v15 =	vcombine.low v15, v17  }
0x38c: {  	[tilespmem:v36+s23+$0x0] =	vst.idx.msk $0xffff, v13  }
0x38d: {  	v13 =	vld.idx.msk [tilespmem:v14+s25+$0x0], $0xffff;
	v14 =	vadd.s32 v15, v19  }
0x38e: {  	v15 =	vand.u32 $0xFFFFFF80, v14  }
0x38f: {  	v17 =	vor.u32 s26, v52;
	v14 =	vand.u32 $0x7F, v14;
	v15 =	vadd.s32 v20, v15  }
0x390: {  	v14 =	vor.u32 v14, v15;
	_ =	sdelay $0x1  }
0x391: {  	v13 =	vmul.f32 $8.000000000e+00, v13  }
0x392: {  	v15 =	vcombine.low v18, v21  }
0x393: {  	[tilespmem:v17+s23+$0x0] =	vst.idx.msk $0xffff, v13  }
0x394: {  	v13 =	vld.idx.msk [tilespmem:v14+s25+$0x0], $0xffff;
	v14 =	vadd.s32 v15, v19  }
0x395: {  	v15 =	vand.u32 $0xFFFFFF80, v14  }
0x396: {  	v17 =	vor.u32 s26, v53;
	v14 =	vand.u32 $0x7F, v14;
	v15 =	vadd.s32 v20, v15  }
0x397: {  	v14 =	vor.u32 v14, v15;
	_ =	sdelay $0x1  }
0x398: {  	v13 =	vmul.f32 $8.000000000e+00, v13  }
0x399: {  	v15 =	vcombine.low v16, v23  }
0x39a: {  	[tilespmem:v17+s23+$0x0] =	vst.idx.msk $0xffff, v13  }
0x39b: {  	v13 =	vld.idx.msk [tilespmem:v14+s25+$0x0], $0xffff;
	v14 =	vadd.s32 v15, v19  }
0x39c: {  	v15 =	vand.u32 $0xFFFFFF80, v14  }
0x39d: {  	v16 =	vor.u32 s26, v54;
	v14 =	vand.u32 $0x7F, v14;
	v15 =	vadd.s32 v20, v15  }
0x39e: {  	v14 =	vor.u32 v14, v15;
	_ =	sdelay $0x1  }
0x39f: {  	v13 =	vmul.f32 $8.000000000e+00, v13  }
0x3a0: {  	v15 =	vcombine.low v22, v25  }
0x3a1: {  	[tilespmem:v16+s23+$0x0] =	vst.idx.msk $0xffff, v13  }
0x3a2: {  	v13 =	vld.idx.msk [tilespmem:v14+s25+$0x0], $0xffff;
	v14 =	vadd.s32 v15, v19  }
0x3a3: {  	v15 =	vand.u32 $0xFFFFFF80, v14  }
0x3a4: {  	v16 =	vor.u32 s26, v55;
	v14 =	vand.u32 $0x7F, v14;
	v15 =	vadd.s32 v20, v15  }
0x3a5: {  	v14 =	vor.u32 v14, v15;
	_ =	sdelay $0x1  }
0x3a6: {  	v13 =	vmul.f32 $8.000000000e+00, v13  }
0x3a7: {  	v15 =	vcombine.low v24, v27  }
0x3a8: {  	[tilespmem:v16+s23+$0x0] =	vst.idx.msk $0xffff, v13  }
0x3a9: {  	v13 =	vld.idx.msk [tilespmem:v14+s25+$0x0], $0xffff;
	v14 =	vadd.s32 v15, v19  }
0x3aa: {  	v15 =	vand.u32 $0xFFFFFF80, v14  }
0x3ab: {  	v16 =	vor.u32 s26, v56;
	v14 =	vand.u32 $0x7F, v14;
	v15 =	vadd.s32 v20, v15  }
0x3ac: {  	v14 =	vor.u32 v14, v15;
	_ =	sdelay $0x1  }
0x3ad: {  	v13 =	vmul.f32 $8.000000000e+00, v13  }
0x3ae: {  	v15 =	vcombine.low v26, v29  }
0x3af: {  	[tilespmem:v16+s23+$0x0] =	vst.idx.msk $0xffff, v13  }
0x3b0: {  	v13 =	vld.idx.msk [tilespmem:v14+s25+$0x0], $0xffff;
	v14 =	vadd.s32 v15, v19  }
0x3b1: {  	v15 =	vand.u32 $0xFFFFFF80, v14  }
0x3b2: {  	v16 =	vor.u32 s26, v57;
	v14 =	vand.u32 $0x7F, v14;
	v15 =	vadd.s32 v20, v15  }
0x3b3: {  	v14 =	vor.u32 v14, v15;
	_ =	sdelay $0x1  }
0x3b4: {  	v13 =	vmul.f32 $8.000000000e+00, v13  }
0x3b5: {  	v15 =	vcombine.low v28, v44  }
0x3b6: {  	[tilespmem:v16+s23+$0x0] =	vst.idx.msk $0xffff, v13  }
0x3b7: {  	v13 =	vld.idx.msk [tilespmem:v14+s25+$0x0], $0xffff;
	v14 =	vadd.s32 v15, v19  }
0x3b8: {  	v15 =	vand.u32 $0xFFFFFF80, v14  }
0x3b9: {  	v16 =	vor.u32 s26, v58;
	v14 =	vand.u32 $0x7F, v14;
	v15 =	vadd.s32 v20, v15  }
0x3ba: {  	v14 =	vor.u32 v14, v15;
	_ =	sdelay $0x1  }
0x3bb: {  	v13 =	vmul.f32 $8.000000000e+00, v13;
	_ =	sdelay $0x1  }
0x3bc: {  	[tilespmem:v16+s23+$0x0] =	vst.idx.msk $0xffff, v13  }
0x3bd: {  	v13 =	vld.idx.msk [tilespmem:v14+s25+$0x0], $0xffff;
	_ =	sdelay $0x2  }
0x3be: {  	v14 =	vor.u32 s26, v59  }
0x3bf: {  	p1 =	sne.s32 s26, $0x70  }
.Ltmp1:
0x3c0: {  	v0 =	vmov v51;
	v51 =	vmov v4;
	v13 =	vmul.f32 $8.000000000e+00, v13;
	(pc) =	sbr.rel @p1 .LBB2_5-.Ltmp1, $4  }
0x3c1: {  	v4 =	vmovc v7;
	v35 =	vmovc v38;
	v38 =	vmov v32;
	v37 =	vmov v48;
	v48 =	vmov v39  }
0x3c2: {  	v39 =	vmovc v60;
	v60 =	vmovc v2;
	v2 =	vlaneseq.u32;
	v12 =	vmov v1;
	v1 =	vmov v5  }
0x3c3: {  	v5 =	vmovc v8;
	v49 =	vmovc v61;
	v61 =	vmov v62;
	v62 =	vmov v63;
	v63 =	vmov v3;
	[tilespmem:v14+s23+$0x0] =	vst.idx.msk $0xffff, v13;
	v14 =	vld [tilespmem:$0x1FFF0]  }
0x3c4: {  	s24 =	sadd.s32 $0x10, s24;
	v3 =	vmovc v6;
	v36 =	vmovc v40;
	v15 =	vmov v33;
	v16 =	vmov v34;
	s26 =	sadd.s32 $0x10, s26;
	v13 =	vmov v41;
	v41 =	vld [tilespmem:$0x1FFE0]  }
0x3c5: {  	s22 =	sadd.s32 s1, s22  }
0x3c6: {  	s24 =	sshrl.u32 s22, $0x7  }
0x3c7: {  	s22 =	sshll.u32 s22, $0xA;
	s25 =	sshll.u32 s24, $0x11  }
0x3c8: {  	p1 =	sne.s32 s21, $0xC8;
	s24 =	sshll.u32 s24, $0x14;
	s22 =	ssub.s32 s22, s25  }
.Ltmp2:
0x3c9: {  	s22 =	sadd.s32 s24, s22;
	(pc) =	sbr.rel @p1 .LBB2_2-.Ltmp2, $4  }
0x3ca: {  	s22 =	sshrl.u32 s22, $0x3  }
0x3cb: {  	s22 =	sadd.s32 s4, s22  }
0x3cc: {  	[hbm4b:s22+s16] =	stream.strided.scatter [tilespmem:s23], [sflag:$0x3], $0x2000, s18, s16, $0x38;
	[tilespmem:$0xCA00] =	vst v63  }
0x3cd: {  	p0 =	por !p0, !p0;
	s22 =	smov.u32 s21  }
0x3ce: {  	s20 =	sadd.s32 $0x1, s20  }
0x3cf: {  	_ =	swait.ge [sflag:s19], $0x2000;
	p0 =	sne.s32 s20, s12  }
.Ltmp3:
0x3d0: {  	[sflag:s19] =	ssyncset.done $0x0;
	(pc) =	sbr.rel @p0 .LBB2_1-.Ltmp3, $4  }
0x3d1: {  	[sflag:s19] =	ssyncadd.s32 $0xFFFFE000  }
0x3d2: {  	_ =	swait.ge [sflag:s19], $0x2000  }
0x3d3: {  	[sflag:s19] =	ssyncset.done $0x0  }
0x3d4: {  	[sflag:s19] =	ssyncadd.s32 $0xFFFFE000  }
0x3d5: {  	_ =	sfence.sel $0x180000  }
0x3d6: {  	[bflag:$0x0] =	sbarrier.arrive $0xFFFF  }
0x3d7: {  	p0 =	sne.s32 s0, $0x0;
	_ =	strace $0x90000047  }
0x3d8: {  	s0 =	sadd.s32 @!p0 $0x100000, s3;
	[bflag:$0x2] =	sbarrier.arrive $0xFFFF  }
0x3d9: {  	[sflag:s0] =	ssyncadd.tile.s32 @!p0 $0x1;
	_ =	shalt  }
.Lfunc_end2:
_tile_overlayer_lowered:
.L_overlay_start_2:
0x3da: {  	(tag) =	ssettag $0x2  }
0x3db: {  	s0 =	rddreg [dreg:$0x0];
	s2 =	stileid.u32  }
0x3dc: {  	s1 =	rddreg [dreg:$0x1];
	p0 =	sne.s32 s2, $0x0  }
0x3dd: {  	s3 =	rddreg [dreg:$0x2];
	[bflag:$0x3] =	sbarrier.arrive $0xFFFF;
	s2 =	simm.s32 @!p0 $0x1C04  }
0x3de: {  	[timem:s3], [sflag:s2] =	dma.local @!p0 [hbm:s0], s1  }
0x3df: {  	s0 =	simm.s32 @!p0 $0x4  }
0x3e0: {  	_ =	swait.ge @!p0 [sflag:s0], s1  }
0x3e1: {  	s1 =	ssub.s32 @!p0 $0x0, s1;
	[sflag:s0] =	ssyncset.done @!p0 $0x0  }
0x3e2: {  	[sflag:s0] =	ssyncadd.s32 @!p0 s1  }
0x3e3: {  	[bflag:$0x3] =	sbarrier.arrive $0xFFFF  }
0x3e4: {  	_ =	shalt  }

</sc_bundles>
